<compile_context>
chip_gen: v7x
topology: tpu7x:2x2x1
jax: 0.10.2.dev20260603
libtpu: 0.0.44.dev20260713+nightly
codegen_flags: <defaults>
</compile_context>

<pallas_src>
import functools

import numpy as np

import jax
import jax.numpy as jnp
from jax import lax
from jax.experimental import pallas as pl
from jax.experimental.pallas import tpu as pltpu
from jax.experimental.pallas import tpu_sc as plsc

NC = 2
NS = 16
NW = NC * NS
LANES = 16
CHUNK = 128
NBUF = 8


def _make_deg_kernel(npad, ept):
    mesh = plsc.VectorSubcoreMesh(core_axis_name="c", subcore_axis_name="s")

    @functools.partial(
        pl.kernel,
        out_type=jax.ShapeDtypeStruct((NW, npad), jnp.float32),
        mesh=mesh,
        scratch_types=[
            pltpu.VMEM((npad,), jnp.float32),
            pltpu.VMEM((ept // CHUNK, CHUNK), jnp.int32),
        ],
        compiler_params=pltpu.CompilerParams(needs_layout_passes=False),
    )
    def deg_kernel(edge_hbm, out_hbm, hist, cols):
        c = lax.axis_index("c")
        s = lax.axis_index("s")
        w = c * NS + s
        base = pl.multiple_of(w * (ept // CHUNK), ept // CHUNK)
        pltpu.sync_copy(edge_hbm.at[1, pl.ds(base, ept // CHUNK)], cols)

        zero = jnp.zeros((LANES,), jnp.float32)

        def zbody(i, _):
            hist[pl.ds(pl.multiple_of(i * LANES, LANES), LANES)] = zero
            return 0

        lax.fori_loop(0, npad // LANES, zbody, 0)

        ones = jnp.ones((LANES,), jnp.float32)

        def body(r, _):
            for b in range(CHUNK // LANES):
                idx = cols[r, pl.ds(b * LANES, LANES)]
                plsc.addupdate_scatter(hist, [idx], ones)
            return 0

        lax.fori_loop(0, ept // CHUNK, body, 0)
        pltpu.sync_copy(hist, out_hbm.at[w])

    return deg_kernel


def _make_scatter_kernel(npad, ept, d):
    mesh = plsc.VectorSubcoreMesh(core_axis_name="c", subcore_axis_name="s")
    nchunks = ept // CHUNK
    rps = npad // NS
    assert nchunks % NBUF == 0

    @functools.partial(
        pl.kernel,
        out_type=jax.ShapeDtypeStruct((NC, npad, d), jnp.float32),
        mesh=mesh,
        scratch_types=[
            pltpu.VMEM_SHARED((npad, d), jnp.float32),
            pltpu.VMEM((nchunks, CHUNK), jnp.int32),
            pltpu.VMEM((nchunks, CHUNK), jnp.int32),
            pltpu.VMEM((NBUF, CHUNK, d), jnp.float32),
        ] + [pltpu.SemaphoreType.DMA] * (2 * NBUF),
        compiler_params=pltpu.CompilerParams(use_tc_tiling_on_sc=False),
    )
    def scat_kernel(edge_hbm, z_hbm, zero_hbm, out_hbm,
                    acc, rows2d, cols2d, bufs, *sems):
        c = lax.axis_index("c")
        s = lax.axis_index("s")
        cbase = pl.multiple_of((c * NS + s) * nchunks, nchunks)
        nbase = pl.multiple_of(s * rps, rps)

        pltpu.sync_copy(zero_hbm, acc.at[pl.ds(nbase, rps)])
        pltpu.sync_copy(edge_hbm.at[0, pl.ds(cbase, nchunks)], rows2d)
        pltpu.sync_copy(edge_hbm.at[1, pl.ds(cbase, nchunks)], cols2d)
        plsc.subcore_barrier()

        def body(t, _):
            j = pl.multiple_of(t * NBUF, NBUF)
            gh = [
                pltpu.async_copy(z_hbm.at[rows2d.at[j + b]], bufs.at[b], sems[b])
                for b in range(NBUF)
            ]
            sh = []
            for b in range(NBUF):
                gh[b].wait()
                sh.append(pltpu.async_copy(
                    bufs.at[b], acc.at[cols2d.at[j + b]], sems[NBUF + b],
                    add=True))
            for h in sh:
                h.wait()
            return 0

        lax.fori_loop(0, nchunks // NBUF, body, 0)
        plsc.subcore_barrier()
        pltpu.sync_copy(acc.at[pl.ds(nbase, rps)],
                        out_hbm.at[c, pl.ds(nbase, rps)])

    return scat_kernel


def _tc_z1(deg_p, x, w1, npad, d_in, d_h, bm=1024):
    def body(dp_ref, x_ref, w_ref, degs_ref, z1_ref):
        deg = jnp.sum(dp_ref[...], axis=0) + 1.0
        dinv = lax.rsqrt(deg)[:, None]
        xw = jnp.dot(x_ref[...], w_ref[...], preferred_element_type=jnp.float32)
        degs_ref[...] = deg[None, :]
        z1_ref[...] = xw * dinv

    return pl.pallas_call(
        body,
        grid=(npad // bm,),
        in_specs=[
            pl.BlockSpec((NW, bm), lambda i: (0, i)),
            pl.BlockSpec((bm, d_in), lambda i: (i, 0)),
            pl.BlockSpec((d_in, d_h), lambda i: (0, 0)),
        ],
        out_specs=[
            pl.BlockSpec((1, bm), lambda i: (0, i)),
            pl.BlockSpec((bm, d_h), lambda i: (i, 0)),
        ],
        out_shape=[
            jax.ShapeDtypeStruct((1, npad), jnp.float32),
            jax.ShapeDtypeStruct((npad, d_h), jnp.float32),
        ],
    )(deg_p, x, w1)


def _tc_layer1_combine(s1_pw, z1w, dinvw, dinv64, b1w, w2bd,
                       npad, d_h, d_out, bm=1024):
    wr = bm * d_h // 128

    def body(sp_ref, z1_ref, dw_ref, d64_ref, b1_ref, w2_ref, z2_ref):
        total = sp_ref[0] + sp_ref[1] + z1_ref[...]
        h = jnp.maximum(total * dw_ref[...] + b1_ref[...], 0.0)
        z2_ref[...] = jnp.dot(
            h, w2_ref[...], preferred_element_type=jnp.float32) * d64_ref[...]

    return pl.pallas_call(
        body,
        grid=(npad // bm,),
        in_specs=[
            pl.BlockSpec((NC, wr, 128), lambda i: (0, i, 0)),
            pl.BlockSpec((wr, 128), lambda i: (i, 0)),
            pl.BlockSpec((wr, 128), lambda i: (i, 0)),
            pl.BlockSpec((wr, 4 * d_out), lambda i: (i, 0)),
            pl.BlockSpec((1, 128), lambda i: (0, 0)),
            pl.BlockSpec((128, 4 * d_out), lambda i: (0, 0)),
        ],
        out_specs=pl.BlockSpec((wr, 4 * d_out), lambda i: (i, 0)),
        out_shape=jax.ShapeDtypeStruct((npad // 4, 4 * d_out), jnp.float32),
    )(s1_pw, z1w, dinvw, dinv64, b1w, w2bd)


def _tc_layer2_combine(s2_pw, z2w, dinv16w, b2w, n, d_out, bm=1024):
    nw_rows = n * d_out // 128
    wo = 128
    grid = (nw_rows + wo - 1) // wo

    def body(sp_ref, z2_ref, dw_ref, b2_ref, out_ref):
        total = sp_ref[0] + sp_ref[1] + z2_ref[...]
        out_ref[...] = total * dw_ref[...] + b2_ref[...]

    return pl.pallas_call(
        body,
        grid=(grid,),
        in_specs=[
            pl.BlockSpec((NC, wo, 128), lambda i: (0, i, 0)),
            pl.BlockSpec((wo, 128), lambda i: (i, 0)),
            pl.BlockSpec((wo, 128), lambda i: (i, 0)),
            pl.BlockSpec((1, 128), lambda i: (0, 0)),
        ],
        out_specs=pl.BlockSpec((wo, 128), lambda i: (i, 0)),
        out_shape=jax.ShapeDtypeStruct((nw_rows, 128), jnp.float32),
    )(s2_pw, z2w, dinv16w, b2w)


def kernel(x, edge_index, W1, b1, W2, b2):
    n, d_in = x.shape
    d_h = W1.shape[1]
    d_out = W2.shape[1]
    e = edge_index.shape[1]

    npad = ((n + NS * LANES - 1) // (NS * LANES)) * (NS * LANES)
    egran = NW * CHUNK * NBUF
    epad = ((e + egran - 1) // egran) * egran
    ept = epad // NW

    pad = epad - e
    epad_c = jnp.asarray(np.stack([
        np.arange(pad, dtype=np.int32) % n,
        n + np.arange(pad, dtype=np.int32) % (npad - n)]))
    edge3 = jnp.concatenate(
        [edge_index.astype(jnp.int32), epad_c], axis=1
    ).reshape(2, epad // CHUNK, CHUNK)

    xp = jnp.concatenate(
        [x, jnp.zeros((npad - n, d_in), jnp.float32)]) if npad != n else x
    zero_h = jnp.zeros((npad // NS, d_h), jnp.float32)
    zero_o = jnp.zeros((npad // NS, d_out), jnp.float32)

    deg_p = _make_deg_kernel(npad, ept)(edge3)
    degs, z1 = _tc_z1(deg_p, xp, W1, npad, d_in, d_h)

    z1w = z1.reshape(npad * d_h // 128, 128)
    dinv = lax.rsqrt(degs[0])
    dinvw = jnp.repeat(dinv, d_h).reshape(npad * d_h // 128, 128)
    dinv16 = jnp.repeat(dinv, d_out)
    dinv64 = dinv16.reshape(npad // 4, 4 * d_out)
    dinv16w = dinv16.reshape(npad * d_out // 128, 128)
    w2bd = jnp.kron(jnp.eye(4, dtype=jnp.float32), W2)
    b1w = jnp.tile(b1, 4).reshape(1, 128)
    b2w = jnp.tile(b2, 128 // d_out).reshape(1, 128)

    s1_p = _make_scatter_kernel(npad, ept, d_h)(
        edge3, z1w.reshape(npad, d_h), zero_h)
    z2p = _tc_layer1_combine(
        s1_p.reshape(NC, npad * d_h // 128, 128), z1w, dinvw, dinv64,
        b1w, w2bd, npad, d_h, d_out)
    z2n = z2p.reshape(npad, d_out)
    s2_p = _make_scatter_kernel(npad, ept, d_out)(edge3, z2n, zero_o)
    outw = _tc_layer2_combine(
        s2_p.reshape(NC, npad * d_out // 128, 128),
        z2n.reshape(npad * d_out // 128, 128), dinv16w, b2w, n, d_out)
    return outw.reshape(n, d_out)

# --- scband reference (transcript-rebuilt; emitter-appended) ---
"""Pipeline reference for scband-pass-gnn-49555332661729 (READ-ONLY COPY).

The authoritative reference and input builder live on the scoring server;
editing this copy changes nothing except your own understanding.
"""

import jax, jax.numpy as jnp
import numpy as np


def _gcn_conv(x, row, col, W, b, num_nodes):
    # linear transform
    xw = x @ W
    # add self loops
    loop = jnp.arange(num_nodes, dtype=row.dtype)
    row_f = jnp.concatenate([row, loop])
    col_f = jnp.concatenate([col, loop])
    # symmetric normalization (edge_weight = 1)
    ones = jnp.ones(row_f.shape[0], dtype=xw.dtype)
    deg = jax.ops.segment_sum(ones, col_f, num_segments=num_nodes)
    dinv = jnp.where(deg > 0, 1.0 / jnp.sqrt(deg), 0.0)
    norm = dinv[row_f] * dinv[col_f]
    # message passing: gather source features, scale, scatter-add to targets
    msgs = norm[:, None] * xw[row_f]
    out = jax.ops.segment_sum(msgs, col_f, num_segments=num_nodes)
    return out + b


def setup_inputs(seed: int = 0) -> dict:
    key = jax.random.key(seed)
    k_x, k_ei, k_w1, k_b1, k_w2, k_b2 = jax.random.split(key, 6)
    N = 10000
    E = 320000
    d_in, d_h, d_out = 128, 32, 16
    x = jax.random.normal(k_x, (N, d_in), dtype=jnp.float32)
    edge_index = jax.random.randint(k_ei, (2, E), 0, N, dtype=jnp.int64)
    W1 = jax.random.normal(k_w1, (d_in, d_h), dtype=jnp.float32) * (1.0 / np.sqrt(d_in))
    b1 = jnp.zeros((d_h,), dtype=jnp.float32)
    W2 = jax.random.normal(k_w2, (d_h, d_out), dtype=jnp.float32) * (1.0 / np.sqrt(d_h))
    b2 = jnp.zeros((d_out,), dtype=jnp.float32)
    return {"x": x, "edge_index": edge_index, "W1": W1, "b1": b1, "W2": W2, "b2": b2}


def reference(x, edge_index, W1, b1, W2, b2):
    N = x.shape[0]
    row, col = edge_index[0], edge_index[1]
    h = _gcn_conv(x, row, col, W1, b1, N)
    h = jax.nn.relu(h)
    out = _gcn_conv(h, row, col, W2, b2, N)
    return out

if __name__ == "__main__":
    import jax
    _d = setup_inputs()
    print(jax.jit(kernel)(*tuple(_d.values())))

</pallas_src>

<mosaic_0001>
#map = affine_map<(d0, d1) -> (0, 0, 0)>
#map1 = affine_map<(d0, d1) -> (0, 0)>
module attributes {stable_mosaic.version = 14 : i64} {
  func.func @scat_kernel(%arg0: i32, %arg1: i32, %arg2: memref<2x2560x128xi32, #tpu.memory_space<hbm>>, %arg3: memref<10240x16xf32, #tpu.memory_space<hbm>>, %arg4: memref<640x16xf32, #tpu.memory_space<hbm>>, %arg5: memref<2x10240x16xf32, #tpu.memory_space<hbm>>, %arg6: memref<10240x16xf32, #tpu.memory_space<vmem_shared>>, %arg7: memref<80x128xi32, #tpu.memory_space<vmem>>, %arg8: memref<80x128xi32, #tpu.memory_space<vmem>>, %arg9: memref<8x128x16xf32, #tpu.memory_space<vmem>>, %arg10: memref<!tpu.dma_semaphore, #tpu.memory_space<semaphore_mem>>, %arg11: memref<!tpu.dma_semaphore, #tpu.memory_space<semaphore_mem>>, %arg12: memref<!tpu.dma_semaphore, #tpu.memory_space<semaphore_mem>>, %arg13: memref<!tpu.dma_semaphore, #tpu.memory_space<semaphore_mem>>, %arg14: memref<!tpu.dma_semaphore, #tpu.memory_space<semaphore_mem>>, %arg15: memref<!tpu.dma_semaphore, #tpu.memory_space<semaphore_mem>>, %arg16: memref<!tpu.dma_semaphore, #tpu.memory_space<semaphore_mem>>, %arg17: memref<!tpu.dma_semaphore, #tpu.memory_space<semaphore_mem>>, %arg18: memref<!tpu.dma_semaphore, #tpu.memory_space<semaphore_mem>>, %arg19: memref<!tpu.dma_semaphore, #tpu.memory_space<semaphore_mem>>, %arg20: memref<!tpu.dma_semaphore, #tpu.memory_space<semaphore_mem>>, %arg21: memref<!tpu.dma_semaphore, #tpu.memory_space<semaphore_mem>>, %arg22: memref<!tpu.dma_semaphore, #tpu.memory_space<semaphore_mem>>, %arg23: memref<!tpu.dma_semaphore, #tpu.memory_space<semaphore_mem>>, %arg24: memref<!tpu.dma_semaphore, #tpu.memory_space<semaphore_mem>>, %arg25: memref<!tpu.dma_semaphore, #tpu.memory_space<semaphore_mem>>) attributes {dimension_semantics = [#tpu.dimension_semantics<core_parallel>, #tpu.dimension_semantics<subcore_parallel>], iteration_bounds = array<i64: 2, 16>, scalar_prefetch = 0 : i64, scratch_operands = 20 : i64, tpu.core_type = #tpu.core_type<sc_vector_subcore>, window_params = [{transform_indices = #map}, {transform_indices = #map1}, {transform_indices = #map1}, {transform_indices = #map}]} {
    %mul3A = arith.constant 16 : i32
    %mul3A_0 = arith.muli %arg0, %mul3A : i32
    %add3A = arith.addi %mul3A_0, %arg1 : i32
    %mul3A_1 = arith.constant 80 : i32
    %mul3A_2 = arith.muli %add3A, %mul3A_1 : i32
    %multiple_of3A = tpu.assume_multiple %mul3A_2, 80 : i32
    %mul3A_3 = arith.constant 640 : i32
    %mul3A_4 = arith.muli %arg1, %mul3A_3 : i32
    %multiple_of3A_5 = tpu.assume_multiple %mul3A_4, 640 : i32
    "tpu.region"() ({
      %run_scoped3A_14 = tpu.sem_alloc : memref<!tpu.dma_semaphore, #tpu.memory_space<semaphore_mem>>
      %dma_start3A = arith.constant 0 : i32
      %dma_start3A_15 = tpu.memref_slice %arg6[%multiple_of3A_5, %dma_start3A] : memref<10240x16xf32, #tpu.memory_space<vmem_shared>> -> memref<640x16xf32, #tpu.memory_space<vmem_shared>>
      tpu.enqueue_dma source(%arg4 : memref<640x16xf32, #tpu.memory_space<hbm>>) target(%dma_start3A_15 : memref<640x16xf32, #tpu.memory_space<vmem_shared>>) target_semaphore(%run_scoped3A_14 : memref<!tpu.dma_semaphore, #tpu.memory_space<semaphore_mem>>)
      %dma_wait3A = arith.constant 0 : i32
      %dma_wait3A_16 = tpu.memref_slice %arg6[%multiple_of3A_5, %dma_wait3A] : memref<10240x16xf32, #tpu.memory_space<vmem_shared>> -> memref<640x16xf32, #tpu.memory_space<vmem_shared>>
      tpu.wait_dma2 semaphore(%run_scoped3A_14 : memref<!tpu.dma_semaphore, #tpu.memory_space<semaphore_mem>>) src(%arg4 : memref<640x16xf32, #tpu.memory_space<hbm>>) dst(%dma_wait3A_16 : memref<640x16xf32, #tpu.memory_space<vmem_shared>>)
      tpu.yield
    }) : () -> ()
    %run_scoped3A = arith.constant 0 : i32
    "tpu.region"() ({
      %run_scoped3A_14 = tpu.sem_alloc : memref<!tpu.dma_semaphore, #tpu.memory_space<semaphore_mem>>
      %dma_start3A = arith.constant 0 : i32
      %dma_start3A_15 = tpu.memref_slice %arg2[%run_scoped3A, %multiple_of3A, %dma_start3A] : memref<2x2560x128xi32, #tpu.memory_space<hbm>> -> memref<1x80x128xi32, #tpu.memory_space<hbm>>
      %dma_start3A_16 = tpu.memref_squeeze %dma_start3A_15 : memref<1x80x128xi32, #tpu.memory_space<hbm>> -> memref<80x128xi32, #tpu.memory_space<hbm>>
      %dma_start3A_17 = arith.constant 0 : i32
      %dma_start3A_18 = tpu.memref_slice %arg2[%run_scoped3A, %multiple_of3A, %dma_start3A_17] : memref<2x2560x128xi32, #tpu.memory_space<hbm>> -> memref<1x80x128xi32, #tpu.memory_space<hbm>>
      %dma_start3A_19 = tpu.memref_squeeze %dma_start3A_18 : memref<1x80x128xi32, #tpu.memory_space<hbm>> -> memref<80x128xi32, #tpu.memory_space<hbm>>
      tpu.enqueue_dma source(%dma_start3A_19 : memref<80x128xi32, #tpu.memory_space<hbm>>) target(%arg7 : memref<80x128xi32, #tpu.memory_space<vmem>>) target_semaphore(%run_scoped3A_14 : memref<!tpu.dma_semaphore, #tpu.memory_space<semaphore_mem>>)
      %dma_wait3A = arith.constant 0 : i32
      %dma_wait3A_20 = tpu.memref_slice %arg2[%run_scoped3A, %multiple_of3A, %dma_wait3A] : memref<2x2560x128xi32, #tpu.memory_space<hbm>> -> memref<1x80x128xi32, #tpu.memory_space<hbm>>
      %dma_wait3A_21 = tpu.memref_squeeze %dma_wait3A_20 : memref<1x80x128xi32, #tpu.memory_space<hbm>> -> memref<80x128xi32, #tpu.memory_space<hbm>>
      %dma_wait3A_22 = arith.constant 0 : i32
      %dma_wait3A_23 = tpu.memref_slice %arg2[%run_scoped3A, %multiple_of3A, %dma_wait3A_22] : memref<2x2560x128xi32, #tpu.memory_space<hbm>> -> memref<1x80x128xi32, #tpu.memory_space<hbm>>
      %dma_wait3A_24 = tpu.memref_squeeze %dma_wait3A_23 : memref<1x80x128xi32, #tpu.memory_space<hbm>> -> memref<80x128xi32, #tpu.memory_space<hbm>>
      tpu.wait_dma2 semaphore(%run_scoped3A_14 : memref<!tpu.dma_semaphore, #tpu.memory_space<semaphore_mem>>) src(%dma_wait3A_24 : memref<80x128xi32, #tpu.memory_space<hbm>>) dst(%arg7 : memref<80x128xi32, #tpu.memory_space<vmem>>)
      tpu.yield
    }) : () -> ()
    %run_scoped3A_6 = arith.constant 1 : i32
    "tpu.region"() ({
      %run_scoped3A_14 = tpu.sem_alloc : memref<!tpu.dma_semaphore, #tpu.memory_space<semaphore_mem>>
      %dma_start3A = arith.constant 0 : i32
      %dma_start3A_15 = tpu.memref_slice %arg2[%run_scoped3A_6, %multiple_of3A, %dma_start3A] : memref<2x2560x128xi32, #tpu.memory_space<hbm>> -> memref<1x80x128xi32, #tpu.memory_space<hbm>>
      %dma_start3A_16 = tpu.memref_squeeze %dma_start3A_15 : memref<1x80x128xi32, #tpu.memory_space<hbm>> -> memref<80x128xi32, #tpu.memory_space<hbm>>
      %dma_start3A_17 = arith.constant 0 : i32
      %dma_start3A_18 = tpu.memref_slice %arg2[%run_scoped3A_6, %multiple_of3A, %dma_start3A_17] : memref<2x2560x128xi32, #tpu.memory_space<hbm>> -> memref<1x80x128xi32, #tpu.memory_space<hbm>>
      %dma_start3A_19 = tpu.memref_squeeze %dma_start3A_18 : memref<1x80x128xi32, #tpu.memory_space<hbm>> -> memref<80x128xi32, #tpu.memory_space<hbm>>
      tpu.enqueue_dma source(%dma_start3A_19 : memref<80x128xi32, #tpu.memory_space<hbm>>) target(%arg8 : memref<80x128xi32, #tpu.memory_space<vmem>>) target_semaphore(%run_scoped3A_14 : memref<!tpu.dma_semaphore, #tpu.memory_space<semaphore_mem>>)
      %dma_wait3A = arith.constant 0 : i32
      %dma_wait3A_20 = tpu.memref_slice %arg2[%run_scoped3A_6, %multiple_of3A, %dma_wait3A] : memref<2x2560x128xi32, #tpu.memory_space<hbm>> -> memref<1x80x128xi32, #tpu.memory_space<hbm>>
      %dma_wait3A_21 = tpu.memref_squeeze %dma_wait3A_20 : memref<1x80x128xi32, #tpu.memory_space<hbm>> -> memref<80x128xi32, #tpu.memory_space<hbm>>
      %dma_wait3A_22 = arith.constant 0 : i32
      %dma_wait3A_23 = tpu.memref_slice %arg2[%run_scoped3A_6, %multiple_of3A, %dma_wait3A_22] : memref<2x2560x128xi32, #tpu.memory_space<hbm>> -> memref<1x80x128xi32, #tpu.memory_space<hbm>>
      %dma_wait3A_24 = tpu.memref_squeeze %dma_wait3A_23 : memref<1x80x128xi32, #tpu.memory_space<hbm>> -> memref<80x128xi32, #tpu.memory_space<hbm>>
      tpu.wait_dma2 semaphore(%run_scoped3A_14 : memref<!tpu.dma_semaphore, #tpu.memory_space<semaphore_mem>>) src(%dma_wait3A_24 : memref<80x128xi32, #tpu.memory_space<hbm>>) dst(%arg8 : memref<80x128xi32, #tpu.memory_space<vmem>>)
      tpu.yield
    }) : () -> ()
    %barrier3A = arith.constant 0 : index
    tpu.barrier barrier_id(%barrier3A)
    %scan3A = arith.constant 0 : i32
    %scan3A_7 = arith.constant 0 : i32
    %scan3A_8 = arith.constant 10 : i32
    %scan3A_9 = arith.addi %scan3A_7, %scan3A_8 : i32
    %scan3A_10 = arith.constant 1 : i32
    %scan3A_11 = scf.for %scan3A_14 = %scan3A_7 to %scan3A_9 step %scan3A_10 iter_args(%scan3A_15 = %scan3A) -> (i32)  : i32 {
      %mul3A_16 = arith.constant 8 : i32
      %mul3A_17 = arith.muli %scan3A_14, %mul3A_16 : i32
      %multiple_of3A_18 = tpu.assume_multiple %mul3A_17, 8 : i32
      %add3A_19 = arith.constant 0 : i32
      %add3A_20 = arith.addi %multiple_of3A_18, %add3A_19 : i32
      %dma_start3A = arith.constant 0 : i32
      %dma_start3A_21 = arith.constant 0 : i32
      %dma_start3A_22 = arith.constant 0 : i32
      %dma_start3A_23 = tpu.memref_slice %arg9[%dma_start3A, %dma_start3A_21, %dma_start3A_22] : memref<8x128x16xf32, #tpu.memory_space<vmem>> -> memref<1x128x16xf32, #tpu.memory_space<vmem>>
      %dma_start3A_24 = tpu.memref_squeeze %dma_start3A_23 : memref<1x128x16xf32, #tpu.memory_space<vmem>> -> memref<128x16xf32, #tpu.memory_space<vmem>>
      %dma_start3A_25 = arith.constant 0 : i32
      %dma_start3A_26 = tpu.memref_slice %arg7[%add3A_20, %dma_start3A_25] : memref<80x128xi32, #tpu.memory_space<vmem>> -> memref<1x128xi32, #tpu.memory_space<vmem>>
      %dma_start3A_27 = tpu.memref_squeeze %dma_start3A_26 : memref<1x128xi32, #tpu.memory_space<vmem>> -> memref<128xi32, #tpu.memory_space<vmem>>
      %dma_start3A_28 = arith.constant 0 : i32
      %dma_start3A_29 = arith.constant 0 : i32
      %dma_start3A_30 = tpu.memref_slice %arg3[%dma_start3A_28, %dma_start3A_29] : memref<10240x16xf32, #tpu.memory_space<hbm>> -> memref<10240x16xf32, #tpu.memory_space<hbm>>
      tpu.enqueue_indirect_dma source(%dma_start3A_30 : memref<10240x16xf32, #tpu.memory_space<hbm>>) target(%dma_start3A_24 : memref<128x16xf32, #tpu.memory_space<vmem>>) offsets(%dma_start3A_27 : memref<128xi32, #tpu.memory_space<vmem>>) semaphore(%arg10 : memref<!tpu.dma_semaphore, #tpu.memory_space<semaphore_mem>>)
      %add3A_31 = arith.constant 1 : i32
      %add3A_32 = arith.addi %multiple_of3A_18, %add3A_31 : i32
      %dma_start3A_33 = arith.constant 1 : i32
      %dma_start3A_34 = arith.constant 0 : i32
      %dma_start3A_35 = arith.constant 0 : i32
      %dma_start3A_36 = tpu.memref_slice %arg9[%dma_start3A_33, %dma_start3A_34, %dma_start3A_35] : memref<8x128x16xf32, #tpu.memory_space<vmem>> -> memref<1x128x16xf32, #tpu.memory_space<vmem>>
      %dma_start3A_37 = tpu.memref_squeeze %dma_start3A_36 : memref<1x128x16xf32, #tpu.memory_space<vmem>> -> memref<128x16xf32, #tpu.memory_space<vmem>>
      %dma_start3A_38 = arith.constant 0 : i32
      %dma_start3A_39 = tpu.memref_slice %arg7[%add3A_32, %dma_start3A_38] : memref<80x128xi32, #tpu.memory_space<vmem>> -> memref<1x128xi32, #tpu.memory_space<vmem>>
      %dma_start3A_40 = tpu.memref_squeeze %dma_start3A_39 : memref<1x128xi32, #tpu.memory_space<vmem>> -> memref<128xi32, #tpu.memory_space<vmem>>
      %dma_start3A_41 = arith.constant 0 : i32
      %dma_start3A_42 = arith.constant 0 : i32
      %dma_start3A_43 = tpu.memref_slice %arg3[%dma_start3A_41, %dma_start3A_42] : memref<10240x16xf32, #tpu.memory_space<hbm>> -> memref<10240x16xf32, #tpu.memory_space<hbm>>
      tpu.enqueue_indirect_dma source(%dma_start3A_43 : memref<10240x16xf32, #tpu.memory_space<hbm>>) target(%dma_start3A_37 : memref<128x16xf32, #tpu.memory_space<vmem>>) offsets(%dma_start3A_40 : memref<128xi32, #tpu.memory_space<vmem>>) semaphore(%arg11 : memref<!tpu.dma_semaphore, #tpu.memory_space<semaphore_mem>>)
      %add3A_44 = arith.constant 2 : i32
      %add3A_45 = arith.addi %multiple_of3A_18, %add3A_44 : i32
      %dma_start3A_46 = arith.constant 2 : i32
      %dma_start3A_47 = arith.constant 0 : i32
      %dma_start3A_48 = arith.constant 0 : i32
      %dma_start3A_49 = tpu.memref_slice %arg9[%dma_start3A_46, %dma_start3A_47, %dma_start3A_48] : memref<8x128x16xf32, #tpu.memory_space<vmem>> -> memref<1x128x16xf32, #tpu.memory_space<vmem>>
      %dma_start3A_50 = tpu.memref_squeeze %dma_start3A_49 : memref<1x128x16xf32, #tpu.memory_space<vmem>> -> memref<128x16xf32, #tpu.memory_space<vmem>>
      %dma_start3A_51 = arith.constant 0 : i32
      %dma_start3A_52 = tpu.memref_slice %arg7[%add3A_45, %dma_start3A_51] : memref<80x128xi32, #tpu.memory_space<vmem>> -> memref<1x128xi32, #tpu.memory_space<vmem>>
      %dma_start3A_53 = tpu.memref_squeeze %dma_start3A_52 : memref<1x128xi32, #tpu.memory_space<vmem>> -> memref<128xi32, #tpu.memory_space<vmem>>
      %dma_start3A_54 = arith.constant 0 : i32
      %dma_start3A_55 = arith.constant 0 : i32
      %dma_start3A_56 = tpu.memref_slice %arg3[%dma_start3A_54, %dma_start3A_55] : memref<10240x16xf32, #tpu.memory_space<hbm>> -> memref<10240x16xf32, #tpu.memory_space<hbm>>
      tpu.enqueue_indirect_dma source(%dma_start3A_56 : memref<10240x16xf32, #tpu.memory_space<hbm>>) target(%dma_start3A_50 : memref<128x16xf32, #tpu.memory_space<vmem>>) offsets(%dma_start3A_53 : memref<128xi32, #tpu.memory_space<vmem>>) semaphore(%arg12 : memref<!tpu.dma_semaphore, #tpu.memory_space<semaphore_mem>>)
      %add3A_57 = arith.constant 3 : i32
      %add3A_58 = arith.addi %multiple_of3A_18, %add3A_57 : i32
      %dma_start3A_59 = arith.constant 3 : i32
      %dma_start3A_60 = arith.constant 0 : i32
      %dma_start3A_61 = arith.constant 0 : i32
      %dma_start3A_62 = tpu.memref_slice %arg9[%dma_start3A_59, %dma_start3A_60, %dma_start3A_61] : memref<8x128x16xf32, #tpu.memory_space<vmem>> -> memref<1x128x16xf32, #tpu.memory_space<vmem>>
      %dma_start3A_63 = tpu.memref_squeeze %dma_start3A_62 : memref<1x128x16xf32, #tpu.memory_space<vmem>> -> memref<128x16xf32, #tpu.memory_space<vmem>>
      %dma_start3A_64 = arith.constant 0 : i32
      %dma_start3A_65 = tpu.memref_slice %arg7[%add3A_58, %dma_start3A_64] : memref<80x128xi32, #tpu.memory_space<vmem>> -> memref<1x128xi32, #tpu.memory_space<vmem>>
      %dma_start3A_66 = tpu.memref_squeeze %dma_start3A_65 : memref<1x128xi32, #tpu.memory_space<vmem>> -> memref<128xi32, #tpu.memory_space<vmem>>
      %dma_start3A_67 = arith.constant 0 : i32
      %dma_start3A_68 = arith.constant 0 : i32
      %dma_start3A_69 = tpu.memref_slice %arg3[%dma_start3A_67, %dma_start3A_68] : memref<10240x16xf32, #tpu.memory_space<hbm>> -> memref<10240x16xf32, #tpu.memory_space<hbm>>
      tpu.enqueue_indirect_dma source(%dma_start3A_69 : memref<10240x16xf32, #tpu.memory_space<hbm>>) target(%dma_start3A_63 : memref<128x16xf32, #tpu.memory_space<vmem>>) offsets(%dma_start3A_66 : memref<128xi32, #tpu.memory_space<vmem>>) semaphore(%arg13 : memref<!tpu.dma_semaphore, #tpu.memory_space<semaphore_mem>>)
      %add3A_70 = arith.constant 4 : i32
      %add3A_71 = arith.addi %multiple_of3A_18, %add3A_70 : i32
      %dma_start3A_72 = arith.constant 4 : i32
      %dma_start3A_73 = arith.constant 0 : i32
      %dma_start3A_74 = arith.constant 0 : i32
      %dma_start3A_75 = tpu.memref_slice %arg9[%dma_start3A_72, %dma_start3A_73, %dma_start3A_74] : memref<8x128x16xf32, #tpu.memory_space<vmem>> -> memref<1x128x16xf32, #tpu.memory_space<vmem>>
      %dma_start3A_76 = tpu.memref_squeeze %dma_start3A_75 : memref<1x128x16xf32, #tpu.memory_space<vmem>> -> memref<128x16xf32, #tpu.memory_space<vmem>>
      %dma_start3A_77 = arith.constant 0 : i32
      %dma_start3A_78 = tpu.memref_slice %arg7[%add3A_71, %dma_start3A_77] : memref<80x128xi32, #tpu.memory_space<vmem>> -> memref<1x128xi32, #tpu.memory_space<vmem>>
      %dma_start3A_79 = tpu.memref_squeeze %dma_start3A_78 : memref<1x128xi32, #tpu.memory_space<vmem>> -> memref<128xi32, #tpu.memory_space<vmem>>
      %dma_start3A_80 = arith.constant 0 : i32
      %dma_start3A_81 = arith.constant 0 : i32
      %dma_start3A_82 = tpu.memref_slice %arg3[%dma_start3A_80, %dma_start3A_81] : memref<10240x16xf32, #tpu.memory_space<hbm>> -> memref<10240x16xf32, #tpu.memory_space<hbm>>
      tpu.enqueue_indirect_dma source(%dma_start3A_82 : memref<10240x16xf32, #tpu.memory_space<hbm>>) target(%dma_start3A_76 : memref<128x16xf32, #tpu.memory_space<vmem>>) offsets(%dma_start3A_79 : memref<128xi32, #tpu.memory_space<vmem>>) semaphore(%arg14 : memref<!tpu.dma_semaphore, #tpu.memory_space<semaphore_mem>>)
      %add3A_83 = arith.constant 5 : i32
      %add3A_84 = arith.addi %multiple_of3A_18, %add3A_83 : i32
      %dma_start3A_85 = arith.constant 5 : i32
      %dma_start3A_86 = arith.constant 0 : i32
      %dma_start3A_87 = arith.constant 0 : i32
      %dma_start3A_88 = tpu.memref_slice %arg9[%dma_start3A_85, %dma_start3A_86, %dma_start3A_87] : memref<8x128x16xf32, #tpu.memory_space<vmem>> -> memref<1x128x16xf32, #tpu.memory_space<vmem>>
      %dma_start3A_89 = tpu.memref_squeeze %dma_start3A_88 : memref<1x128x16xf32, #tpu.memory_space<vmem>> -> memref<128x16xf32, #tpu.memory_space<vmem>>
      %dma_start3A_90 = arith.constant 0 : i32
      %dma_start3A_91 = tpu.memref_slice %arg7[%add3A_84, %dma_start3A_90] : memref<80x128xi32, #tpu.memory_space<vmem>> -> memref<1x128xi32, #tpu.memory_space<vmem>>
      %dma_start3A_92 = tpu.memref_squeeze %dma_start3A_91 : memref<1x128xi32, #tpu.memory_space<vmem>> -> memref<128xi32, #tpu.memory_space<vmem>>
      %dma_start3A_93 = arith.constant 0 : i32
      %dma_start3A_94 = arith.constant 0 : i32
      %dma_start3A_95 = tpu.memref_slice %arg3[%dma_start3A_93, %dma_start3A_94] : memref<10240x16xf32, #tpu.memory_space<hbm>> -> memref<10240x16xf32, #tpu.memory_space<hbm>>
      tpu.enqueue_indirect_dma source(%dma_start3A_95 : memref<10240x16xf32, #tpu.memory_space<hbm>>) target(%dma_start3A_89 : memref<128x16xf32, #tpu.memory_space<vmem>>) offsets(%dma_start3A_92 : memref<128xi32, #tpu.memory_space<vmem>>) semaphore(%arg15 : memref<!tpu.dma_semaphore, #tpu.memory_space<semaphore_mem>>)
      %add3A_96 = arith.constant 6 : i32
      %add3A_97 = arith.addi %multiple_of3A_18, %add3A_96 : i32
      %dma_start3A_98 = arith.constant 6 : i32
      %dma_start3A_99 = arith.constant 0 : i32
      %dma_start3A_100 = arith.constant 0 : i32
      %dma_start3A_101 = tpu.memref_slice %arg9[%dma_start3A_98, %dma_start3A_99, %dma_start3A_100] : memref<8x128x16xf32, #tpu.memory_space<vmem>> -> memref<1x128x16xf32, #tpu.memory_space<vmem>>
      %dma_start3A_102 = tpu.memref_squeeze %dma_start3A_101 : memref<1x128x16xf32, #tpu.memory_space<vmem>> -> memref<128x16xf32, #tpu.memory_space<vmem>>
      %dma_start3A_103 = arith.constant 0 : i32
      %dma_start3A_104 = tpu.memref_slice %arg7[%add3A_97, %dma_start3A_103] : memref<80x128xi32, #tpu.memory_space<vmem>> -> memref<1x128xi32, #tpu.memory_space<vmem>>
      %dma_start3A_105 = tpu.memref_squeeze %dma_start3A_104 : memref<1x128xi32, #tpu.memory_space<vmem>> -> memref<128xi32, #tpu.memory_space<vmem>>
      %dma_start3A_106 = arith.constant 0 : i32
      %dma_start3A_107 = arith.constant 0 : i32
      %dma_start3A_108 = tpu.memref_slice %arg3[%dma_start3A_106, %dma_start3A_107] : memref<10240x16xf32, #tpu.memory_space<hbm>> -> memref<10240x16xf32, #tpu.memory_space<hbm>>
      tpu.enqueue_indirect_dma source(%dma_start3A_108 : memref<10240x16xf32, #tpu.memory_space<hbm>>) target(%dma_start3A_102 : memref<128x16xf32, #tpu.memory_space<vmem>>) offsets(%dma_start3A_105 : memref<128xi32, #tpu.memory_space<vmem>>) semaphore(%arg16 : memref<!tpu.dma_semaphore, #tpu.memory_space<semaphore_mem>>)
      %add3A_109 = arith.constant 7 : i32
      %add3A_110 = arith.addi %multiple_of3A_18, %add3A_109 : i32
      %dma_start3A_111 = arith.constant 7 : i32
      %dma_start3A_112 = arith.constant 0 : i32
      %dma_start3A_113 = arith.constant 0 : i32
      %dma_start3A_114 = tpu.memref_slice %arg9[%dma_start3A_111, %dma_start3A_112, %dma_start3A_113] : memref<8x128x16xf32, #tpu.memory_space<vmem>> -> memref<1x128x16xf32, #tpu.memory_space<vmem>>
      %dma_start3A_115 = tpu.memref_squeeze %dma_start3A_114 : memref<1x128x16xf32, #tpu.memory_space<vmem>> -> memref<128x16xf32, #tpu.memory_space<vmem>>
      %dma_start3A_116 = arith.constant 0 : i32
      %dma_start3A_117 = tpu.memref_slice %arg7[%add3A_110, %dma_start3A_116] : memref<80x128xi32, #tpu.memory_space<vmem>> -> memref<1x128xi32, #tpu.memory_space<vmem>>
      %dma_start3A_118 = tpu.memref_squeeze %dma_start3A_117 : memref<1x128xi32, #tpu.memory_space<vmem>> -> memref<128xi32, #tpu.memory_space<vmem>>
      %dma_start3A_119 = arith.constant 0 : i32
      %dma_start3A_120 = arith.constant 0 : i32
      %dma_start3A_121 = tpu.memref_slice %arg3[%dma_start3A_119, %dma_start3A_120] : memref<10240x16xf32, #tpu.memory_space<hbm>> -> memref<10240x16xf32, #tpu.memory_space<hbm>>
      tpu.enqueue_indirect_dma source(%dma_start3A_121 : memref<10240x16xf32, #tpu.memory_space<hbm>>) target(%dma_start3A_115 : memref<128x16xf32, #tpu.memory_space<vmem>>) offsets(%dma_start3A_118 : memref<128xi32, #tpu.memory_space<vmem>>) semaphore(%arg17 : memref<!tpu.dma_semaphore, #tpu.memory_space<semaphore_mem>>)
      %dma_wait3A = arith.constant 0 : i32
      %dma_wait3A_122 = arith.constant 0 : i32
      %dma_wait3A_123 = arith.constant 0 : i32
      %dma_wait3A_124 = tpu.memref_slice %arg9[%dma_wait3A, %dma_wait3A_122, %dma_wait3A_123] : memref<8x128x16xf32, #tpu.memory_space<vmem>> -> memref<1x128x16xf32, #tpu.memory_space<vmem>>
      %dma_wait3A_125 = tpu.memref_squeeze %dma_wait3A_124 : memref<1x128x16xf32, #tpu.memory_space<vmem>> -> memref<128x16xf32, #tpu.memory_space<vmem>>
      %dma_wait3A_126 = arith.constant 0 : i32
      %dma_wait3A_127 = tpu.memref_slice %arg7[%add3A_20, %dma_wait3A_126] : memref<80x128xi32, #tpu.memory_space<vmem>> -> memref<1x128xi32, #tpu.memory_space<vmem>>
      %dma_wait3A_128 = tpu.memref_squeeze %dma_wait3A_127 : memref<1x128xi32, #tpu.memory_space<vmem>> -> memref<128xi32, #tpu.memory_space<vmem>>
      %dma_wait3A_129 = arith.constant 0 : i32
      %dma_wait3A_130 = arith.constant 0 : i32
      %dma_wait3A_131 = tpu.memref_slice %arg3[%dma_wait3A_129, %dma_wait3A_130] : memref<10240x16xf32, #tpu.memory_space<hbm>> -> memref<10240x16xf32, #tpu.memory_space<hbm>>
      tpu.wait_indirect_dma semaphore(%arg10 : memref<!tpu.dma_semaphore, #tpu.memory_space<semaphore_mem>>) src(%dma_wait3A_131 : memref<10240x16xf32, #tpu.memory_space<hbm>>) dst(%dma_wait3A_125 : memref<128x16xf32, #tpu.memory_space<vmem>>)
      %add3A_132 = arith.constant 0 : i32
      %add3A_133 = arith.addi %multiple_of3A_18, %add3A_132 : i32
      %dma_start3A_134 = arith.constant 0 : i32
      %dma_start3A_135 = arith.constant 0 : i32
      %dma_start3A_136 = arith.constant 0 : i32
      %dma_start3A_137 = tpu.memref_slice %arg9[%dma_start3A_134, %dma_start3A_135, %dma_start3A_136] : memref<8x128x16xf32, #tpu.memory_space<vmem>> -> memref<1x128x16xf32, #tpu.memory_space<vmem>>
      %dma_start3A_138 = tpu.memref_squeeze %dma_start3A_137 : memref<1x128x16xf32, #tpu.memory_space<vmem>> -> memref<128x16xf32, #tpu.memory_space<vmem>>
      %dma_start3A_139 = arith.constant 0 : i32
      %dma_start3A_140 = tpu.memref_slice %arg8[%add3A_133, %dma_start3A_139] : memref<80x128xi32, #tpu.memory_space<vmem>> -> memref<1x128xi32, #tpu.memory_space<vmem>>
      %dma_start3A_141 = tpu.memref_squeeze %dma_start3A_140 : memref<1x128xi32, #tpu.memory_space<vmem>> -> memref<128xi32, #tpu.memory_space<vmem>>
      %dma_start3A_142 = arith.constant 0 : i32
      %dma_start3A_143 = arith.constant 0 : i32
      %dma_start3A_144 = tpu.memref_slice %arg6[%dma_start3A_142, %dma_start3A_143] : memref<10240x16xf32, #tpu.memory_space<vmem_shared>> -> memref<10240x16xf32, #tpu.memory_space<vmem_shared>>
      tpu.enqueue_indirect_dma source(%dma_start3A_138 : memref<128x16xf32, #tpu.memory_space<vmem>>) target(%dma_start3A_144 : memref<10240x16xf32, #tpu.memory_space<vmem_shared>>) offsets(%dma_start3A_141 : memref<128xi32, #tpu.memory_space<vmem>>) semaphore(%arg18 : memref<!tpu.dma_semaphore, #tpu.memory_space<semaphore_mem>>) {add = true}
      %dma_wait3A_145 = arith.constant 1 : i32
      %dma_wait3A_146 = arith.constant 0 : i32
      %dma_wait3A_147 = arith.constant 0 : i32
      %dma_wait3A_148 = tpu.memref_slice %arg9[%dma_wait3A_145, %dma_wait3A_146, %dma_wait3A_147] : memref<8x128x16xf32, #tpu.memory_space<vmem>> -> memref<1x128x16xf32, #tpu.memory_space<vmem>>
      %dma_wait3A_149 = tpu.memref_squeeze %dma_wait3A_148 : memref<1x128x16xf32, #tpu.memory_space<vmem>> -> memref<128x16xf32, #tpu.memory_space<vmem>>
      %dma_wait3A_150 = arith.constant 0 : i32
      %dma_wait3A_151 = tpu.memref_slice %arg7[%add3A_32, %dma_wait3A_150] : memref<80x128xi32, #tpu.memory_space<vmem>> -> memref<1x128xi32, #tpu.memory_space<vmem>>
      %dma_wait3A_152 = tpu.memref_squeeze %dma_wait3A_151 : memref<1x128xi32, #tpu.memory_space<vmem>> -> memref<128xi32, #tpu.memory_space<vmem>>
      %dma_wait3A_153 = arith.constant 0 : i32
      %dma_wait3A_154 = arith.constant 0 : i32
      %dma_wait3A_155 = tpu.memref_slice %arg3[%dma_wait3A_153, %dma_wait3A_154] : memref<10240x16xf32, #tpu.memory_space<hbm>> -> memref<10240x16xf32, #tpu.memory_space<hbm>>
      tpu.wait_indirect_dma semaphore(%arg11 : memref<!tpu.dma_semaphore, #tpu.memory_space<semaphore_mem>>) src(%dma_wait3A_155 : memref<10240x16xf32, #tpu.memory_space<hbm>>) dst(%dma_wait3A_149 : memref<128x16xf32, #tpu.memory_space<vmem>>)
      %add3A_156 = arith.constant 1 : i32
      %add3A_157 = arith.addi %multiple_of3A_18, %add3A_156 : i32
      %dma_start3A_158 = arith.constant 1 : i32
      %dma_start3A_159 = arith.constant 0 : i32
      %dma_start3A_160 = arith.constant 0 : i32
      %dma_start3A_161 = tpu.memref_slice %arg9[%dma_start3A_158, %dma_start3A_159, %dma_start3A_160] : memref<8x128x16xf32, #tpu.memory_space<vmem>> -> memref<1x128x16xf32, #tpu.memory_space<vmem>>
      %dma_start3A_162 = tpu.memref_squeeze %dma_start3A_161 : memref<1x128x16xf32, #tpu.memory_space<vmem>> -> memref<128x16xf32, #tpu.memory_space<vmem>>
      %dma_start3A_163 = arith.constant 0 : i32
      %dma_start3A_164 = tpu.memref_slice %arg8[%add3A_157, %dma_start3A_163] : memref<80x128xi32, #tpu.memory_space<vmem>> -> memref<1x128xi32, #tpu.memory_space<vmem>>
      %dma_start3A_165 = tpu.memref_squeeze %dma_start3A_164 : memref<1x128xi32, #tpu.memory_space<vmem>> -> memref<128xi32, #tpu.memory_space<vmem>>
      %dma_start3A_166 = arith.constant 0 : i32
      %dma_start3A_167 = arith.constant 0 : i32
      %dma_start3A_168 = tpu.memref_slice %arg6[%dma_start3A_166, %dma_start3A_167] : memref<10240x16xf32, #tpu.memory_space<vmem_shared>> -> memref<10240x16xf32, #tpu.memory_space<vmem_shared>>
      tpu.enqueue_indirect_dma source(%dma_start3A_162 : memref<128x16xf32, #tpu.memory_space<vmem>>) target(%dma_start3A_168 : memref<10240x16xf32, #tpu.memory_space<vmem_shared>>) offsets(%dma_start3A_165 : memref<128xi32, #tpu.memory_space<vmem>>) semaphore(%arg19 : memref<!tpu.dma_semaphore, #tpu.memory_space<semaphore_mem>>) {add = true}
      %dma_wait3A_169 = arith.constant 2 : i32
      %dma_wait3A_170 = arith.constant 0 : i32
      %dma_wait3A_171 = arith.constant 0 : i32
      %dma_wait3A_172 = tpu.memref_slice %arg9[%dma_wait3A_169, %dma_wait3A_170, %dma_wait3A_171] : memref<8x128x16xf32, #tpu.memory_space<vmem>> -> memref<1x128x16xf32, #tpu.memory_space<vmem>>
      %dma_wait3A_173 = tpu.memref_squeeze %dma_wait3A_172 : memref<1x128x16xf32, #tpu.memory_space<vmem>> -> memref<128x16xf32, #tpu.memory_space<vmem>>
      %dma_wait3A_174 = arith.constant 0 : i32
      %dma_wait3A_175 = tpu.memref_slice %arg7[%add3A_45, %dma_wait3A_174] : memref<80x128xi32, #tpu.memory_space<vmem>> -> memref<1x128xi32, #tpu.memory_space<vmem>>
      %dma_wait3A_176 = tpu.memref_squeeze %dma_wait3A_175 : memref<1x128xi32, #tpu.memory_space<vmem>> -> memref<128xi32, #tpu.memory_space<vmem>>
      %dma_wait3A_177 = arith.constant 0 : i32
      %dma_wait3A_178 = arith.constant 0 : i32
      %dma_wait3A_179 = tpu.memref_slice %arg3[%dma_wait3A_177, %dma_wait3A_178] : memref<10240x16xf32, #tpu.memory_space<hbm>> -> memref<10240x16xf32, #tpu.memory_space<hbm>>
      tpu.wait_indirect_dma semaphore(%arg12 : memref<!tpu.dma_semaphore, #tpu.memory_space<semaphore_mem>>) src(%dma_wait3A_179 : memref<10240x16xf32, #tpu.memory_space<hbm>>) dst(%dma_wait3A_173 : memref<128x16xf32, #tpu.memory_space<vmem>>)
      %add3A_180 = arith.constant 2 : i32
      %add3A_181 = arith.addi %multiple_of3A_18, %add3A_180 : i32
      %dma_start3A_182 = arith.constant 2 : i32
      %dma_start3A_183 = arith.constant 0 : i32
      %dma_start3A_184 = arith.constant 0 : i32
      %dma_start3A_185 = tpu.memref_slice %arg9[%dma_start3A_182, %dma_start3A_183, %dma_start3A_184] : memref<8x128x16xf32, #tpu.memory_space<vmem>> -> memref<1x128x16xf32, #tpu.memory_space<vmem>>
      %dma_start3A_186 = tpu.memref_squeeze %dma_start3A_185 : memref<1x128x16xf32, #tpu.memory_space<vmem>> -> memref<128x16xf32, #tpu.memory_space<vmem>>
      %dma_start3A_187 = arith.constant 0 : i32
      %dma_start3A_188 = tpu.memref_slice %arg8[%add3A_181, %dma_start3A_187] : memref<80x128xi32, #tpu.memory_space<vmem>> -> memref<1x128xi32, #tpu.memory_space<vmem>>
      %dma_start3A_189 = tpu.memref_squeeze %dma_start3A_188 : memref<1x128xi32, #tpu.memory_space<vmem>> -> memref<128xi32, #tpu.memory_space<vmem>>
      %dma_start3A_190 = arith.constant 0 : i32
      %dma_start3A_191 = arith.constant 0 : i32
      %dma_start3A_192 = tpu.memref_slice %arg6[%dma_start3A_190, %dma_start3A_191] : memref<10240x16xf32, #tpu.memory_space<vmem_shared>> -> memref<10240x16xf32, #tpu.memory_space<vmem_shared>>
      tpu.enqueue_indirect_dma source(%dma_start3A_186 : memref<128x16xf32, #tpu.memory_space<vmem>>) target(%dma_start3A_192 : memref<10240x16xf32, #tpu.memory_space<vmem_shared>>) offsets(%dma_start3A_189 : memref<128xi32, #tpu.memory_space<vmem>>) semaphore(%arg20 : memref<!tpu.dma_semaphore, #tpu.memory_space<semaphore_mem>>) {add = true}
      %dma_wait3A_193 = arith.constant 3 : i32
      %dma_wait3A_194 = arith.constant 0 : i32
      %dma_wait3A_195 = arith.constant 0 : i32
      %dma_wait3A_196 = tpu.memref_slice %arg9[%dma_wait3A_193, %dma_wait3A_194, %dma_wait3A_195] : memref<8x128x16xf32, #tpu.memory_space<vmem>> -> memref<1x128x16xf32, #tpu.memory_space<vmem>>
      %dma_wait3A_197 = tpu.memref_squeeze %dma_wait3A_196 : memref<1x128x16xf32, #tpu.memory_space<vmem>> -> memref<128x16xf32, #tpu.memory_space<vmem>>
      %dma_wait3A_198 = arith.constant 0 : i32
      %dma_wait3A_199 = tpu.memref_slice %arg7[%add3A_58, %dma_wait3A_198] : memref<80x128xi32, #tpu.memory_space<vmem>> -> memref<1x128xi32, #tpu.memory_space<vmem>>
      %dma_wait3A_200 = tpu.memref_squeeze %dma_wait3A_199 : memref<1x128xi32, #tpu.memory_space<vmem>> -> memref<128xi32, #tpu.memory_space<vmem>>
      %dma_wait3A_201 = arith.constant 0 : i32
      %dma_wait3A_202 = arith.constant 0 : i32
      %dma_wait3A_203 = tpu.memref_slice %arg3[%dma_wait3A_201, %dma_wait3A_202] : memref<10240x16xf32, #tpu.memory_space<hbm>> -> memref<10240x16xf32, #tpu.memory_space<hbm>>
      tpu.wait_indirect_dma semaphore(%arg13 : memref<!tpu.dma_semaphore, #tpu.memory_space<semaphore_mem>>) src(%dma_wait3A_203 : memref<10240x16xf32, #tpu.memory_space<hbm>>) dst(%dma_wait3A_197 : memref<128x16xf32, #tpu.memory_space<vmem>>)
      %add3A_204 = arith.constant 3 : i32
      %add3A_205 = arith.addi %multiple_of3A_18, %add3A_204 : i32
      %dma_start3A_206 = arith.constant 3 : i32
      %dma_start3A_207 = arith.constant 0 : i32
      %dma_start3A_208 = arith.constant 0 : i32
      %dma_start3A_209 = tpu.memref_slice %arg9[%dma_start3A_206, %dma_start3A_207, %dma_start3A_208] : memref<8x128x16xf32, #tpu.memory_space<vmem>> -> memref<1x128x16xf32, #tpu.memory_space<vmem>>
      %dma_start3A_210 = tpu.memref_squeeze %dma_start3A_209 : memref<1x128x16xf32, #tpu.memory_space<vmem>> -> memref<128x16xf32, #tpu.memory_space<vmem>>
      %dma_start3A_211 = arith.constant 0 : i32
      %dma_start3A_212 = tpu.memref_slice %arg8[%add3A_205, %dma_start3A_211] : memref<80x128xi32, #tpu.memory_space<vmem>> -> memref<1x128xi32, #tpu.memory_space<vmem>>
      %dma_start3A_213 = tpu.memref_squeeze %dma_start3A_212 : memref<1x128xi32, #tpu.memory_space<vmem>> -> memref<128xi32, #tpu.memory_space<vmem>>
      %dma_start3A_214 = arith.constant 0 : i32
      %dma_start3A_215 = arith.constant 0 : i32
      %dma_start3A_216 = tpu.memref_slice %arg6[%dma_start3A_214, %dma_start3A_215] : memref<10240x16xf32, #tpu.memory_space<vmem_shared>> -> memref<10240x16xf32, #tpu.memory_space<vmem_shared>>
      tpu.enqueue_indirect_dma source(%dma_start3A_210 : memref<128x16xf32, #tpu.memory_space<vmem>>) target(%dma_start3A_216 : memref<10240x16xf32, #tpu.memory_space<vmem_shared>>) offsets(%dma_start3A_213 : memref<128xi32, #tpu.memory_space<vmem>>) semaphore(%arg21 : memref<!tpu.dma_semaphore, #tpu.memory_space<semaphore_mem>>) {add = true}
      %dma_wait3A_217 = arith.constant 4 : i32
      %dma_wait3A_218 = arith.constant 0 : i32
      %dma_wait3A_219 = arith.constant 0 : i32
      %dma_wait3A_220 = tpu.memref_slice %arg9[%dma_wait3A_217, %dma_wait3A_218, %dma_wait3A_219] : memref<8x128x16xf32, #tpu.memory_space<vmem>> -> memref<1x128x16xf32, #tpu.memory_space<vmem>>
      %dma_wait3A_221 = tpu.memref_squeeze %dma_wait3A_220 : memref<1x128x16xf32, #tpu.memory_space<vmem>> -> memref<128x16xf32, #tpu.memory_space<vmem>>
      %dma_wait3A_222 = arith.constant 0 : i32
      %dma_wait3A_223 = tpu.memref_slice %arg7[%add3A_71, %dma_wait3A_222] : memref<80x128xi32, #tpu.memory_space<vmem>> -> memref<1x128xi32, #tpu.memory_space<vmem>>
      %dma_wait3A_224 = tpu.memref_squeeze %dma_wait3A_223 : memref<1x128xi32, #tpu.memory_space<vmem>> -> memref<128xi32, #tpu.memory_space<vmem>>
      %dma_wait3A_225 = arith.constant 0 : i32
      %dma_wait3A_226 = arith.constant 0 : i32
      %dma_wait3A_227 = tpu.memref_slice %arg3[%dma_wait3A_225, %dma_wait3A_226] : memref<10240x16xf32, #tpu.memory_space<hbm>> -> memref<10240x16xf32, #tpu.memory_space<hbm>>
      tpu.wait_indirect_dma semaphore(%arg14 : memref<!tpu.dma_semaphore, #tpu.memory_space<semaphore_mem>>) src(%dma_wait3A_227 : memref<10240x16xf32, #tpu.memory_space<hbm>>) dst(%dma_wait3A_221 : memref<128x16xf32, #tpu.memory_space<vmem>>)
      %add3A_228 = arith.constant 4 : i32
      %add3A_229 = arith.addi %multiple_of3A_18, %add3A_228 : i32
      %dma_start3A_230 = arith.constant 4 : i32
      %dma_start3A_231 = arith.constant 0 : i32
      %dma_start3A_232 = arith.constant 0 : i32
      %dma_start3A_233 = tpu.memref_slice %arg9[%dma_start3A_230, %dma_start3A_231, %dma_start3A_232] : memref<8x128x16xf32, #tpu.memory_space<vmem>> -> memref<1x128x16xf32, #tpu.memory_space<vmem>>
      %dma_start3A_234 = tpu.memref_squeeze %dma_start3A_233 : memref<1x128x16xf32, #tpu.memory_space<vmem>> -> memref<128x16xf32, #tpu.memory_space<vmem>>
      %dma_start3A_235 = arith.constant 0 : i32
      %dma_start3A_236 = tpu.memref_slice %arg8[%add3A_229, %dma_start3A_235] : memref<80x128xi32, #tpu.memory_space<vmem>> -> memref<1x128xi32, #tpu.memory_space<vmem>>
      %dma_start3A_237 = tpu.memref_squeeze %dma_start3A_236 : memref<1x128xi32, #tpu.memory_space<vmem>> -> memref<128xi32, #tpu.memory_space<vmem>>
      %dma_start3A_238 = arith.constant 0 : i32
      %dma_start3A_239 = arith.constant 0 : i32
      %dma_start3A_240 = tpu.memref_slice %arg6[%dma_start3A_238, %dma_start3A_239] : memref<10240x16xf32, #tpu.memory_space<vmem_shared>> -> memref<10240x16xf32, #tpu.memory_space<vmem_shared>>
      tpu.enqueue_indirect_dma source(%dma_start3A_234 : memref<128x16xf32, #tpu.memory_space<vmem>>) target(%dma_start3A_240 : memref<10240x16xf32, #tpu.memory_space<vmem_shared>>) offsets(%dma_start3A_237 : memref<128xi32, #tpu.memory_space<vmem>>) semaphore(%arg22 : memref<!tpu.dma_semaphore, #tpu.memory_space<semaphore_mem>>) {add = true}
      %dma_wait3A_241 = arith.constant 5 : i32
      %dma_wait3A_242 = arith.constant 0 : i32
      %dma_wait3A_243 = arith.constant 0 : i32
      %dma_wait3A_244 = tpu.memref_slice %arg9[%dma_wait3A_241, %dma_wait3A_242, %dma_wait3A_243] : memref<8x128x16xf32, #tpu.memory_space<vmem>> -> memref<1x128x16xf32, #tpu.memory_space<vmem>>
      %dma_wait3A_245 = tpu.memref_squeeze %dma_wait3A_244 : memref<1x128x16xf32, #tpu.memory_space<vmem>> -> memref<128x16xf32, #tpu.memory_space<vmem>>
      %dma_wait3A_246 = arith.constant 0 : i32
      %dma_wait3A_247 = tpu.memref_slice %arg7[%add3A_84, %dma_wait3A_246] : memref<80x128xi32, #tpu.memory_space<vmem>> -> memref<1x128xi32, #tpu.memory_space<vmem>>
      %dma_wait3A_248 = tpu.memref_squeeze %dma_wait3A_247 : memref<1x128xi32, #tpu.memory_space<vmem>> -> memref<128xi32, #tpu.memory_space<vmem>>
      %dma_wait3A_249 = arith.constant 0 : i32
      %dma_wait3A_250 = arith.constant 0 : i32
      %dma_wait3A_251 = tpu.memref_slice %arg3[%dma_wait3A_249, %dma_wait3A_250] : memref<10240x16xf32, #tpu.memory_space<hbm>> -> memref<10240x16xf32, #tpu.memory_space<hbm>>
      tpu.wait_indirect_dma semaphore(%arg15 : memref<!tpu.dma_semaphore, #tpu.memory_space<semaphore_mem>>) src(%dma_wait3A_251 : memref<10240x16xf32, #tpu.memory_space<hbm>>) dst(%dma_wait3A_245 : memref<128x16xf32, #tpu.memory_space<vmem>>)
      %add3A_252 = arith.constant 5 : i32
      %add3A_253 = arith.addi %multiple_of3A_18, %add3A_252 : i32
      %dma_start3A_254 = arith.constant 5 : i32
      %dma_start3A_255 = arith.constant 0 : i32
      %dma_start3A_256 = arith.constant 0 : i32
      %dma_start3A_257 = tpu.memref_slice %arg9[%dma_start3A_254, %dma_start3A_255, %dma_start3A_256] : memref<8x128x16xf32, #tpu.memory_space<vmem>> -> memref<1x128x16xf32, #tpu.memory_space<vmem>>
      %dma_start3A_258 = tpu.memref_squeeze %dma_start3A_257 : memref<1x128x16xf32, #tpu.memory_space<vmem>> -> memref<128x16xf32, #tpu.memory_space<vmem>>
      %dma_start3A_259 = arith.constant 0 : i32
      %dma_start3A_260 = tpu.memref_slice %arg8[%add3A_253, %dma_start3A_259] : memref<80x128xi32, #tpu.memory_space<vmem>> -> memref<1x128xi32, #tpu.memory_space<vmem>>
      %dma_start3A_261 = tpu.memref_squeeze %dma_start3A_260 : memref<1x128xi32, #tpu.memory_space<vmem>> -> memref<128xi32, #tpu.memory_space<vmem>>
      %dma_start3A_262 = arith.constant 0 : i32
      %dma_start3A_263 = arith.constant 0 : i32
      %dma_start3A_264 = tpu.memref_slice %arg6[%dma_start3A_262, %dma_start3A_263] : memref<10240x16xf32, #tpu.memory_space<vmem_shared>> -> memref<10240x16xf32, #tpu.memory_space<vmem_shared>>
      tpu.enqueue_indirect_dma source(%dma_start3A_258 : memref<128x16xf32, #tpu.memory_space<vmem>>) target(%dma_start3A_264 : memref<10240x16xf32, #tpu.memory_space<vmem_shared>>) offsets(%dma_start3A_261 : memref<128xi32, #tpu.memory_space<vmem>>) semaphore(%arg23 : memref<!tpu.dma_semaphore, #tpu.memory_space<semaphore_mem>>) {add = true}
      %dma_wait3A_265 = arith.constant 6 : i32
      %dma_wait3A_266 = arith.constant 0 : i32
      %dma_wait3A_267 = arith.constant 0 : i32
      %dma_wait3A_268 = tpu.memref_slice %arg9[%dma_wait3A_265, %dma_wait3A_266, %dma_wait3A_267] : memref<8x128x16xf32, #tpu.memory_space<vmem>> -> memref<1x128x16xf32, #tpu.memory_space<vmem>>
      %dma_wait3A_269 = tpu.memref_squeeze %dma_wait3A_268 : memref<1x128x16xf32, #tpu.memory_space<vmem>> -> memref<128x16xf32, #tpu.memory_space<vmem>>
      %dma_wait3A_270 = arith.constant 0 : i32
      %dma_wait3A_271 = tpu.memref_slice %arg7[%add3A_97, %dma_wait3A_270] : memref<80x128xi32, #tpu.memory_space<vmem>> -> memref<1x128xi32, #tpu.memory_space<vmem>>
      %dma_wait3A_272 = tpu.memref_squeeze %dma_wait3A_271 : memref<1x128xi32, #tpu.memory_space<vmem>> -> memref<128xi32, #tpu.memory_space<vmem>>
      %dma_wait3A_273 = arith.constant 0 : i32
      %dma_wait3A_274 = arith.constant 0 : i32
      %dma_wait3A_275 = tpu.memref_slice %arg3[%dma_wait3A_273, %dma_wait3A_274] : memref<10240x16xf32, #tpu.memory_space<hbm>> -> memref<10240x16xf32, #tpu.memory_space<hbm>>
      tpu.wait_indirect_dma semaphore(%arg16 : memref<!tpu.dma_semaphore, #tpu.memory_space<semaphore_mem>>) src(%dma_wait3A_275 : memref<10240x16xf32, #tpu.memory_space<hbm>>) dst(%dma_wait3A_269 : memref<128x16xf32, #tpu.memory_space<vmem>>)
      %add3A_276 = arith.constant 6 : i32
      %add3A_277 = arith.addi %multiple_of3A_18, %add3A_276 : i32
      %dma_start3A_278 = arith.constant 6 : i32
      %dma_start3A_279 = arith.constant 0 : i32
      %dma_start3A_280 = arith.constant 0 : i32
      %dma_start3A_281 = tpu.memref_slice %arg9[%dma_start3A_278, %dma_start3A_279, %dma_start3A_280] : memref<8x128x16xf32, #tpu.memory_space<vmem>> -> memref<1x128x16xf32, #tpu.memory_space<vmem>>
      %dma_start3A_282 = tpu.memref_squeeze %dma_start3A_281 : memref<1x128x16xf32, #tpu.memory_space<vmem>> -> memref<128x16xf32, #tpu.memory_space<vmem>>
      %dma_start3A_283 = arith.constant 0 : i32
      %dma_start3A_284 = tpu.memref_slice %arg8[%add3A_277, %dma_start3A_283] : memref<80x128xi32, #tpu.memory_space<vmem>> -> memref<1x128xi32, #tpu.memory_space<vmem>>
      %dma_start3A_285 = tpu.memref_squeeze %dma_start3A_284 : memref<1x128xi32, #tpu.memory_space<vmem>> -> memref<128xi32, #tpu.memory_space<vmem>>
      %dma_start3A_286 = arith.constant 0 : i32
      %dma_start3A_287 = arith.constant 0 : i32
      %dma_start3A_288 = tpu.memref_slice %arg6[%dma_start3A_286, %dma_start3A_287] : memref<10240x16xf32, #tpu.memory_space<vmem_shared>> -> memref<10240x16xf32, #tpu.memory_space<vmem_shared>>
      tpu.enqueue_indirect_dma source(%dma_start3A_282 : memref<128x16xf32, #tpu.memory_space<vmem>>) target(%dma_start3A_288 : memref<10240x16xf32, #tpu.memory_space<vmem_shared>>) offsets(%dma_start3A_285 : memref<128xi32, #tpu.memory_space<vmem>>) semaphore(%arg24 : memref<!tpu.dma_semaphore, #tpu.memory_space<semaphore_mem>>) {add = true}
      %dma_wait3A_289 = arith.constant 7 : i32
      %dma_wait3A_290 = arith.constant 0 : i32
      %dma_wait3A_291 = arith.constant 0 : i32
      %dma_wait3A_292 = tpu.memref_slice %arg9[%dma_wait3A_289, %dma_wait3A_290, %dma_wait3A_291] : memref<8x128x16xf32, #tpu.memory_space<vmem>> -> memref<1x128x16xf32, #tpu.memory_space<vmem>>
      %dma_wait3A_293 = tpu.memref_squeeze %dma_wait3A_292 : memref<1x128x16xf32, #tpu.memory_space<vmem>> -> memref<128x16xf32, #tpu.memory_space<vmem>>
      %dma_wait3A_294 = arith.constant 0 : i32
      %dma_wait3A_295 = tpu.memref_slice %arg7[%add3A_110, %dma_wait3A_294] : memref<80x128xi32, #tpu.memory_space<vmem>> -> memref<1x128xi32, #tpu.memory_space<vmem>>
      %dma_wait3A_296 = tpu.memref_squeeze %dma_wait3A_295 : memref<1x128xi32, #tpu.memory_space<vmem>> -> memref<128xi32, #tpu.memory_space<vmem>>
      %dma_wait3A_297 = arith.constant 0 : i32
      %dma_wait3A_298 = arith.constant 0 : i32
      %dma_wait3A_299 = tpu.memref_slice %arg3[%dma_wait3A_297, %dma_wait3A_298] : memref<10240x16xf32, #tpu.memory_space<hbm>> -> memref<10240x16xf32, #tpu.memory_space<hbm>>
      tpu.wait_indirect_dma semaphore(%arg17 : memref<!tpu.dma_semaphore, #tpu.memory_space<semaphore_mem>>) src(%dma_wait3A_299 : memref<10240x16xf32, #tpu.memory_space<hbm>>) dst(%dma_wait3A_293 : memref<128x16xf32, #tpu.memory_space<vmem>>)
      %add3A_300 = arith.constant 7 : i32
      %add3A_301 = arith.addi %multiple_of3A_18, %add3A_300 : i32
      %dma_start3A_302 = arith.constant 7 : i32
      %dma_start3A_303 = arith.constant 0 : i32
      %dma_start3A_304 = arith.constant 0 : i32
      %dma_start3A_305 = tpu.memref_slice %arg9[%dma_start3A_302, %dma_start3A_303, %dma_start3A_304] : memref<8x128x16xf32, #tpu.memory_space<vmem>> -> memref<1x128x16xf32, #tpu.memory_space<vmem>>
      %dma_start3A_306 = tpu.memref_squeeze %dma_start3A_305 : memref<1x128x16xf32, #tpu.memory_space<vmem>> -> memref<128x16xf32, #tpu.memory_space<vmem>>
      %dma_start3A_307 = arith.constant 0 : i32
      %dma_start3A_308 = tpu.memref_slice %arg8[%add3A_301, %dma_start3A_307] : memref<80x128xi32, #tpu.memory_space<vmem>> -> memref<1x128xi32, #tpu.memory_space<vmem>>
      %dma_start3A_309 = tpu.memref_squeeze %dma_start3A_308 : memref<1x128xi32, #tpu.memory_space<vmem>> -> memref<128xi32, #tpu.memory_space<vmem>>
      %dma_start3A_310 = arith.constant 0 : i32
      %dma_start3A_311 = arith.constant 0 : i32
      %dma_start3A_312 = tpu.memref_slice %arg6[%dma_start3A_310, %dma_start3A_311] : memref<10240x16xf32, #tpu.memory_space<vmem_shared>> -> memref<10240x16xf32, #tpu.memory_space<vmem_shared>>
      tpu.enqueue_indirect_dma source(%dma_start3A_306 : memref<128x16xf32, #tpu.memory_space<vmem>>) target(%dma_start3A_312 : memref<10240x16xf32, #tpu.memory_space<vmem_shared>>) offsets(%dma_start3A_309 : memref<128xi32, #tpu.memory_space<vmem>>) semaphore(%arg25 : memref<!tpu.dma_semaphore, #tpu.memory_space<semaphore_mem>>) {add = true}
      %dma_wait3A_313 = arith.constant 0 : i32
      %dma_wait3A_314 = arith.constant 0 : i32
      %dma_wait3A_315 = arith.constant 0 : i32
      %dma_wait3A_316 = tpu.memref_slice %arg9[%dma_wait3A_313, %dma_wait3A_314, %dma_wait3A_315] : memref<8x128x16xf32, #tpu.memory_space<vmem>> -> memref<1x128x16xf32, #tpu.memory_space<vmem>>
      %dma_wait3A_317 = tpu.memref_squeeze %dma_wait3A_316 : memref<1x128x16xf32, #tpu.memory_space<vmem>> -> memref<128x16xf32, #tpu.memory_space<vmem>>
      %dma_wait3A_318 = arith.constant 0 : i32
      %dma_wait3A_319 = tpu.memref_slice %arg8[%add3A_133, %dma_wait3A_318] : memref<80x128xi32, #tpu.memory_space<vmem>> -> memref<1x128xi32, #tpu.memory_space<vmem>>
      %dma_wait3A_320 = tpu.memref_squeeze %dma_wait3A_319 : memref<1x128xi32, #tpu.memory_space<vmem>> -> memref<128xi32, #tpu.memory_space<vmem>>
      %dma_wait3A_321 = arith.constant 0 : i32
      %dma_wait3A_322 = arith.constant 0 : i32
      %dma_wait3A_323 = tpu.memref_slice %arg6[%dma_wait3A_321, %dma_wait3A_322] : memref<10240x16xf32, #tpu.memory_space<vmem_shared>> -> memref<10240x16xf32, #tpu.memory_space<vmem_shared>>
      tpu.wait_indirect_dma semaphore(%arg18 : memref<!tpu.dma_semaphore, #tpu.memory_space<semaphore_mem>>) src(%dma_wait3A_317 : memref<128x16xf32, #tpu.memory_space<vmem>>) dst(%dma_wait3A_323 : memref<10240x16xf32, #tpu.memory_space<vmem_shared>>)
      %dma_wait3A_324 = arith.constant 1 : i32
      %dma_wait3A_325 = arith.constant 0 : i32
      %dma_wait3A_326 = arith.constant 0 : i32
      %dma_wait3A_327 = tpu.memref_slice %arg9[%dma_wait3A_324, %dma_wait3A_325, %dma_wait3A_326] : memref<8x128x16xf32, #tpu.memory_space<vmem>> -> memref<1x128x16xf32, #tpu.memory_space<vmem>>
      %dma_wait3A_328 = tpu.memref_squeeze %dma_wait3A_327 : memref<1x128x16xf32, #tpu.memory_space<vmem>> -> memref<128x16xf32, #tpu.memory_space<vmem>>
      %dma_wait3A_329 = arith.constant 0 : i32
      %dma_wait3A_330 = tpu.memref_slice %arg8[%add3A_157, %dma_wait3A_329] : memref<80x128xi32, #tpu.memory_space<vmem>> -> memref<1x128xi32, #tpu.memory_space<vmem>>
      %dma_wait3A_331 = tpu.memref_squeeze %dma_wait3A_330 : memref<1x128xi32, #tpu.memory_space<vmem>> -> memref<128xi32, #tpu.memory_space<vmem>>
      %dma_wait3A_332 = arith.constant 0 : i32
      %dma_wait3A_333 = arith.constant 0 : i32
      %dma_wait3A_334 = tpu.memref_slice %arg6[%dma_wait3A_332, %dma_wait3A_333] : memref<10240x16xf32, #tpu.memory_space<vmem_shared>> -> memref<10240x16xf32, #tpu.memory_space<vmem_shared>>
      tpu.wait_indirect_dma semaphore(%arg19 : memref<!tpu.dma_semaphore, #tpu.memory_space<semaphore_mem>>) src(%dma_wait3A_328 : memref<128x16xf32, #tpu.memory_space<vmem>>) dst(%dma_wait3A_334 : memref<10240x16xf32, #tpu.memory_space<vmem_shared>>)
      %dma_wait3A_335 = arith.constant 2 : i32
      %dma_wait3A_336 = arith.constant 0 : i32
      %dma_wait3A_337 = arith.constant 0 : i32
      %dma_wait3A_338 = tpu.memref_slice %arg9[%dma_wait3A_335, %dma_wait3A_336, %dma_wait3A_337] : memref<8x128x16xf32, #tpu.memory_space<vmem>> -> memref<1x128x16xf32, #tpu.memory_space<vmem>>
      %dma_wait3A_339 = tpu.memref_squeeze %dma_wait3A_338 : memref<1x128x16xf32, #tpu.memory_space<vmem>> -> memref<128x16xf32, #tpu.memory_space<vmem>>
      %dma_wait3A_340 = arith.constant 0 : i32
      %dma_wait3A_341 = tpu.memref_slice %arg8[%add3A_181, %dma_wait3A_340] : memref<80x128xi32, #tpu.memory_space<vmem>> -> memref<1x128xi32, #tpu.memory_space<vmem>>
      %dma_wait3A_342 = tpu.memref_squeeze %dma_wait3A_341 : memref<1x128xi32, #tpu.memory_space<vmem>> -> memref<128xi32, #tpu.memory_space<vmem>>
      %dma_wait3A_343 = arith.constant 0 : i32
      %dma_wait3A_344 = arith.constant 0 : i32
      %dma_wait3A_345 = tpu.memref_slice %arg6[%dma_wait3A_343, %dma_wait3A_344] : memref<10240x16xf32, #tpu.memory_space<vmem_shared>> -> memref<10240x16xf32, #tpu.memory_space<vmem_shared>>
      tpu.wait_indirect_dma semaphore(%arg20 : memref<!tpu.dma_semaphore, #tpu.memory_space<semaphore_mem>>) src(%dma_wait3A_339 : memref<128x16xf32, #tpu.memory_space<vmem>>) dst(%dma_wait3A_345 : memref<10240x16xf32, #tpu.memory_space<vmem_shared>>)
      %dma_wait3A_346 = arith.constant 3 : i32
      %dma_wait3A_347 = arith.constant 0 : i32
      %dma_wait3A_348 = arith.constant 0 : i32
      %dma_wait3A_349 = tpu.memref_slice %arg9[%dma_wait3A_346, %dma_wait3A_347, %dma_wait3A_348] : memref<8x128x16xf32, #tpu.memory_space<vmem>> -> memref<1x128x16xf32, #tpu.memory_space<vmem>>
      %dma_wait3A_350 = tpu.memref_squeeze %dma_wait3A_349 : memref<1x128x16xf32, #tpu.memory_space<vmem>> -> memref<128x16xf32, #tpu.memory_space<vmem>>
      %dma_wait3A_351 = arith.constant 0 : i32
      %dma_wait3A_352 = tpu.memref_slice %arg8[%add3A_205, %dma_wait3A_351] : memref<80x128xi32, #tpu.memory_space<vmem>> -> memref<1x128xi32, #tpu.memory_space<vmem>>
      %dma_wait3A_353 = tpu.memref_squeeze %dma_wait3A_352 : memref<1x128xi32, #tpu.memory_space<vmem>> -> memref<128xi32, #tpu.memory_space<vmem>>
      %dma_wait3A_354 = arith.constant 0 : i32
      %dma_wait3A_355 = arith.constant 0 : i32
      %dma_wait3A_356 = tpu.memref_slice %arg6[%dma_wait3A_354, %dma_wait3A_355] : memref<10240x16xf32, #tpu.memory_space<vmem_shared>> -> memref<10240x16xf32, #tpu.memory_space<vmem_shared>>
      tpu.wait_indirect_dma semaphore(%arg21 : memref<!tpu.dma_semaphore, #tpu.memory_space<semaphore_mem>>) src(%dma_wait3A_350 : memref<128x16xf32, #tpu.memory_space<vmem>>) dst(%dma_wait3A_356 : memref<10240x16xf32, #tpu.memory_space<vmem_shared>>)
      %dma_wait3A_357 = arith.constant 4 : i32
      %dma_wait3A_358 = arith.constant 0 : i32
      %dma_wait3A_359 = arith.constant 0 : i32
      %dma_wait3A_360 = tpu.memref_slice %arg9[%dma_wait3A_357, %dma_wait3A_358, %dma_wait3A_359] : memref<8x128x16xf32, #tpu.memory_space<vmem>> -> memref<1x128x16xf32, #tpu.memory_space<vmem>>
      %dma_wait3A_361 = tpu.memref_squeeze %dma_wait3A_360 : memref<1x128x16xf32, #tpu.memory_space<vmem>> -> memref<128x16xf32, #tpu.memory_space<vmem>>
      %dma_wait3A_362 = arith.constant 0 : i32
      %dma_wait3A_363 = tpu.memref_slice %arg8[%add3A_229, %dma_wait3A_362] : memref<80x128xi32, #tpu.memory_space<vmem>> -> memref<1x128xi32, #tpu.memory_space<vmem>>
      %dma_wait3A_364 = tpu.memref_squeeze %dma_wait3A_363 : memref<1x128xi32, #tpu.memory_space<vmem>> -> memref<128xi32, #tpu.memory_space<vmem>>
      %dma_wait3A_365 = arith.constant 0 : i32
      %dma_wait3A_366 = arith.constant 0 : i32
      %dma_wait3A_367 = tpu.memref_slice %arg6[%dma_wait3A_365, %dma_wait3A_366] : memref<10240x16xf32, #tpu.memory_space<vmem_shared>> -> memref<10240x16xf32, #tpu.memory_space<vmem_shared>>
      tpu.wait_indirect_dma semaphore(%arg22 : memref<!tpu.dma_semaphore, #tpu.memory_space<semaphore_mem>>) src(%dma_wait3A_361 : memref<128x16xf32, #tpu.memory_space<vmem>>) dst(%dma_wait3A_367 : memref<10240x16xf32, #tpu.memory_space<vmem_shared>>)
      %dma_wait3A_368 = arith.constant 5 : i32
      %dma_wait3A_369 = arith.constant 0 : i32
      %dma_wait3A_370 = arith.constant 0 : i32
      %dma_wait3A_371 = tpu.memref_slice %arg9[%dma_wait3A_368, %dma_wait3A_369, %dma_wait3A_370] : memref<8x128x16xf32, #tpu.memory_space<vmem>> -> memref<1x128x16xf32, #tpu.memory_space<vmem>>
      %dma_wait3A_372 = tpu.memref_squeeze %dma_wait3A_371 : memref<1x128x16xf32, #tpu.memory_space<vmem>> -> memref<128x16xf32, #tpu.memory_space<vmem>>
      %dma_wait3A_373 = arith.constant 0 : i32
      %dma_wait3A_374 = tpu.memref_slice %arg8[%add3A_253, %dma_wait3A_373] : memref<80x128xi32, #tpu.memory_space<vmem>> -> memref<1x128xi32, #tpu.memory_space<vmem>>
      %dma_wait3A_375 = tpu.memref_squeeze %dma_wait3A_374 : memref<1x128xi32, #tpu.memory_space<vmem>> -> memref<128xi32, #tpu.memory_space<vmem>>
      %dma_wait3A_376 = arith.constant 0 : i32
      %dma_wait3A_377 = arith.constant 0 : i32
      %dma_wait3A_378 = tpu.memref_slice %arg6[%dma_wait3A_376, %dma_wait3A_377] : memref<10240x16xf32, #tpu.memory_space<vmem_shared>> -> memref<10240x16xf32, #tpu.memory_space<vmem_shared>>
      tpu.wait_indirect_dma semaphore(%arg23 : memref<!tpu.dma_semaphore, #tpu.memory_space<semaphore_mem>>) src(%dma_wait3A_372 : memref<128x16xf32, #tpu.memory_space<vmem>>) dst(%dma_wait3A_378 : memref<10240x16xf32, #tpu.memory_space<vmem_shared>>)
      %dma_wait3A_379 = arith.constant 6 : i32
      %dma_wait3A_380 = arith.constant 0 : i32
      %dma_wait3A_381 = arith.constant 0 : i32
      %dma_wait3A_382 = tpu.memref_slice %arg9[%dma_wait3A_379, %dma_wait3A_380, %dma_wait3A_381] : memref<8x128x16xf32, #tpu.memory_space<vmem>> -> memref<1x128x16xf32, #tpu.memory_space<vmem>>
      %dma_wait3A_383 = tpu.memref_squeeze %dma_wait3A_382 : memref<1x128x16xf32, #tpu.memory_space<vmem>> -> memref<128x16xf32, #tpu.memory_space<vmem>>
      %dma_wait3A_384 = arith.constant 0 : i32
      %dma_wait3A_385 = tpu.memref_slice %arg8[%add3A_277, %dma_wait3A_384] : memref<80x128xi32, #tpu.memory_space<vmem>> -> memref<1x128xi32, #tpu.memory_space<vmem>>
      %dma_wait3A_386 = tpu.memref_squeeze %dma_wait3A_385 : memref<1x128xi32, #tpu.memory_space<vmem>> -> memref<128xi32, #tpu.memory_space<vmem>>
      %dma_wait3A_387 = arith.constant 0 : i32
      %dma_wait3A_388 = arith.constant 0 : i32
      %dma_wait3A_389 = tpu.memref_slice %arg6[%dma_wait3A_387, %dma_wait3A_388] : memref<10240x16xf32, #tpu.memory_space<vmem_shared>> -> memref<10240x16xf32, #tpu.memory_space<vmem_shared>>
      tpu.wait_indirect_dma semaphore(%arg24 : memref<!tpu.dma_semaphore, #tpu.memory_space<semaphore_mem>>) src(%dma_wait3A_383 : memref<128x16xf32, #tpu.memory_space<vmem>>) dst(%dma_wait3A_389 : memref<10240x16xf32, #tpu.memory_space<vmem_shared>>)
      %dma_wait3A_390 = arith.constant 7 : i32
      %dma_wait3A_391 = arith.constant 0 : i32
      %dma_wait3A_392 = arith.constant 0 : i32
      %dma_wait3A_393 = tpu.memref_slice %arg9[%dma_wait3A_390, %dma_wait3A_391, %dma_wait3A_392] : memref<8x128x16xf32, #tpu.memory_space<vmem>> -> memref<1x128x16xf32, #tpu.memory_space<vmem>>
      %dma_wait3A_394 = tpu.memref_squeeze %dma_wait3A_393 : memref<1x128x16xf32, #tpu.memory_space<vmem>> -> memref<128x16xf32, #tpu.memory_space<vmem>>
      %dma_wait3A_395 = arith.constant 0 : i32
      %dma_wait3A_396 = tpu.memref_slice %arg8[%add3A_301, %dma_wait3A_395] : memref<80x128xi32, #tpu.memory_space<vmem>> -> memref<1x128xi32, #tpu.memory_space<vmem>>
      %dma_wait3A_397 = tpu.memref_squeeze %dma_wait3A_396 : memref<1x128xi32, #tpu.memory_space<vmem>> -> memref<128xi32, #tpu.memory_space<vmem>>
      %dma_wait3A_398 = arith.constant 0 : i32
      %dma_wait3A_399 = arith.constant 0 : i32
      %dma_wait3A_400 = tpu.memref_slice %arg6[%dma_wait3A_398, %dma_wait3A_399] : memref<10240x16xf32, #tpu.memory_space<vmem_shared>> -> memref<10240x16xf32, #tpu.memory_space<vmem_shared>>
      tpu.wait_indirect_dma semaphore(%arg25 : memref<!tpu.dma_semaphore, #tpu.memory_space<semaphore_mem>>) src(%dma_wait3A_394 : memref<128x16xf32, #tpu.memory_space<vmem>>) dst(%dma_wait3A_400 : memref<10240x16xf32, #tpu.memory_space<vmem_shared>>)
      %scan3A_401 = arith.constant 0 : i32
      scf.yield %scan3A_401 : i32
    }
    %scan3A_12 = arith.constant 10 : i32
    %barrier3A_13 = arith.constant 0 : index
    tpu.barrier barrier_id(%barrier3A_13)
    "tpu.region"() ({
      %run_scoped3A_14 = tpu.sem_alloc : memref<!tpu.dma_semaphore, #tpu.memory_space<semaphore_mem>>
      %dma_start3A = arith.constant 0 : i32
      %dma_start3A_15 = tpu.memref_slice %arg5[%arg0, %multiple_of3A_5, %dma_start3A] : memref<2x10240x16xf32, #tpu.memory_space<hbm>> -> memref<1x640x16xf32, #tpu.memory_space<hbm>>
      %dma_start3A_16 = tpu.memref_squeeze %dma_start3A_15 : memref<1x640x16xf32, #tpu.memory_space<hbm>> -> memref<640x16xf32, #tpu.memory_space<hbm>>
      %dma_start3A_17 = arith.constant 0 : i32
      %dma_start3A_18 = tpu.memref_slice %arg6[%multiple_of3A_5, %dma_start3A_17] : memref<10240x16xf32, #tpu.memory_space<vmem_shared>> -> memref<640x16xf32, #tpu.memory_space<vmem_shared>>
      tpu.enqueue_dma source(%dma_start3A_18 : memref<640x16xf32, #tpu.memory_space<vmem_shared>>) target(%dma_start3A_16 : memref<640x16xf32, #tpu.memory_space<hbm>>) target_semaphore(%run_scoped3A_14 : memref<!tpu.dma_semaphore, #tpu.memory_space<semaphore_mem>>)
      %dma_wait3A = arith.constant 0 : i32
      %dma_wait3A_19 = tpu.memref_slice %arg5[%arg0, %multiple_of3A_5, %dma_wait3A] : memref<2x10240x16xf32, #tpu.memory_space<hbm>> -> memref<1x640x16xf32, #tpu.memory_space<hbm>>
      %dma_wait3A_20 = tpu.memref_squeeze %dma_wait3A_19 : memref<1x640x16xf32, #tpu.memory_space<hbm>> -> memref<640x16xf32, #tpu.memory_space<hbm>>
      %dma_wait3A_21 = arith.constant 0 : i32
      %dma_wait3A_22 = tpu.memref_slice %arg6[%multiple_of3A_5, %dma_wait3A_21] : memref<10240x16xf32, #tpu.memory_space<vmem_shared>> -> memref<640x16xf32, #tpu.memory_space<vmem_shared>>
      tpu.wait_dma2 semaphore(%run_scoped3A_14 : memref<!tpu.dma_semaphore, #tpu.memory_space<semaphore_mem>>) src(%dma_wait3A_22 : memref<640x16xf32, #tpu.memory_space<vmem_shared>>) dst(%dma_wait3A_20 : memref<640x16xf32, #tpu.memory_space<hbm>>)
      tpu.yield
    }) : () -> ()
    return
  }
}

#map = affine_map<(d0, d1) -> (0, 0, 0)>
#map1 = affine_map<(d0, d1) -> (0, 0)>
module attributes {stable_mosaic.version = 14 : i64} {
  func.func @deg_kernel(%arg0: i32, %arg1: i32, %arg2: memref<2x2560x128xi32, #tpu.memory_space<hbm>>, %arg3: memref<32x10240xf32, #tpu.memory_space<hbm>>, %arg4: memref<10240xf32, #tpu.memory_space<vmem>>, %arg5: memref<80x128xi32, #tpu.memory_space<vmem>>) attributes {dimension_semantics = [#tpu.dimension_semantics<core_parallel>, #tpu.dimension_semantics<subcore_parallel>], iteration_bounds = array<i64: 2, 16>, scalar_prefetch = 0 : i64, scratch_operands = 2 : i64, tpu.core_type = #tpu.core_type<sc_vector_subcore>, window_params = [{transform_indices = #map}, {transform_indices = #map1}]} {
    %mul3A = arith.constant 16 : i32
    %mul3A_0 = arith.muli %arg0, %mul3A : i32
    %add3A = arith.addi %mul3A_0, %arg1 : i32
    %mul3A_1 = arith.constant 80 : i32
    %mul3A_2 = arith.muli %add3A, %mul3A_1 : i32
    %multiple_of3A = tpu.assume_multiple %mul3A_2, 80 : i32
    %run_scoped3A = arith.constant 1 : i32
    "tpu.region"() ({
      %run_scoped3A_19 = tpu.sem_alloc : memref<!tpu.dma_semaphore, #tpu.memory_space<semaphore_mem>>
      %dma_start3A = arith.constant 0 : i32
      %dma_start3A_20 = tpu.memref_slice %arg2[%run_scoped3A, %multiple_of3A, %dma_start3A] : memref<2x2560x128xi32, #tpu.memory_space<hbm>> -> memref<1x80x128xi32, #tpu.memory_space<hbm>>
      %dma_start3A_21 = tpu.memref_squeeze %dma_start3A_20 : memref<1x80x128xi32, #tpu.memory_space<hbm>> -> memref<80x128xi32, #tpu.memory_space<hbm>>
      %dma_start3A_22 = arith.constant 0 : i32
      %dma_start3A_23 = tpu.memref_slice %arg2[%run_scoped3A, %multiple_of3A, %dma_start3A_22] : memref<2x2560x128xi32, #tpu.memory_space<hbm>> -> memref<1x80x128xi32, #tpu.memory_space<hbm>>
      %dma_start3A_24 = tpu.memref_squeeze %dma_start3A_23 : memref<1x80x128xi32, #tpu.memory_space<hbm>> -> memref<80x128xi32, #tpu.memory_space<hbm>>
      tpu.enqueue_dma source(%dma_start3A_24 : memref<80x128xi32, #tpu.memory_space<hbm>>) target(%arg5 : memref<80x128xi32, #tpu.memory_space<vmem>>) target_semaphore(%run_scoped3A_19 : memref<!tpu.dma_semaphore, #tpu.memory_space<semaphore_mem>>)
      %dma_wait3A = arith.constant 0 : i32
      %dma_wait3A_25 = tpu.memref_slice %arg2[%run_scoped3A, %multiple_of3A, %dma_wait3A] : memref<2x2560x128xi32, #tpu.memory_space<hbm>> -> memref<1x80x128xi32, #tpu.memory_space<hbm>>
      %dma_wait3A_26 = tpu.memref_squeeze %dma_wait3A_25 : memref<1x80x128xi32, #tpu.memory_space<hbm>> -> memref<80x128xi32, #tpu.memory_space<hbm>>
      %dma_wait3A_27 = arith.constant 0 : i32
      %dma_wait3A_28 = tpu.memref_slice %arg2[%run_scoped3A, %multiple_of3A, %dma_wait3A_27] : memref<2x2560x128xi32, #tpu.memory_space<hbm>> -> memref<1x80x128xi32, #tpu.memory_space<hbm>>
      %dma_wait3A_29 = tpu.memref_squeeze %dma_wait3A_28 : memref<1x80x128xi32, #tpu.memory_space<hbm>> -> memref<80x128xi32, #tpu.memory_space<hbm>>
      tpu.wait_dma2 semaphore(%run_scoped3A_19 : memref<!tpu.dma_semaphore, #tpu.memory_space<semaphore_mem>>) src(%dma_wait3A_29 : memref<80x128xi32, #tpu.memory_space<hbm>>) dst(%arg5 : memref<80x128xi32, #tpu.memory_space<vmem>>)
      tpu.yield
    }) : () -> ()
    %broadcast_in_dim3A = arith.constant 0.000000e+00 : f32
    %broadcast_in_dim3A_3 = vector.broadcast %broadcast_in_dim3A : f32 to vector<16xf32>
    %scan3A = arith.constant 0 : i32
    %scan3A_4 = arith.constant 0 : i32
    %scan3A_5 = arith.constant 640 : i32
    %scan3A_6 = arith.addi %scan3A_4, %scan3A_5 : i32
    %scan3A_7 = arith.constant 1 : i32
    %scan3A_8 = scf.for %scan3A_19 = %scan3A_4 to %scan3A_6 step %scan3A_7 iter_args(%scan3A_20 = %scan3A) -> (i32)  : i32 {
      %mul3A_21 = arith.constant 16 : i32
      %mul3A_22 = arith.muli %scan3A_19, %mul3A_21 : i32
      %multiple_of3A_23 = tpu.assume_multiple %mul3A_22, 16 : i32
      %swap3A = arith.index_cast %multiple_of3A_23 : i32 to index
      %swap3A_24 = tpu.vector_load %arg4[%swap3A] {strides = array<i32>} : memref<10240xf32, #tpu.memory_space<vmem>>, vector<16xf32>,
      tpu.vector_store %arg4[%swap3A], %broadcast_in_dim3A_3 {strides = array<i32>} : memref<10240xf32, #tpu.memory_space<vmem>>, vector<16xf32>,
      %scan3A_25 = arith.constant 0 : i32
      scf.yield %scan3A_25 : i32
    }
    %scan3A_9 = arith.constant 640 : i32
    %broadcast_in_dim3A_10 = arith.constant 1.000000e+00 : f32
    %broadcast_in_dim3A_11 = vector.broadcast %broadcast_in_dim3A_10 : f32 to vector<16xf32>
    %scan3A_12 = arith.constant 0 : i32
    %scan3A_13 = arith.constant 0 : i32
    %scan3A_14 = arith.constant 80 : i32
    %scan3A_15 = arith.addi %scan3A_13, %scan3A_14 : i32
    %scan3A_16 = arith.constant 1 : i32
    %scan3A_17 = scf.for %scan3A_19 = %scan3A_13 to %scan3A_15 step %scan3A_16 iter_args(%scan3A_20 = %scan3A_12) -> (i32)  : i32 {
      %get3A = arith.index_cast %scan3A_19 : i32 to index
      %get3A_21 = arith.constant 0 : index
      %get3A_22 = tpu.vector_load %arg5[%get3A, %get3A_21] {strides = array<i32>} : memref<80x128xi32, #tpu.memory_space<vmem>>, vector<16xi32>,
      tpu.vector_store_idx %arg4[%get3A_22], %broadcast_in_dim3A_11 {add = true} : memref<10240xf32, #tpu.memory_space<vmem>>[vector<16xi32>], vector<16xf32>,
      %get3A_23 = arith.index_cast %scan3A_19 : i32 to index
      %get3A_24 = arith.constant 16 : index
      %get3A_25 = tpu.vector_load %arg5[%get3A_23, %get3A_24] {strides = array<i32>} : memref<80x128xi32, #tpu.memory_space<vmem>>, vector<16xi32>,
      tpu.vector_store_idx %arg4[%get3A_25], %broadcast_in_dim3A_11 {add = true} : memref<10240xf32, #tpu.memory_space<vmem>>[vector<16xi32>], vector<16xf32>,
      %get3A_26 = arith.index_cast %scan3A_19 : i32 to index
      %get3A_27 = arith.constant 32 : index
      %get3A_28 = tpu.vector_load %arg5[%get3A_26, %get3A_27] {strides = array<i32>} : memref<80x128xi32, #tpu.memory_space<vmem>>, vector<16xi32>,
      tpu.vector_store_idx %arg4[%get3A_28], %broadcast_in_dim3A_11 {add = true} : memref<10240xf32, #tpu.memory_space<vmem>>[vector<16xi32>], vector<16xf32>,
      %get3A_29 = arith.index_cast %scan3A_19 : i32 to index
      %get3A_30 = arith.constant 48 : index
      %get3A_31 = tpu.vector_load %arg5[%get3A_29, %get3A_30] {strides = array<i32>} : memref<80x128xi32, #tpu.memory_space<vmem>>, vector<16xi32>,
      tpu.vector_store_idx %arg4[%get3A_31], %broadcast_in_dim3A_11 {add = true} : memref<10240xf32, #tpu.memory_space<vmem>>[vector<16xi32>], vector<16xf32>,
      %get3A_32 = arith.index_cast %scan3A_19 : i32 to index
      %get3A_33 = arith.constant 64 : index
      %get3A_34 = tpu.vector_load %arg5[%get3A_32, %get3A_33] {strides = array<i32>} : memref<80x128xi32, #tpu.memory_space<vmem>>, vector<16xi32>,
      tpu.vector_store_idx %arg4[%get3A_34], %broadcast_in_dim3A_11 {add = true} : memref<10240xf32, #tpu.memory_space<vmem>>[vector<16xi32>], vector<16xf32>,
      %get3A_35 = arith.index_cast %scan3A_19 : i32 to index
      %get3A_36 = arith.constant 80 : index
      %get3A_37 = tpu.vector_load %arg5[%get3A_35, %get3A_36] {strides = array<i32>} : memref<80x128xi32, #tpu.memory_space<vmem>>, vector<16xi32>,
      tpu.vector_store_idx %arg4[%get3A_37], %broadcast_in_dim3A_11 {add = true} : memref<10240xf32, #tpu.memory_space<vmem>>[vector<16xi32>], vector<16xf32>,
      %get3A_38 = arith.index_cast %scan3A_19 : i32 to index
      %get3A_39 = arith.constant 96 : index
      %get3A_40 = tpu.vector_load %arg5[%get3A_38, %get3A_39] {strides = array<i32>} : memref<80x128xi32, #tpu.memory_space<vmem>>, vector<16xi32>,
      tpu.vector_store_idx %arg4[%get3A_40], %broadcast_in_dim3A_11 {add = true} : memref<10240xf32, #tpu.memory_space<vmem>>[vector<16xi32>], vector<16xf32>,
      %get3A_41 = arith.index_cast %scan3A_19 : i32 to index
      %get3A_42 = arith.constant 112 : index
      %get3A_43 = tpu.vector_load %arg5[%get3A_41, %get3A_42] {strides = array<i32>} : memref<80x128xi32, #tpu.memory_space<vmem>>, vector<16xi32>,
      tpu.vector_store_idx %arg4[%get3A_43], %broadcast_in_dim3A_11 {add = true} : memref<10240xf32, #tpu.memory_space<vmem>>[vector<16xi32>], vector<16xf32>,
      %scan3A_44 = arith.constant 0 : i32
      scf.yield %scan3A_44 : i32
    }
    %scan3A_18 = arith.constant 80 : i32
    "tpu.region"() ({
      %run_scoped3A_19 = tpu.sem_alloc : memref<!tpu.dma_semaphore, #tpu.memory_space<semaphore_mem>>
      %dma_start3A = arith.constant 0 : i32
      %dma_start3A_20 = tpu.memref_slice %arg3[%add3A, %dma_start3A] : memref<32x10240xf32, #tpu.memory_space<hbm>> -> memref<1x10240xf32, #tpu.memory_space<hbm>>
      %dma_start3A_21 = tpu.memref_squeeze %dma_start3A_20 : memref<1x10240xf32, #tpu.memory_space<hbm>> -> memref<10240xf32, #tpu.memory_space<hbm>>
      %dma_start3A_22 = arith.constant 0 : i32
      %dma_start3A_23 = tpu.memref_slice %arg3[%add3A, %dma_start3A_22] : memref<32x10240xf32, #tpu.memory_space<hbm>> -> memref<1x10240xf32, #tpu.memory_space<hbm>>
      %dma_start3A_24 = tpu.memref_squeeze %dma_start3A_23 : memref<1x10240xf32, #tpu.memory_space<hbm>> -> memref<10240xf32, #tpu.memory_space<hbm>>
      tpu.enqueue_dma source(%arg4 : memref<10240xf32, #tpu.memory_space<vmem>>) target(%dma_start3A_24 : memref<10240xf32, #tpu.memory_space<hbm>>) target_semaphore(%run_scoped3A_19 : memref<!tpu.dma_semaphore, #tpu.memory_space<semaphore_mem>>)
      %dma_wait3A = arith.constant 0 : i32
      %dma_wait3A_25 = tpu.memref_slice %arg3[%add3A, %dma_wait3A] : memref<32x10240xf32, #tpu.memory_space<hbm>> -> memref<1x10240xf32, #tpu.memory_space<hbm>>
      %dma_wait3A_26 = tpu.memref_squeeze %dma_wait3A_25 : memref<1x10240xf32, #tpu.memory_space<hbm>> -> memref<10240xf32, #tpu.memory_space<hbm>>
      %dma_wait3A_27 = arith.constant 0 : i32
      %dma_wait3A_28 = tpu.memref_slice %arg3[%add3A, %dma_wait3A_27] : memref<32x10240xf32, #tpu.memory_space<hbm>> -> memref<1x10240xf32, #tpu.memory_space<hbm>>
      %dma_wait3A_29 = tpu.memref_squeeze %dma_wait3A_28 : memref<1x10240xf32, #tpu.memory_space<hbm>> -> memref<10240xf32, #tpu.memory_space<hbm>>
      tpu.wait_dma2 semaphore(%run_scoped3A_19 : memref<!tpu.dma_semaphore, #tpu.memory_space<semaphore_mem>>) src(%arg4 : memref<10240xf32, #tpu.memory_space<vmem>>) dst(%dma_wait3A_29 : memref<10240xf32, #tpu.memory_space<hbm>>)
      tpu.yield
    }) : () -> ()
    return
  }
}

#map = affine_map<(d0, d1) -> (0, 0, 0)>
#map1 = affine_map<(d0, d1) -> (0, 0)>
module attributes {stable_mosaic.version = 14 : i64} {
  func.func @scat_kernel(%arg0: i32, %arg1: i32, %arg2: memref<2x2560x128xi32, #tpu.memory_space<hbm>>, %arg3: memref<10240x32xf32, #tpu.memory_space<hbm>>, %arg4: memref<640x32xf32, #tpu.memory_space<hbm>>, %arg5: memref<2x10240x32xf32, #tpu.memory_space<hbm>>, %arg6: memref<10240x32xf32, #tpu.memory_space<vmem_shared>>, %arg7: memref<80x128xi32, #tpu.memory_space<vmem>>, %arg8: memref<80x128xi32, #tpu.memory_space<vmem>>, %arg9: memref<8x128x32xf32, #tpu.memory_space<vmem>>, %arg10: memref<!tpu.dma_semaphore, #tpu.memory_space<semaphore_mem>>, %arg11: memref<!tpu.dma_semaphore, #tpu.memory_space<semaphore_mem>>, %arg12: memref<!tpu.dma_semaphore, #tpu.memory_space<semaphore_mem>>, %arg13: memref<!tpu.dma_semaphore, #tpu.memory_space<semaphore_mem>>, %arg14: memref<!tpu.dma_semaphore, #tpu.memory_space<semaphore_mem>>, %arg15: memref<!tpu.dma_semaphore, #tpu.memory_space<semaphore_mem>>, %arg16: memref<!tpu.dma_semaphore, #tpu.memory_space<semaphore_mem>>, %arg17: memref<!tpu.dma_semaphore, #tpu.memory_space<semaphore_mem>>, %arg18: memref<!tpu.dma_semaphore, #tpu.memory_space<semaphore_mem>>, %arg19: memref<!tpu.dma_semaphore, #tpu.memory_space<semaphore_mem>>, %arg20: memref<!tpu.dma_semaphore, #tpu.memory_space<semaphore_mem>>, %arg21: memref<!tpu.dma_semaphore, #tpu.memory_space<semaphore_mem>>, %arg22: memref<!tpu.dma_semaphore, #tpu.memory_space<semaphore_mem>>, %arg23: memref<!tpu.dma_semaphore, #tpu.memory_space<semaphore_mem>>, %arg24: memref<!tpu.dma_semaphore, #tpu.memory_space<semaphore_mem>>, %arg25: memref<!tpu.dma_semaphore, #tpu.memory_space<semaphore_mem>>) attributes {dimension_semantics = [#tpu.dimension_semantics<core_parallel>, #tpu.dimension_semantics<subcore_parallel>], iteration_bounds = array<i64: 2, 16>, scalar_prefetch = 0 : i64, scratch_operands = 20 : i64, tpu.core_type = #tpu.core_type<sc_vector_subcore>, window_params = [{transform_indices = #map}, {transform_indices = #map1}, {transform_indices = #map1}, {transform_indices = #map}]} {
    %mul3A = arith.constant 16 : i32
    %mul3A_0 = arith.muli %arg0, %mul3A : i32
    %add3A = arith.addi %mul3A_0, %arg1 : i32
    %mul3A_1 = arith.constant 80 : i32
    %mul3A_2 = arith.muli %add3A, %mul3A_1 : i32
    %multiple_of3A = tpu.assume_multiple %mul3A_2, 80 : i32
    %mul3A_3 = arith.constant 640 : i32
    %mul3A_4 = arith.muli %arg1, %mul3A_3 : i32
    %multiple_of3A_5 = tpu.assume_multiple %mul3A_4, 640 : i32
    "tpu.region"() ({
      %run_scoped3A_14 = tpu.sem_alloc : memref<!tpu.dma_semaphore, #tpu.memory_space<semaphore_mem>>
      %dma_start3A = arith.constant 0 : i32
      %dma_start3A_15 = tpu.memref_slice %arg6[%multiple_of3A_5, %dma_start3A] : memref<10240x32xf32, #tpu.memory_space<vmem_shared>> -> memref<640x32xf32, #tpu.memory_space<vmem_shared>>
      tpu.enqueue_dma source(%arg4 : memref<640x32xf32, #tpu.memory_space<hbm>>) target(%dma_start3A_15 : memref<640x32xf32, #tpu.memory_space<vmem_shared>>) target_semaphore(%run_scoped3A_14 : memref<!tpu.dma_semaphore, #tpu.memory_space<semaphore_mem>>)
      %dma_wait3A = arith.constant 0 : i32
      %dma_wait3A_16 = tpu.memref_slice %arg6[%multiple_of3A_5, %dma_wait3A] : memref<10240x32xf32, #tpu.memory_space<vmem_shared>> -> memref<640x32xf32, #tpu.memory_space<vmem_shared>>
      tpu.wait_dma2 semaphore(%run_scoped3A_14 : memref<!tpu.dma_semaphore, #tpu.memory_space<semaphore_mem>>) src(%arg4 : memref<640x32xf32, #tpu.memory_space<hbm>>) dst(%dma_wait3A_16 : memref<640x32xf32, #tpu.memory_space<vmem_shared>>)
      tpu.yield
    }) : () -> ()
    %run_scoped3A = arith.constant 0 : i32
    "tpu.region"() ({
      %run_scoped3A_14 = tpu.sem_alloc : memref<!tpu.dma_semaphore, #tpu.memory_space<semaphore_mem>>
      %dma_start3A = arith.constant 0 : i32
      %dma_start3A_15 = tpu.memref_slice %arg2[%run_scoped3A, %multiple_of3A, %dma_start3A] : memref<2x2560x128xi32, #tpu.memory_space<hbm>> -> memref<1x80x128xi32, #tpu.memory_space<hbm>>
      %dma_start3A_16 = tpu.memref_squeeze %dma_start3A_15 : memref<1x80x128xi32, #tpu.memory_space<hbm>> -> memref<80x128xi32, #tpu.memory_space<hbm>>
      %dma_start3A_17 = arith.constant 0 : i32
      %dma_start3A_18 = tpu.memref_slice %arg2[%run_scoped3A, %multiple_of3A, %dma_start3A_17] : memref<2x2560x128xi32, #tpu.memory_space<hbm>> -> memref<1x80x128xi32, #tpu.memory_space<hbm>>
      %dma_start3A_19 = tpu.memref_squeeze %dma_start3A_18 : memref<1x80x128xi32, #tpu.memory_space<hbm>> -> memref<80x128xi32, #tpu.memory_space<hbm>>
      tpu.enqueue_dma source(%dma_start3A_19 : memref<80x128xi32, #tpu.memory_space<hbm>>) target(%arg7 : memref<80x128xi32, #tpu.memory_space<vmem>>) target_semaphore(%run_scoped3A_14 : memref<!tpu.dma_semaphore, #tpu.memory_space<semaphore_mem>>)
      %dma_wait3A = arith.constant 0 : i32
      %dma_wait3A_20 = tpu.memref_slice %arg2[%run_scoped3A, %multiple_of3A, %dma_wait3A] : memref<2x2560x128xi32, #tpu.memory_space<hbm>> -> memref<1x80x128xi32, #tpu.memory_space<hbm>>
      %dma_wait3A_21 = tpu.memref_squeeze %dma_wait3A_20 : memref<1x80x128xi32, #tpu.memory_space<hbm>> -> memref<80x128xi32, #tpu.memory_space<hbm>>
      %dma_wait3A_22 = arith.constant 0 : i32
      %dma_wait3A_23 = tpu.memref_slice %arg2[%run_scoped3A, %multiple_of3A, %dma_wait3A_22] : memref<2x2560x128xi32, #tpu.memory_space<hbm>> -> memref<1x80x128xi32, #tpu.memory_space<hbm>>
      %dma_wait3A_24 = tpu.memref_squeeze %dma_wait3A_23 : memref<1x80x128xi32, #tpu.memory_space<hbm>> -> memref<80x128xi32, #tpu.memory_space<hbm>>
      tpu.wait_dma2 semaphore(%run_scoped3A_14 : memref<!tpu.dma_semaphore, #tpu.memory_space<semaphore_mem>>) src(%dma_wait3A_24 : memref<80x128xi32, #tpu.memory_space<hbm>>) dst(%arg7 : memref<80x128xi32, #tpu.memory_space<vmem>>)
      tpu.yield
    }) : () -> ()
    %run_scoped3A_6 = arith.constant 1 : i32
    "tpu.region"() ({
      %run_scoped3A_14 = tpu.sem_alloc : memref<!tpu.dma_semaphore, #tpu.memory_space<semaphore_mem>>
      %dma_start3A = arith.constant 0 : i32
      %dma_start3A_15 = tpu.memref_slice %arg2[%run_scoped3A_6, %multiple_of3A, %dma_start3A] : memref<2x2560x128xi32, #tpu.memory_space<hbm>> -> memref<1x80x128xi32, #tpu.memory_space<hbm>>
      %dma_start3A_16 = tpu.memref_squeeze %dma_start3A_15 : memref<1x80x128xi32, #tpu.memory_space<hbm>> -> memref<80x128xi32, #tpu.memory_space<hbm>>
      %dma_start3A_17 = arith.constant 0 : i32
      %dma_start3A_18 = tpu.memref_slice %arg2[%run_scoped3A_6, %multiple_of3A, %dma_start3A_17] : memref<2x2560x128xi32, #tpu.memory_space<hbm>> -> memref<1x80x128xi32, #tpu.memory_space<hbm>>
      %dma_start3A_19 = tpu.memref_squeeze %dma_start3A_18 : memref<1x80x128xi32, #tpu.memory_space<hbm>> -> memref<80x128xi32, #tpu.memory_space<hbm>>
      tpu.enqueue_dma source(%dma_start3A_19 : memref<80x128xi32, #tpu.memory_space<hbm>>) target(%arg8 : memref<80x128xi32, #tpu.memory_space<vmem>>) target_semaphore(%run_scoped3A_14 : memref<!tpu.dma_semaphore, #tpu.memory_space<semaphore_mem>>)
      %dma_wait3A = arith.constant 0 : i32
      %dma_wait3A_20 = tpu.memref_slice %arg2[%run_scoped3A_6, %multiple_of3A, %dma_wait3A] : memref<2x2560x128xi32, #tpu.memory_space<hbm>> -> memref<1x80x128xi32, #tpu.memory_space<hbm>>
      %dma_wait3A_21 = tpu.memref_squeeze %dma_wait3A_20 : memref<1x80x128xi32, #tpu.memory_space<hbm>> -> memref<80x128xi32, #tpu.memory_space<hbm>>
      %dma_wait3A_22 = arith.constant 0 : i32
      %dma_wait3A_23 = tpu.memref_slice %arg2[%run_scoped3A_6, %multiple_of3A, %dma_wait3A_22] : memref<2x2560x128xi32, #tpu.memory_space<hbm>> -> memref<1x80x128xi32, #tpu.memory_space<hbm>>
      %dma_wait3A_24 = tpu.memref_squeeze %dma_wait3A_23 : memref<1x80x128xi32, #tpu.memory_space<hbm>> -> memref<80x128xi32, #tpu.memory_space<hbm>>
      tpu.wait_dma2 semaphore(%run_scoped3A_14 : memref<!tpu.dma_semaphore, #tpu.memory_space<semaphore_mem>>) src(%dma_wait3A_24 : memref<80x128xi32, #tpu.memory_space<hbm>>) dst(%arg8 : memref<80x128xi32, #tpu.memory_space<vmem>>)
      tpu.yield
    }) : () -> ()
    %barrier3A = arith.constant 0 : index
    tpu.barrier barrier_id(%barrier3A)
    %scan3A = arith.constant 0 : i32
    %scan3A_7 = arith.constant 0 : i32
    %scan3A_8 = arith.constant 10 : i32
    %scan3A_9 = arith.addi %scan3A_7, %scan3A_8 : i32
    %scan3A_10 = arith.constant 1 : i32
    %scan3A_11 = scf.for %scan3A_14 = %scan3A_7 to %scan3A_9 step %scan3A_10 iter_args(%scan3A_15 = %scan3A) -> (i32)  : i32 {
      %mul3A_16 = arith.constant 8 : i32
      %mul3A_17 = arith.muli %scan3A_14, %mul3A_16 : i32
      %multiple_of3A_18 = tpu.assume_multiple %mul3A_17, 8 : i32
      %add3A_19 = arith.constant 0 : i32
      %add3A_20 = arith.addi %multiple_of3A_18, %add3A_19 : i32
      %dma_start3A = arith.constant 0 : i32
      %dma_start3A_21 = arith.constant 0 : i32
      %dma_start3A_22 = arith.constant 0 : i32
      %dma_start3A_23 = tpu.memref_slice %arg9[%dma_start3A, %dma_start3A_21, %dma_start3A_22] : memref<8x128x32xf32, #tpu.memory_space<vmem>> -> memref<1x128x32xf32, #tpu.memory_space<vmem>>
      %dma_start3A_24 = tpu.memref_squeeze %dma_start3A_23 : memref<1x128x32xf32, #tpu.memory_space<vmem>> -> memref<128x32xf32, #tpu.memory_space<vmem>>
      %dma_start3A_25 = arith.constant 0 : i32
      %dma_start3A_26 = tpu.memref_slice %arg7[%add3A_20, %dma_start3A_25] : memref<80x128xi32, #tpu.memory_space<vmem>> -> memref<1x128xi32, #tpu.memory_space<vmem>>
      %dma_start3A_27 = tpu.memref_squeeze %dma_start3A_26 : memref<1x128xi32, #tpu.memory_space<vmem>> -> memref<128xi32, #tpu.memory_space<vmem>>
      %dma_start3A_28 = arith.constant 0 : i32
      %dma_start3A_29 = arith.constant 0 : i32
      %dma_start3A_30 = tpu.memref_slice %arg3[%dma_start3A_28, %dma_start3A_29] : memref<10240x32xf32, #tpu.memory_space<hbm>> -> memref<10240x32xf32, #tpu.memory_space<hbm>>
      tpu.enqueue_indirect_dma source(%dma_start3A_30 : memref<10240x32xf32, #tpu.memory_space<hbm>>) target(%dma_start3A_24 : memref<128x32xf32, #tpu.memory_space<vmem>>) offsets(%dma_start3A_27 : memref<128xi32, #tpu.memory_space<vmem>>) semaphore(%arg10 : memref<!tpu.dma_semaphore, #tpu.memory_space<semaphore_mem>>)
      %add3A_31 = arith.constant 1 : i32
      %add3A_32 = arith.addi %multiple_of3A_18, %add3A_31 : i32
      %dma_start3A_33 = arith.constant 1 : i32
      %dma_start3A_34 = arith.constant 0 : i32
      %dma_start3A_35 = arith.constant 0 : i32
      %dma_start3A_36 = tpu.memref_slice %arg9[%dma_start3A_33, %dma_start3A_34, %dma_start3A_35] : memref<8x128x32xf32, #tpu.memory_space<vmem>> -> memref<1x128x32xf32, #tpu.memory_space<vmem>>
      %dma_start3A_37 = tpu.memref_squeeze %dma_start3A_36 : memref<1x128x32xf32, #tpu.memory_space<vmem>> -> memref<128x32xf32, #tpu.memory_space<vmem>>
      %dma_start3A_38 = arith.constant 0 : i32
      %dma_start3A_39 = tpu.memref_slice %arg7[%add3A_32, %dma_start3A_38] : memref<80x128xi32, #tpu.memory_space<vmem>> -> memref<1x128xi32, #tpu.memory_space<vmem>>
      %dma_start3A_40 = tpu.memref_squeeze %dma_start3A_39 : memref<1x128xi32, #tpu.memory_space<vmem>> -> memref<128xi32, #tpu.memory_space<vmem>>
      %dma_start3A_41 = arith.constant 0 : i32
      %dma_start3A_42 = arith.constant 0 : i32
      %dma_start3A_43 = tpu.memref_slice %arg3[%dma_start3A_41, %dma_start3A_42] : memref<10240x32xf32, #tpu.memory_space<hbm>> -> memref<10240x32xf32, #tpu.memory_space<hbm>>
      tpu.enqueue_indirect_dma source(%dma_start3A_43 : memref<10240x32xf32, #tpu.memory_space<hbm>>) target(%dma_start3A_37 : memref<128x32xf32, #tpu.memory_space<vmem>>) offsets(%dma_start3A_40 : memref<128xi32, #tpu.memory_space<vmem>>) semaphore(%arg11 : memref<!tpu.dma_semaphore, #tpu.memory_space<semaphore_mem>>)
      %add3A_44 = arith.constant 2 : i32
      %add3A_45 = arith.addi %multiple_of3A_18, %add3A_44 : i32
      %dma_start3A_46 = arith.constant 2 : i32
      %dma_start3A_47 = arith.constant 0 : i32
      %dma_start3A_48 = arith.constant 0 : i32
      %dma_start3A_49 = tpu.memref_slice %arg9[%dma_start3A_46, %dma_start3A_47, %dma_start3A_48] : memref<8x128x32xf32, #tpu.memory_space<vmem>> -> memref<1x128x32xf32, #tpu.memory_space<vmem>>
      %dma_start3A_50 = tpu.memref_squeeze %dma_start3A_49 : memref<1x128x32xf32, #tpu.memory_space<vmem>> -> memref<128x32xf32, #tpu.memory_space<vmem>>
      %dma_start3A_51 = arith.constant 0 : i32
      %dma_start3A_52 = tpu.memref_slice %arg7[%add3A_45, %dma_start3A_51] : memref<80x128xi32, #tpu.memory_space<vmem>> -> memref<1x128xi32, #tpu.memory_space<vmem>>
      %dma_start3A_53 = tpu.memref_squeeze %dma_start3A_52 : memref<1x128xi32, #tpu.memory_space<vmem>> -> memref<128xi32, #tpu.memory_space<vmem>>
      %dma_start3A_54 = arith.constant 0 : i32
      %dma_start3A_55 = arith.constant 0 : i32
      %dma_start3A_56 = tpu.memref_slice %arg3[%dma_start3A_54, %dma_start3A_55] : memref<10240x32xf32, #tpu.memory_space<hbm>> -> memref<10240x32xf32, #tpu.memory_space<hbm>>
      tpu.enqueue_indirect_dma source(%dma_start3A_56 : memref<10240x32xf32, #tpu.memory_space<hbm>>) target(%dma_start3A_50 : memref<128x32xf32, #tpu.memory_space<vmem>>) offsets(%dma_start3A_53 : memref<128xi32, #tpu.memory_space<vmem>>) semaphore(%arg12 : memref<!tpu.dma_semaphore, #tpu.memory_space<semaphore_mem>>)
      %add3A_57 = arith.constant 3 : i32
      %add3A_58 = arith.addi %multiple_of3A_18, %add3A_57 : i32
      %dma_start3A_59 = arith.constant 3 : i32
      %dma_start3A_60 = arith.constant 0 : i32
      %dma_start3A_61 = arith.constant 0 : i32
      %dma_start3A_62 = tpu.memref_slice %arg9[%dma_start3A_59, %dma_start3A_60, %dma_start3A_61] : memref<8x128x32xf32, #tpu.memory_space<vmem>> -> memref<1x128x32xf32, #tpu.memory_space<vmem>>
      %dma_start3A_63 = tpu.memref_squeeze %dma_start3A_62 : memref<1x128x32xf32, #tpu.memory_space<vmem>> -> memref<128x32xf32, #tpu.memory_space<vmem>>
      %dma_start3A_64 = arith.constant 0 : i32
      %dma_start3A_65 = tpu.memref_slice %arg7[%add3A_58, %dma_start3A_64] : memref<80x128xi32, #tpu.memory_space<vmem>> -> memref<1x128xi32, #tpu.memory_space<vmem>>
      %dma_start3A_66 = tpu.memref_squeeze %dma_start3A_65 : memref<1x128xi32, #tpu.memory_space<vmem>> -> memref<128xi32, #tpu.memory_space<vmem>>
      %dma_start3A_67 = arith.constant 0 : i32
      %dma_start3A_68 = arith.constant 0 : i32
      %dma_start3A_69 = tpu.memref_slice %arg3[%dma_start3A_67, %dma_start3A_68] : memref<10240x32xf32, #tpu.memory_space<hbm>> -> memref<10240x32xf32, #tpu.memory_space<hbm>>
      tpu.enqueue_indirect_dma source(%dma_start3A_69 : memref<10240x32xf32, #tpu.memory_space<hbm>>) target(%dma_start3A_63 : memref<128x32xf32, #tpu.memory_space<vmem>>) offsets(%dma_start3A_66 : memref<128xi32, #tpu.memory_space<vmem>>) semaphore(%arg13 : memref<!tpu.dma_semaphore, #tpu.memory_space<semaphore_mem>>)
      %add3A_70 = arith.constant 4 : i32
      %add3A_71 = arith.addi %multiple_of3A_18, %add3A_70 : i32
      %dma_start3A_72 = arith.constant 4 : i32
      %dma_start3A_73 = arith.constant 0 : i32
      %dma_start3A_74 = arith.constant 0 : i32
      %dma_start3A_75 = tpu.memref_slice %arg9[%dma_start3A_72, %dma_start3A_73, %dma_start3A_74] : memref<8x128x32xf32, #tpu.memory_space<vmem>> -> memref<1x128x32xf32, #tpu.memory_space<vmem>>
      %dma_start3A_76 = tpu.memref_squeeze %dma_start3A_75 : memref<1x128x32xf32, #tpu.memory_space<vmem>> -> memref<128x32xf32, #tpu.memory_space<vmem>>
      %dma_start3A_77 = arith.constant 0 : i32
      %dma_start3A_78 = tpu.memref_slice %arg7[%add3A_71, %dma_start3A_77] : memref<80x128xi32, #tpu.memory_space<vmem>> -> memref<1x128xi32, #tpu.memory_space<vmem>>
      %dma_start3A_79 = tpu.memref_squeeze %dma_start3A_78 : memref<1x128xi32, #tpu.memory_space<vmem>> -> memref<128xi32, #tpu.memory_space<vmem>>
      %dma_start3A_80 = arith.constant 0 : i32
      %dma_start3A_81 = arith.constant 0 : i32
      %dma_start3A_82 = tpu.memref_slice %arg3[%dma_start3A_80, %dma_start3A_81] : memref<10240x32xf32, #tpu.memory_space<hbm>> -> memref<10240x32xf32, #tpu.memory_space<hbm>>
      tpu.enqueue_indirect_dma source(%dma_start3A_82 : memref<10240x32xf32, #tpu.memory_space<hbm>>) target(%dma_start3A_76 : memref<128x32xf32, #tpu.memory_space<vmem>>) offsets(%dma_start3A_79 : memref<128xi32, #tpu.memory_space<vmem>>) semaphore(%arg14 : memref<!tpu.dma_semaphore, #tpu.memory_space<semaphore_mem>>)
      %add3A_83 = arith.constant 5 : i32
      %add3A_84 = arith.addi %multiple_of3A_18, %add3A_83 : i32
      %dma_start3A_85 = arith.constant 5 : i32
      %dma_start3A_86 = arith.constant 0 : i32
      %dma_start3A_87 = arith.constant 0 : i32
      %dma_start3A_88 = tpu.memref_slice %arg9[%dma_start3A_85, %dma_start3A_86, %dma_start3A_87] : memref<8x128x32xf32, #tpu.memory_space<vmem>> -> memref<1x128x32xf32, #tpu.memory_space<vmem>>
      %dma_start3A_89 = tpu.memref_squeeze %dma_start3A_88 : memref<1x128x32xf32, #tpu.memory_space<vmem>> -> memref<128x32xf32, #tpu.memory_space<vmem>>
      %dma_start3A_90 = arith.constant 0 : i32
      %dma_start3A_91 = tpu.memref_slice %arg7[%add3A_84, %dma_start3A_90] : memref<80x128xi32, #tpu.memory_space<vmem>> -> memref<1x128xi32, #tpu.memory_space<vmem>>
      %dma_start3A_92 = tpu.memref_squeeze %dma_start3A_91 : memref<1x128xi32, #tpu.memory_space<vmem>> -> memref<128xi32, #tpu.memory_space<vmem>>
      %dma_start3A_93 = arith.constant 0 : i32
      %dma_start3A_94 = arith.constant 0 : i32
      %dma_start3A_95 = tpu.memref_slice %arg3[%dma_start3A_93, %dma_start3A_94] : memref<10240x32xf32, #tpu.memory_space<hbm>> -> memref<10240x32xf32, #tpu.memory_space<hbm>>
      tpu.enqueue_indirect_dma source(%dma_start3A_95 : memref<10240x32xf32, #tpu.memory_space<hbm>>) target(%dma_start3A_89 : memref<128x32xf32, #tpu.memory_space<vmem>>) offsets(%dma_start3A_92 : memref<128xi32, #tpu.memory_space<vmem>>) semaphore(%arg15 : memref<!tpu.dma_semaphore, #tpu.memory_space<semaphore_mem>>)
      %add3A_96 = arith.constant 6 : i32
      %add3A_97 = arith.addi %multiple_of3A_18, %add3A_96 : i32
      %dma_start3A_98 = arith.constant 6 : i32
      %dma_start3A_99 = arith.constant 0 : i32
      %dma_start3A_100 = arith.constant 0 : i32
      %dma_start3A_101 = tpu.memref_slice %arg9[%dma_start3A_98, %dma_start3A_99, %dma_start3A_100] : memref<8x128x32xf32, #tpu.memory_space<vmem>> -> memref<1x128x32xf32, #tpu.memory_space<vmem>>
      %dma_start3A_102 = tpu.memref_squeeze %dma_start3A_101 : memref<1x128x32xf32, #tpu.memory_space<vmem>> -> memref<128x32xf32, #tpu.memory_space<vmem>>
      %dma_start3A_103 = arith.constant 0 : i32
      %dma_start3A_104 = tpu.memref_slice %arg7[%add3A_97, %dma_start3A_103] : memref<80x128xi32, #tpu.memory_space<vmem>> -> memref<1x128xi32, #tpu.memory_space<vmem>>
      %dma_start3A_105 = tpu.memref_squeeze %dma_start3A_104 : memref<1x128xi32, #tpu.memory_space<vmem>> -> memref<128xi32, #tpu.memory_space<vmem>>
      %dma_start3A_106 = arith.constant 0 : i32
      %dma_start3A_107 = arith.constant 0 : i32
      %dma_start3A_108 = tpu.memref_slice %arg3[%dma_start3A_106, %dma_start3A_107] : memref<10240x32xf32, #tpu.memory_space<hbm>> -> memref<10240x32xf32, #tpu.memory_space<hbm>>
      tpu.enqueue_indirect_dma source(%dma_start3A_108 : memref<10240x32xf32, #tpu.memory_space<hbm>>) target(%dma_start3A_102 : memref<128x32xf32, #tpu.memory_space<vmem>>) offsets(%dma_start3A_105 : memref<128xi32, #tpu.memory_space<vmem>>) semaphore(%arg16 : memref<!tpu.dma_semaphore, #tpu.memory_space<semaphore_mem>>)
      %add3A_109 = arith.constant 7 : i32
      %add3A_110 = arith.addi %multiple_of3A_18, %add3A_109 : i32
      %dma_start3A_111 = arith.constant 7 : i32
      %dma_start3A_112 = arith.constant 0 : i32
      %dma_start3A_113 = arith.constant 0 : i32
      %dma_start3A_114 = tpu.memref_slice %arg9[%dma_start3A_111, %dma_start3A_112, %dma_start3A_113] : memref<8x128x32xf32, #tpu.memory_space<vmem>> -> memref<1x128x32xf32, #tpu.memory_space<vmem>>
      %dma_start3A_115 = tpu.memref_squeeze %dma_start3A_114 : memref<1x128x32xf32, #tpu.memory_space<vmem>> -> memref<128x32xf32, #tpu.memory_space<vmem>>
      %dma_start3A_116 = arith.constant 0 : i32
      %dma_start3A_117 = tpu.memref_slice %arg7[%add3A_110, %dma_start3A_116] : memref<80x128xi32, #tpu.memory_space<vmem>> -> memref<1x128xi32, #tpu.memory_space<vmem>>
      %dma_start3A_118 = tpu.memref_squeeze %dma_start3A_117 : memref<1x128xi32, #tpu.memory_space<vmem>> -> memref<128xi32, #tpu.memory_space<vmem>>
      %dma_start3A_119 = arith.constant 0 : i32
      %dma_start3A_120 = arith.constant 0 : i32
      %dma_start3A_121 = tpu.memref_slice %arg3[%dma_start3A_119, %dma_start3A_120] : memref<10240x32xf32, #tpu.memory_space<hbm>> -> memref<10240x32xf32, #tpu.memory_space<hbm>>
      tpu.enqueue_indirect_dma source(%dma_start3A_121 : memref<10240x32xf32, #tpu.memory_space<hbm>>) target(%dma_start3A_115 : memref<128x32xf32, #tpu.memory_space<vmem>>) offsets(%dma_start3A_118 : memref<128xi32, #tpu.memory_space<vmem>>) semaphore(%arg17 : memref<!tpu.dma_semaphore, #tpu.memory_space<semaphore_mem>>)
      %dma_wait3A = arith.constant 0 : i32
      %dma_wait3A_122 = arith.constant 0 : i32
      %dma_wait3A_123 = arith.constant 0 : i32
      %dma_wait3A_124 = tpu.memref_slice %arg9[%dma_wait3A, %dma_wait3A_122, %dma_wait3A_123] : memref<8x128x32xf32, #tpu.memory_space<vmem>> -> memref<1x128x32xf32, #tpu.memory_space<vmem>>
      %dma_wait3A_125 = tpu.memref_squeeze %dma_wait3A_124 : memref<1x128x32xf32, #tpu.memory_space<vmem>> -> memref<128x32xf32, #tpu.memory_space<vmem>>
      %dma_wait3A_126 = arith.constant 0 : i32
      %dma_wait3A_127 = tpu.memref_slice %arg7[%add3A_20, %dma_wait3A_126] : memref<80x128xi32, #tpu.memory_space<vmem>> -> memref<1x128xi32, #tpu.memory_space<vmem>>
      %dma_wait3A_128 = tpu.memref_squeeze %dma_wait3A_127 : memref<1x128xi32, #tpu.memory_space<vmem>> -> memref<128xi32, #tpu.memory_space<vmem>>
      %dma_wait3A_129 = arith.constant 0 : i32
      %dma_wait3A_130 = arith.constant 0 : i32
      %dma_wait3A_131 = tpu.memref_slice %arg3[%dma_wait3A_129, %dma_wait3A_130] : memref<10240x32xf32, #tpu.memory_space<hbm>> -> memref<10240x32xf32, #tpu.memory_space<hbm>>
      tpu.wait_indirect_dma semaphore(%arg10 : memref<!tpu.dma_semaphore, #tpu.memory_space<semaphore_mem>>) src(%dma_wait3A_131 : memref<10240x32xf32, #tpu.memory_space<hbm>>) dst(%dma_wait3A_125 : memref<128x32xf32, #tpu.memory_space<vmem>>)
      %add3A_132 = arith.constant 0 : i32
      %add3A_133 = arith.addi %multiple_of3A_18, %add3A_132 : i32
      %dma_start3A_134 = arith.constant 0 : i32
      %dma_start3A_135 = arith.constant 0 : i32
      %dma_start3A_136 = arith.constant 0 : i32
      %dma_start3A_137 = tpu.memref_slice %arg9[%dma_start3A_134, %dma_start3A_135, %dma_start3A_136] : memref<8x128x32xf32, #tpu.memory_space<vmem>> -> memref<1x128x32xf32, #tpu.memory_space<vmem>>
      %dma_start3A_138 = tpu.memref_squeeze %dma_start3A_137 : memref<1x128x32xf32, #tpu.memory_space<vmem>> -> memref<128x32xf32, #tpu.memory_space<vmem>>
      %dma_start3A_139 = arith.constant 0 : i32
      %dma_start3A_140 = tpu.memref_slice %arg8[%add3A_133, %dma_start3A_139] : memref<80x128xi32, #tpu.memory_space<vmem>> -> memref<1x128xi32, #tpu.memory_space<vmem>>
      %dma_start3A_141 = tpu.memref_squeeze %dma_start3A_140 : memref<1x128xi32, #tpu.memory_space<vmem>> -> memref<128xi32, #tpu.memory_space<vmem>>
      %dma_start3A_142 = arith.constant 0 : i32
      %dma_start3A_143 = arith.constant 0 : i32
      %dma_start3A_144 = tpu.memref_slice %arg6[%dma_start3A_142, %dma_start3A_143] : memref<10240x32xf32, #tpu.memory_space<vmem_shared>> -> memref<10240x32xf32, #tpu.memory_space<vmem_shared>>
      tpu.enqueue_indirect_dma source(%dma_start3A_138 : memref<128x32xf32, #tpu.memory_space<vmem>>) target(%dma_start3A_144 : memref<10240x32xf32, #tpu.memory_space<vmem_shared>>) offsets(%dma_start3A_141 : memref<128xi32, #tpu.memory_space<vmem>>) semaphore(%arg18 : memref<!tpu.dma_semaphore, #tpu.memory_space<semaphore_mem>>) {add = true}
      %dma_wait3A_145 = arith.constant 1 : i32
      %dma_wait3A_146 = arith.constant 0 : i32
      %dma_wait3A_147 = arith.constant 0 : i32
      %dma_wait3A_148 = tpu.memref_slice %arg9[%dma_wait3A_145, %dma_wait3A_146, %dma_wait3A_147] : memref<8x128x32xf32, #tpu.memory_space<vmem>> -> memref<1x128x32xf32, #tpu.memory_space<vmem>>
      %dma_wait3A_149 = tpu.memref_squeeze %dma_wait3A_148 : memref<1x128x32xf32, #tpu.memory_space<vmem>> -> memref<128x32xf32, #tpu.memory_space<vmem>>
      %dma_wait3A_150 = arith.constant 0 : i32
      %dma_wait3A_151 = tpu.memref_slice %arg7[%add3A_32, %dma_wait3A_150] : memref<80x128xi32, #tpu.memory_space<vmem>> -> memref<1x128xi32, #tpu.memory_space<vmem>>
      %dma_wait3A_152 = tpu.memref_squeeze %dma_wait3A_151 : memref<1x128xi32, #tpu.memory_space<vmem>> -> memref<128xi32, #tpu.memory_space<vmem>>
      %dma_wait3A_153 = arith.constant 0 : i32
      %dma_wait3A_154 = arith.constant 0 : i32
      %dma_wait3A_155 = tpu.memref_slice %arg3[%dma_wait3A_153, %dma_wait3A_154] : memref<10240x32xf32, #tpu.memory_space<hbm>> -> memref<10240x32xf32, #tpu.memory_space<hbm>>
      tpu.wait_indirect_dma semaphore(%arg11 : memref<!tpu.dma_semaphore, #tpu.memory_space<semaphore_mem>>) src(%dma_wait3A_155 : memref<10240x32xf32, #tpu.memory_space<hbm>>) dst(%dma_wait3A_149 : memref<128x32xf32, #tpu.memory_space<vmem>>)
      %add3A_156 = arith.constant 1 : i32
      %add3A_157 = arith.addi %multiple_of3A_18, %add3A_156 : i32
      %dma_start3A_158 = arith.constant 1 : i32
      %dma_start3A_159 = arith.constant 0 : i32
      %dma_start3A_160 = arith.constant 0 : i32
      %dma_start3A_161 = tpu.memref_slice %arg9[%dma_start3A_158, %dma_start3A_159, %dma_start3A_160] : memref<8x128x32xf32, #tpu.memory_space<vmem>> -> memref<1x128x32xf32, #tpu.memory_space<vmem>>
      %dma_start3A_162 = tpu.memref_squeeze %dma_start3A_161 : memref<1x128x32xf32, #tpu.memory_space<vmem>> -> memref<128x32xf32, #tpu.memory_space<vmem>>
      %dma_start3A_163 = arith.constant 0 : i32
      %dma_start3A_164 = tpu.memref_slice %arg8[%add3A_157, %dma_start3A_163] : memref<80x128xi32, #tpu.memory_space<vmem>> -> memref<1x128xi32, #tpu.memory_space<vmem>>
      %dma_start3A_165 = tpu.memref_squeeze %dma_start3A_164 : memref<1x128xi32, #tpu.memory_space<vmem>> -> memref<128xi32, #tpu.memory_space<vmem>>
      %dma_start3A_166 = arith.constant 0 : i32
      %dma_start3A_167 = arith.constant 0 : i32
      %dma_start3A_168 = tpu.memref_slice %arg6[%dma_start3A_166, %dma_start3A_167] : memref<10240x32xf32, #tpu.memory_space<vmem_shared>> -> memref<10240x32xf32, #tpu.memory_space<vmem_shared>>
      tpu.enqueue_indirect_dma source(%dma_start3A_162 : memref<128x32xf32, #tpu.memory_space<vmem>>) target(%dma_start3A_168 : memref<10240x32xf32, #tpu.memory_space<vmem_shared>>) offsets(%dma_start3A_165 : memref<128xi32, #tpu.memory_space<vmem>>) semaphore(%arg19 : memref<!tpu.dma_semaphore, #tpu.memory_space<semaphore_mem>>) {add = true}
      %dma_wait3A_169 = arith.constant 2 : i32
      %dma_wait3A_170 = arith.constant 0 : i32
      %dma_wait3A_171 = arith.constant 0 : i32
      %dma_wait3A_172 = tpu.memref_slice %arg9[%dma_wait3A_169, %dma_wait3A_170, %dma_wait3A_171] : memref<8x128x32xf32, #tpu.memory_space<vmem>> -> memref<1x128x32xf32, #tpu.memory_space<vmem>>
      %dma_wait3A_173 = tpu.memref_squeeze %dma_wait3A_172 : memref<1x128x32xf32, #tpu.memory_space<vmem>> -> memref<128x32xf32, #tpu.memory_space<vmem>>
      %dma_wait3A_174 = arith.constant 0 : i32
      %dma_wait3A_175 = tpu.memref_slice %arg7[%add3A_45, %dma_wait3A_174] : memref<80x128xi32, #tpu.memory_space<vmem>> -> memref<1x128xi32, #tpu.memory_space<vmem>>
      %dma_wait3A_176 = tpu.memref_squeeze %dma_wait3A_175 : memref<1x128xi32, #tpu.memory_space<vmem>> -> memref<128xi32, #tpu.memory_space<vmem>>
      %dma_wait3A_177 = arith.constant 0 : i32
      %dma_wait3A_178 = arith.constant 0 : i32
      %dma_wait3A_179 = tpu.memref_slice %arg3[%dma_wait3A_177, %dma_wait3A_178] : memref<10240x32xf32, #tpu.memory_space<hbm>> -> memref<10240x32xf32, #tpu.memory_space<hbm>>
      tpu.wait_indirect_dma semaphore(%arg12 : memref<!tpu.dma_semaphore, #tpu.memory_space<semaphore_mem>>) src(%dma_wait3A_179 : memref<10240x32xf32, #tpu.memory_space<hbm>>) dst(%dma_wait3A_173 : memref<128x32xf32, #tpu.memory_space<vmem>>)
      %add3A_180 = arith.constant 2 : i32
      %add3A_181 = arith.addi %multiple_of3A_18, %add3A_180 : i32
      %dma_start3A_182 = arith.constant 2 : i32
      %dma_start3A_183 = arith.constant 0 : i32
      %dma_start3A_184 = arith.constant 0 : i32
      %dma_start3A_185 = tpu.memref_slice %arg9[%dma_start3A_182, %dma_start3A_183, %dma_start3A_184] : memref<8x128x32xf32, #tpu.memory_space<vmem>> -> memref<1x128x32xf32, #tpu.memory_space<vmem>>
      %dma_start3A_186 = tpu.memref_squeeze %dma_start3A_185 : memref<1x128x32xf32, #tpu.memory_space<vmem>> -> memref<128x32xf32, #tpu.memory_space<vmem>>
      %dma_start3A_187 = arith.constant 0 : i32
      %dma_start3A_188 = tpu.memref_slice %arg8[%add3A_181, %dma_start3A_187] : memref<80x128xi32, #tpu.memory_space<vmem>> -> memref<1x128xi32, #tpu.memory_space<vmem>>
      %dma_start3A_189 = tpu.memref_squeeze %dma_start3A_188 : memref<1x128xi32, #tpu.memory_space<vmem>> -> memref<128xi32, #tpu.memory_space<vmem>>
      %dma_start3A_190 = arith.constant 0 : i32
      %dma_start3A_191 = arith.constant 0 : i32
      %dma_start3A_192 = tpu.memref_slice %arg6[%dma_start3A_190, %dma_start3A_191] : memref<10240x32xf32, #tpu.memory_space<vmem_shared>> -> memref<10240x32xf32, #tpu.memory_space<vmem_shared>>
      tpu.enqueue_indirect_dma source(%dma_start3A_186 : memref<128x32xf32, #tpu.memory_space<vmem>>) target(%dma_start3A_192 : memref<10240x32xf32, #tpu.memory_space<vmem_shared>>) offsets(%dma_start3A_189 : memref<128xi32, #tpu.memory_space<vmem>>) semaphore(%arg20 : memref<!tpu.dma_semaphore, #tpu.memory_space<semaphore_mem>>) {add = true}
      %dma_wait3A_193 = arith.constant 3 : i32
      %dma_wait3A_194 = arith.constant 0 : i32
      %dma_wait3A_195 = arith.constant 0 : i32
      %dma_wait3A_196 = tpu.memref_slice %arg9[%dma_wait3A_193, %dma_wait3A_194, %dma_wait3A_195] : memref<8x128x32xf32, #tpu.memory_space<vmem>> -> memref<1x128x32xf32, #tpu.memory_space<vmem>>
      %dma_wait3A_197 = tpu.memref_squeeze %dma_wait3A_196 : memref<1x128x32xf32, #tpu.memory_space<vmem>> -> memref<128x32xf32, #tpu.memory_space<vmem>>
      %dma_wait3A_198 = arith.constant 0 : i32
      %dma_wait3A_199 = tpu.memref_slice %arg7[%add3A_58, %dma_wait3A_198] : memref<80x128xi32, #tpu.memory_space<vmem>> -> memref<1x128xi32, #tpu.memory_space<vmem>>
      %dma_wait3A_200 = tpu.memref_squeeze %dma_wait3A_199 : memref<1x128xi32, #tpu.memory_space<vmem>> -> memref<128xi32, #tpu.memory_space<vmem>>
      %dma_wait3A_201 = arith.constant 0 : i32
      %dma_wait3A_202 = arith.constant 0 : i32
      %dma_wait3A_203 = tpu.memref_slice %arg3[%dma_wait3A_201, %dma_wait3A_202] : memref<10240x32xf32, #tpu.memory_space<hbm>> -> memref<10240x32xf32, #tpu.memory_space<hbm>>
      tpu.wait_indirect_dma semaphore(%arg13 : memref<!tpu.dma_semaphore, #tpu.memory_space<semaphore_mem>>) src(%dma_wait3A_203 : memref<10240x32xf32, #tpu.memory_space<hbm>>) dst(%dma_wait3A_197 : memref<128x32xf32, #tpu.memory_space<vmem>>)
      %add3A_204 = arith.constant 3 : i32
      %add3A_205 = arith.addi %multiple_of3A_18, %add3A_204 : i32
      %dma_start3A_206 = arith.constant 3 : i32
      %dma_start3A_207 = arith.constant 0 : i32
      %dma_start3A_208 = arith.constant 0 : i32
      %dma_start3A_209 = tpu.memref_slice %arg9[%dma_start3A_206, %dma_start3A_207, %dma_start3A_208] : memref<8x128x32xf32, #tpu.memory_space<vmem>> -> memref<1x128x32xf32, #tpu.memory_space<vmem>>
      %dma_start3A_210 = tpu.memref_squeeze %dma_start3A_209 : memref<1x128x32xf32, #tpu.memory_space<vmem>> -> memref<128x32xf32, #tpu.memory_space<vmem>>
      %dma_start3A_211 = arith.constant 0 : i32
      %dma_start3A_212 = tpu.memref_slice %arg8[%add3A_205, %dma_start3A_211] : memref<80x128xi32, #tpu.memory_space<vmem>> -> memref<1x128xi32, #tpu.memory_space<vmem>>
      %dma_start3A_213 = tpu.memref_squeeze %dma_start3A_212 : memref<1x128xi32, #tpu.memory_space<vmem>> -> memref<128xi32, #tpu.memory_space<vmem>>
      %dma_start3A_214 = arith.constant 0 : i32
      %dma_start3A_215 = arith.constant 0 : i32
      %dma_start3A_216 = tpu.memref_slice %arg6[%dma_start3A_214, %dma_start3A_215] : memref<10240x32xf32, #tpu.memory_space<vmem_shared>> -> memref<10240x32xf32, #tpu.memory_space<vmem_shared>>
      tpu.enqueue_indirect_dma source(%dma_start3A_210 : memref<128x32xf32, #tpu.memory_space<vmem>>) target(%dma_start3A_216 : memref<10240x32xf32, #tpu.memory_space<vmem_shared>>) offsets(%dma_start3A_213 : memref<128xi32, #tpu.memory_space<vmem>>) semaphore(%arg21 : memref<!tpu.dma_semaphore, #tpu.memory_space<semaphore_mem>>) {add = true}
      %dma_wait3A_217 = arith.constant 4 : i32
      %dma_wait3A_218 = arith.constant 0 : i32
      %dma_wait3A_219 = arith.constant 0 : i32
      %dma_wait3A_220 = tpu.memref_slice %arg9[%dma_wait3A_217, %dma_wait3A_218, %dma_wait3A_219] : memref<8x128x32xf32, #tpu.memory_space<vmem>> -> memref<1x128x32xf32, #tpu.memory_space<vmem>>
      %dma_wait3A_221 = tpu.memref_squeeze %dma_wait3A_220 : memref<1x128x32xf32, #tpu.memory_space<vmem>> -> memref<128x32xf32, #tpu.memory_space<vmem>>
      %dma_wait3A_222 = arith.constant 0 : i32
      %dma_wait3A_223 = tpu.memref_slice %arg7[%add3A_71, %dma_wait3A_222] : memref<80x128xi32, #tpu.memory_space<vmem>> -> memref<1x128xi32, #tpu.memory_space<vmem>>
      %dma_wait3A_224 = tpu.memref_squeeze %dma_wait3A_223 : memref<1x128xi32, #tpu.memory_space<vmem>> -> memref<128xi32, #tpu.memory_space<vmem>>
      %dma_wait3A_225 = arith.constant 0 : i32
      %dma_wait3A_226 = arith.constant 0 : i32
      %dma_wait3A_227 = tpu.memref_slice %arg3[%dma_wait3A_225, %dma_wait3A_226] : memref<10240x32xf32, #tpu.memory_space<hbm>> -> memref<10240x32xf32, #tpu.memory_space<hbm>>
      tpu.wait_indirect_dma semaphore(%arg14 : memref<!tpu.dma_semaphore, #tpu.memory_space<semaphore_mem>>) src(%dma_wait3A_227 : memref<10240x32xf32, #tpu.memory_space<hbm>>) dst(%dma_wait3A_221 : memref<128x32xf32, #tpu.memory_space<vmem>>)
      %add3A_228 = arith.constant 4 : i32
      %add3A_229 = arith.addi %multiple_of3A_18, %add3A_228 : i32
      %dma_start3A_230 = arith.constant 4 : i32
      %dma_start3A_231 = arith.constant 0 : i32
      %dma_start3A_232 = arith.constant 0 : i32
      %dma_start3A_233 = tpu.memref_slice %arg9[%dma_start3A_230, %dma_start3A_231, %dma_start3A_232] : memref<8x128x32xf32, #tpu.memory_space<vmem>> -> memref<1x128x32xf32, #tpu.memory_space<vmem>>
      %dma_start3A_234 = tpu.memref_squeeze %dma_start3A_233 : memref<1x128x32xf32, #tpu.memory_space<vmem>> -> memref<128x32xf32, #tpu.memory_space<vmem>>
      %dma_start3A_235 = arith.constant 0 : i32
      %dma_start3A_236 = tpu.memref_slice %arg8[%add3A_229, %dma_start3A_235] : memref<80x128xi32, #tpu.memory_space<vmem>> -> memref<1x128xi32, #tpu.memory_space<vmem>>
      %dma_start3A_237 = tpu.memref_squeeze %dma_start3A_236 : memref<1x128xi32, #tpu.memory_space<vmem>> -> memref<128xi32, #tpu.memory_space<vmem>>
      %dma_start3A_238 = arith.constant 0 : i32
      %dma_start3A_239 = arith.constant 0 : i32
      %dma_start3A_240 = tpu.memref_slice %arg6[%dma_start3A_238, %dma_start3A_239] : memref<10240x32xf32, #tpu.memory_space<vmem_shared>> -> memref<10240x32xf32, #tpu.memory_space<vmem_shared>>
      tpu.enqueue_indirect_dma source(%dma_start3A_234 : memref<128x32xf32, #tpu.memory_space<vmem>>) target(%dma_start3A_240 : memref<10240x32xf32, #tpu.memory_space<vmem_shared>>) offsets(%dma_start3A_237 : memref<128xi32, #tpu.memory_space<vmem>>) semaphore(%arg22 : memref<!tpu.dma_semaphore, #tpu.memory_space<semaphore_mem>>) {add = true}
      %dma_wait3A_241 = arith.constant 5 : i32
      %dma_wait3A_242 = arith.constant 0 : i32
      %dma_wait3A_243 = arith.constant 0 : i32
      %dma_wait3A_244 = tpu.memref_slice %arg9[%dma_wait3A_241, %dma_wait3A_242, %dma_wait3A_243] : memref<8x128x32xf32, #tpu.memory_space<vmem>> -> memref<1x128x32xf32, #tpu.memory_space<vmem>>
      %dma_wait3A_245 = tpu.memref_squeeze %dma_wait3A_244 : memref<1x128x32xf32, #tpu.memory_space<vmem>> -> memref<128x32xf32, #tpu.memory_space<vmem>>
      %dma_wait3A_246 = arith.constant 0 : i32
      %dma_wait3A_247 = tpu.memref_slice %arg7[%add3A_84, %dma_wait3A_246] : memref<80x128xi32, #tpu.memory_space<vmem>> -> memref<1x128xi32, #tpu.memory_space<vmem>>
      %dma_wait3A_248 = tpu.memref_squeeze %dma_wait3A_247 : memref<1x128xi32, #tpu.memory_space<vmem>> -> memref<128xi32, #tpu.memory_space<vmem>>
      %dma_wait3A_249 = arith.constant 0 : i32
      %dma_wait3A_250 = arith.constant 0 : i32
      %dma_wait3A_251 = tpu.memref_slice %arg3[%dma_wait3A_249, %dma_wait3A_250] : memref<10240x32xf32, #tpu.memory_space<hbm>> -> memref<10240x32xf32, #tpu.memory_space<hbm>>
      tpu.wait_indirect_dma semaphore(%arg15 : memref<!tpu.dma_semaphore, #tpu.memory_space<semaphore_mem>>) src(%dma_wait3A_251 : memref<10240x32xf32, #tpu.memory_space<hbm>>) dst(%dma_wait3A_245 : memref<128x32xf32, #tpu.memory_space<vmem>>)
      %add3A_252 = arith.constant 5 : i32
      %add3A_253 = arith.addi %multiple_of3A_18, %add3A_252 : i32
      %dma_start3A_254 = arith.constant 5 : i32
      %dma_start3A_255 = arith.constant 0 : i32
      %dma_start3A_256 = arith.constant 0 : i32
      %dma_start3A_257 = tpu.memref_slice %arg9[%dma_start3A_254, %dma_start3A_255, %dma_start3A_256] : memref<8x128x32xf32, #tpu.memory_space<vmem>> -> memref<1x128x32xf32, #tpu.memory_space<vmem>>
      %dma_start3A_258 = tpu.memref_squeeze %dma_start3A_257 : memref<1x128x32xf32, #tpu.memory_space<vmem>> -> memref<128x32xf32, #tpu.memory_space<vmem>>
      %dma_start3A_259 = arith.constant 0 : i32
      %dma_start3A_260 = tpu.memref_slice %arg8[%add3A_253, %dma_start3A_259] : memref<80x128xi32, #tpu.memory_space<vmem>> -> memref<1x128xi32, #tpu.memory_space<vmem>>
      %dma_start3A_261 = tpu.memref_squeeze %dma_start3A_260 : memref<1x128xi32, #tpu.memory_space<vmem>> -> memref<128xi32, #tpu.memory_space<vmem>>
      %dma_start3A_262 = arith.constant 0 : i32
      %dma_start3A_263 = arith.constant 0 : i32
      %dma_start3A_264 = tpu.memref_slice %arg6[%dma_start3A_262, %dma_start3A_263] : memref<10240x32xf32, #tpu.memory_space<vmem_shared>> -> memref<10240x32xf32, #tpu.memory_space<vmem_shared>>
      tpu.enqueue_indirect_dma source(%dma_start3A_258 : memref<128x32xf32, #tpu.memory_space<vmem>>) target(%dma_start3A_264 : memref<10240x32xf32, #tpu.memory_space<vmem_shared>>) offsets(%dma_start3A_261 : memref<128xi32, #tpu.memory_space<vmem>>) semaphore(%arg23 : memref<!tpu.dma_semaphore, #tpu.memory_space<semaphore_mem>>) {add = true}
      %dma_wait3A_265 = arith.constant 6 : i32
      %dma_wait3A_266 = arith.constant 0 : i32
      %dma_wait3A_267 = arith.constant 0 : i32
      %dma_wait3A_268 = tpu.memref_slice %arg9[%dma_wait3A_265, %dma_wait3A_266, %dma_wait3A_267] : memref<8x128x32xf32, #tpu.memory_space<vmem>> -> memref<1x128x32xf32, #tpu.memory_space<vmem>>
      %dma_wait3A_269 = tpu.memref_squeeze %dma_wait3A_268 : memref<1x128x32xf32, #tpu.memory_space<vmem>> -> memref<128x32xf32, #tpu.memory_space<vmem>>
      %dma_wait3A_270 = arith.constant 0 : i32
      %dma_wait3A_271 = tpu.memref_slice %arg7[%add3A_97, %dma_wait3A_270] : memref<80x128xi32, #tpu.memory_space<vmem>> -> memref<1x128xi32, #tpu.memory_space<vmem>>
      %dma_wait3A_272 = tpu.memref_squeeze %dma_wait3A_271 : memref<1x128xi32, #tpu.memory_space<vmem>> -> memref<128xi32, #tpu.memory_space<vmem>>
      %dma_wait3A_273 = arith.constant 0 : i32
      %dma_wait3A_274 = arith.constant 0 : i32
      %dma_wait3A_275 = tpu.memref_slice %arg3[%dma_wait3A_273, %dma_wait3A_274] : memref<10240x32xf32, #tpu.memory_space<hbm>> -> memref<10240x32xf32, #tpu.memory_space<hbm>>
      tpu.wait_indirect_dma semaphore(%arg16 : memref<!tpu.dma_semaphore, #tpu.memory_space<semaphore_mem>>) src(%dma_wait3A_275 : memref<10240x32xf32, #tpu.memory_space<hbm>>) dst(%dma_wait3A_269 : memref<128x32xf32, #tpu.memory_space<vmem>>)
      %add3A_276 = arith.constant 6 : i32
      %add3A_277 = arith.addi %multiple_of3A_18, %add3A_276 : i32
      %dma_start3A_278 = arith.constant 6 : i32
      %dma_start3A_279 = arith.constant 0 : i32
      %dma_start3A_280 = arith.constant 0 : i32
      %dma_start3A_281 = tpu.memref_slice %arg9[%dma_start3A_278, %dma_start3A_279, %dma_start3A_280] : memref<8x128x32xf32, #tpu.memory_space<vmem>> -> memref<1x128x32xf32, #tpu.memory_space<vmem>>
      %dma_start3A_282 = tpu.memref_squeeze %dma_start3A_281 : memref<1x128x32xf32, #tpu.memory_space<vmem>> -> memref<128x32xf32, #tpu.memory_space<vmem>>
      %dma_start3A_283 = arith.constant 0 : i32
      %dma_start3A_284 = tpu.memref_slice %arg8[%add3A_277, %dma_start3A_283] : memref<80x128xi32, #tpu.memory_space<vmem>> -> memref<1x128xi32, #tpu.memory_space<vmem>>
      %dma_start3A_285 = tpu.memref_squeeze %dma_start3A_284 : memref<1x128xi32, #tpu.memory_space<vmem>> -> memref<128xi32, #tpu.memory_space<vmem>>
      %dma_start3A_286 = arith.constant 0 : i32
      %dma_start3A_287 = arith.constant 0 : i32
      %dma_start3A_288 = tpu.memref_slice %arg6[%dma_start3A_286, %dma_start3A_287] : memref<10240x32xf32, #tpu.memory_space<vmem_shared>> -> memref<10240x32xf32, #tpu.memory_space<vmem_shared>>
      tpu.enqueue_indirect_dma source(%dma_start3A_282 : memref<128x32xf32, #tpu.memory_space<vmem>>) target(%dma_start3A_288 : memref<10240x32xf32, #tpu.memory_space<vmem_shared>>) offsets(%dma_start3A_285 : memref<128xi32, #tpu.memory_space<vmem>>) semaphore(%arg24 : memref<!tpu.dma_semaphore, #tpu.memory_space<semaphore_mem>>) {add = true}
      %dma_wait3A_289 = arith.constant 7 : i32
      %dma_wait3A_290 = arith.constant 0 : i32
      %dma_wait3A_291 = arith.constant 0 : i32
      %dma_wait3A_292 = tpu.memref_slice %arg9[%dma_wait3A_289, %dma_wait3A_290, %dma_wait3A_291] : memref<8x128x32xf32, #tpu.memory_space<vmem>> -> memref<1x128x32xf32, #tpu.memory_space<vmem>>
      %dma_wait3A_293 = tpu.memref_squeeze %dma_wait3A_292 : memref<1x128x32xf32, #tpu.memory_space<vmem>> -> memref<128x32xf32, #tpu.memory_space<vmem>>
      %dma_wait3A_294 = arith.constant 0 : i32
      %dma_wait3A_295 = tpu.memref_slice %arg7[%add3A_110, %dma_wait3A_294] : memref<80x128xi32, #tpu.memory_space<vmem>> -> memref<1x128xi32, #tpu.memory_space<vmem>>
      %dma_wait3A_296 = tpu.memref_squeeze %dma_wait3A_295 : memref<1x128xi32, #tpu.memory_space<vmem>> -> memref<128xi32, #tpu.memory_space<vmem>>
      %dma_wait3A_297 = arith.constant 0 : i32
      %dma_wait3A_298 = arith.constant 0 : i32
      %dma_wait3A_299 = tpu.memref_slice %arg3[%dma_wait3A_297, %dma_wait3A_298] : memref<10240x32xf32, #tpu.memory_space<hbm>> -> memref<10240x32xf32, #tpu.memory_space<hbm>>
      tpu.wait_indirect_dma semaphore(%arg17 : memref<!tpu.dma_semaphore, #tpu.memory_space<semaphore_mem>>) src(%dma_wait3A_299 : memref<10240x32xf32, #tpu.memory_space<hbm>>) dst(%dma_wait3A_293 : memref<128x32xf32, #tpu.memory_space<vmem>>)
      %add3A_300 = arith.constant 7 : i32
      %add3A_301 = arith.addi %multiple_of3A_18, %add3A_300 : i32
      %dma_start3A_302 = arith.constant 7 : i32
      %dma_start3A_303 = arith.constant 0 : i32
      %dma_start3A_304 = arith.constant 0 : i32
      %dma_start3A_305 = tpu.memref_slice %arg9[%dma_start3A_302, %dma_start3A_303, %dma_start3A_304] : memref<8x128x32xf32, #tpu.memory_space<vmem>> -> memref<1x128x32xf32, #tpu.memory_space<vmem>>
      %dma_start3A_306 = tpu.memref_squeeze %dma_start3A_305 : memref<1x128x32xf32, #tpu.memory_space<vmem>> -> memref<128x32xf32, #tpu.memory_space<vmem>>
      %dma_start3A_307 = arith.constant 0 : i32
      %dma_start3A_308 = tpu.memref_slice %arg8[%add3A_301, %dma_start3A_307] : memref<80x128xi32, #tpu.memory_space<vmem>> -> memref<1x128xi32, #tpu.memory_space<vmem>>
      %dma_start3A_309 = tpu.memref_squeeze %dma_start3A_308 : memref<1x128xi32, #tpu.memory_space<vmem>> -> memref<128xi32, #tpu.memory_space<vmem>>
      %dma_start3A_310 = arith.constant 0 : i32
      %dma_start3A_311 = arith.constant 0 : i32
      %dma_start3A_312 = tpu.memref_slice %arg6[%dma_start3A_310, %dma_start3A_311] : memref<10240x32xf32, #tpu.memory_space<vmem_shared>> -> memref<10240x32xf32, #tpu.memory_space<vmem_shared>>
      tpu.enqueue_indirect_dma source(%dma_start3A_306 : memref<128x32xf32, #tpu.memory_space<vmem>>) target(%dma_start3A_312 : memref<10240x32xf32, #tpu.memory_space<vmem_shared>>) offsets(%dma_start3A_309 : memref<128xi32, #tpu.memory_space<vmem>>) semaphore(%arg25 : memref<!tpu.dma_semaphore, #tpu.memory_space<semaphore_mem>>) {add = true}
      %dma_wait3A_313 = arith.constant 0 : i32
      %dma_wait3A_314 = arith.constant 0 : i32
      %dma_wait3A_315 = arith.constant 0 : i32
      %dma_wait3A_316 = tpu.memref_slice %arg9[%dma_wait3A_313, %dma_wait3A_314, %dma_wait3A_315] : memref<8x128x32xf32, #tpu.memory_space<vmem>> -> memref<1x128x32xf32, #tpu.memory_space<vmem>>
      %dma_wait3A_317 = tpu.memref_squeeze %dma_wait3A_316 : memref<1x128x32xf32, #tpu.memory_space<vmem>> -> memref<128x32xf32, #tpu.memory_space<vmem>>
      %dma_wait3A_318 = arith.constant 0 : i32
      %dma_wait3A_319 = tpu.memref_slice %arg8[%add3A_133, %dma_wait3A_318] : memref<80x128xi32, #tpu.memory_space<vmem>> -> memref<1x128xi32, #tpu.memory_space<vmem>>
      %dma_wait3A_320 = tpu.memref_squeeze %dma_wait3A_319 : memref<1x128xi32, #tpu.memory_space<vmem>> -> memref<128xi32, #tpu.memory_space<vmem>>
      %dma_wait3A_321 = arith.constant 0 : i32
      %dma_wait3A_322 = arith.constant 0 : i32
      %dma_wait3A_323 = tpu.memref_slice %arg6[%dma_wait3A_321, %dma_wait3A_322] : memref<10240x32xf32, #tpu.memory_space<vmem_shared>> -> memref<10240x32xf32, #tpu.memory_space<vmem_shared>>
      tpu.wait_indirect_dma semaphore(%arg18 : memref<!tpu.dma_semaphore, #tpu.memory_space<semaphore_mem>>) src(%dma_wait3A_317 : memref<128x32xf32, #tpu.memory_space<vmem>>) dst(%dma_wait3A_323 : memref<10240x32xf32, #tpu.memory_space<vmem_shared>>)
      %dma_wait3A_324 = arith.constant 1 : i32
      %dma_wait3A_325 = arith.constant 0 : i32
      %dma_wait3A_326 = arith.constant 0 : i32
      %dma_wait3A_327 = tpu.memref_slice %arg9[%dma_wait3A_324, %dma_wait3A_325, %dma_wait3A_326] : memref<8x128x32xf32, #tpu.memory_space<vmem>> -> memref<1x128x32xf32, #tpu.memory_space<vmem>>
      %dma_wait3A_328 = tpu.memref_squeeze %dma_wait3A_327 : memref<1x128x32xf32, #tpu.memory_space<vmem>> -> memref<128x32xf32, #tpu.memory_space<vmem>>
      %dma_wait3A_329 = arith.constant 0 : i32
      %dma_wait3A_330 = tpu.memref_slice %arg8[%add3A_157, %dma_wait3A_329] : memref<80x128xi32, #tpu.memory_space<vmem>> -> memref<1x128xi32, #tpu.memory_space<vmem>>
      %dma_wait3A_331 = tpu.memref_squeeze %dma_wait3A_330 : memref<1x128xi32, #tpu.memory_space<vmem>> -> memref<128xi32, #tpu.memory_space<vmem>>
      %dma_wait3A_332 = arith.constant 0 : i32
      %dma_wait3A_333 = arith.constant 0 : i32
      %dma_wait3A_334 = tpu.memref_slice %arg6[%dma_wait3A_332, %dma_wait3A_333] : memref<10240x32xf32, #tpu.memory_space<vmem_shared>> -> memref<10240x32xf32, #tpu.memory_space<vmem_shared>>
      tpu.wait_indirect_dma semaphore(%arg19 : memref<!tpu.dma_semaphore, #tpu.memory_space<semaphore_mem>>) src(%dma_wait3A_328 : memref<128x32xf32, #tpu.memory_space<vmem>>) dst(%dma_wait3A_334 : memref<10240x32xf32, #tpu.memory_space<vmem_shared>>)
      %dma_wait3A_335 = arith.constant 2 : i32
      %dma_wait3A_336 = arith.constant 0 : i32
      %dma_wait3A_337 = arith.constant 0 : i32
      %dma_wait3A_338 = tpu.memref_slice %arg9[%dma_wait3A_335, %dma_wait3A_336, %dma_wait3A_337] : memref<8x128x32xf32, #tpu.memory_space<vmem>> -> memref<1x128x32xf32, #tpu.memory_space<vmem>>
      %dma_wait3A_339 = tpu.memref_squeeze %dma_wait3A_338 : memref<1x128x32xf32, #tpu.memory_space<vmem>> -> memref<128x32xf32, #tpu.memory_space<vmem>>
      %dma_wait3A_340 = arith.constant 0 : i32
      %dma_wait3A_341 = tpu.memref_slice %arg8[%add3A_181, %dma_wait3A_340] : memref<80x128xi32, #tpu.memory_space<vmem>> -> memref<1x128xi32, #tpu.memory_space<vmem>>
      %dma_wait3A_342 = tpu.memref_squeeze %dma_wait3A_341 : memref<1x128xi32, #tpu.memory_space<vmem>> -> memref<128xi32, #tpu.memory_space<vmem>>
      %dma_wait3A_343 = arith.constant 0 : i32
      %dma_wait3A_344 = arith.constant 0 : i32
      %dma_wait3A_345 = tpu.memref_slice %arg6[%dma_wait3A_343, %dma_wait3A_344] : memref<10240x32xf32, #tpu.memory_space<vmem_shared>> -> memref<10240x32xf32, #tpu.memory_space<vmem_shared>>
      tpu.wait_indirect_dma semaphore(%arg20 : memref<!tpu.dma_semaphore, #tpu.memory_space<semaphore_mem>>) src(%dma_wait3A_339 : memref<128x32xf32, #tpu.memory_space<vmem>>) dst(%dma_wait3A_345 : memref<10240x32xf32, #tpu.memory_space<vmem_shared>>)
      %dma_wait3A_346 = arith.constant 3 : i32
      %dma_wait3A_347 = arith.constant 0 : i32
      %dma_wait3A_348 = arith.constant 0 : i32
      %dma_wait3A_349 = tpu.memref_slice %arg9[%dma_wait3A_346, %dma_wait3A_347, %dma_wait3A_348] : memref<8x128x32xf32, #tpu.memory_space<vmem>> -> memref<1x128x32xf32, #tpu.memory_space<vmem>>
      %dma_wait3A_350 = tpu.memref_squeeze %dma_wait3A_349 : memref<1x128x32xf32, #tpu.memory_space<vmem>> -> memref<128x32xf32, #tpu.memory_space<vmem>>
      %dma_wait3A_351 = arith.constant 0 : i32
      %dma_wait3A_352 = tpu.memref_slice %arg8[%add3A_205, %dma_wait3A_351] : memref<80x128xi32, #tpu.memory_space<vmem>> -> memref<1x128xi32, #tpu.memory_space<vmem>>
      %dma_wait3A_353 = tpu.memref_squeeze %dma_wait3A_352 : memref<1x128xi32, #tpu.memory_space<vmem>> -> memref<128xi32, #tpu.memory_space<vmem>>
      %dma_wait3A_354 = arith.constant 0 : i32
      %dma_wait3A_355 = arith.constant 0 : i32
      %dma_wait3A_356 = tpu.memref_slice %arg6[%dma_wait3A_354, %dma_wait3A_355] : memref<10240x32xf32, #tpu.memory_space<vmem_shared>> -> memref<10240x32xf32, #tpu.memory_space<vmem_shared>>
      tpu.wait_indirect_dma semaphore(%arg21 : memref<!tpu.dma_semaphore, #tpu.memory_space<semaphore_mem>>) src(%dma_wait3A_350 : memref<128x32xf32, #tpu.memory_space<vmem>>) dst(%dma_wait3A_356 : memref<10240x32xf32, #tpu.memory_space<vmem_shared>>)
      %dma_wait3A_357 = arith.constant 4 : i32
      %dma_wait3A_358 = arith.constant 0 : i32
      %dma_wait3A_359 = arith.constant 0 : i32
      %dma_wait3A_360 = tpu.memref_slice %arg9[%dma_wait3A_357, %dma_wait3A_358, %dma_wait3A_359] : memref<8x128x32xf32, #tpu.memory_space<vmem>> -> memref<1x128x32xf32, #tpu.memory_space<vmem>>
      %dma_wait3A_361 = tpu.memref_squeeze %dma_wait3A_360 : memref<1x128x32xf32, #tpu.memory_space<vmem>> -> memref<128x32xf32, #tpu.memory_space<vmem>>
      %dma_wait3A_362 = arith.constant 0 : i32
      %dma_wait3A_363 = tpu.memref_slice %arg8[%add3A_229, %dma_wait3A_362] : memref<80x128xi32, #tpu.memory_space<vmem>> -> memref<1x128xi32, #tpu.memory_space<vmem>>
      %dma_wait3A_364 = tpu.memref_squeeze %dma_wait3A_363 : memref<1x128xi32, #tpu.memory_space<vmem>> -> memref<128xi32, #tpu.memory_space<vmem>>
      %dma_wait3A_365 = arith.constant 0 : i32
      %dma_wait3A_366 = arith.constant 0 : i32
      %dma_wait3A_367 = tpu.memref_slice %arg6[%dma_wait3A_365, %dma_wait3A_366] : memref<10240x32xf32, #tpu.memory_space<vmem_shared>> -> memref<10240x32xf32, #tpu.memory_space<vmem_shared>>
      tpu.wait_indirect_dma semaphore(%arg22 : memref<!tpu.dma_semaphore, #tpu.memory_space<semaphore_mem>>) src(%dma_wait3A_361 : memref<128x32xf32, #tpu.memory_space<vmem>>) dst(%dma_wait3A_367 : memref<10240x32xf32, #tpu.memory_space<vmem_shared>>)
      %dma_wait3A_368 = arith.constant 5 : i32
      %dma_wait3A_369 = arith.constant 0 : i32
      %dma_wait3A_370 = arith.constant 0 : i32
      %dma_wait3A_371 = tpu.memref_slice %arg9[%dma_wait3A_368, %dma_wait3A_369, %dma_wait3A_370] : memref<8x128x32xf32, #tpu.memory_space<vmem>> -> memref<1x128x32xf32, #tpu.memory_space<vmem>>
      %dma_wait3A_372 = tpu.memref_squeeze %dma_wait3A_371 : memref<1x128x32xf32, #tpu.memory_space<vmem>> -> memref<128x32xf32, #tpu.memory_space<vmem>>
      %dma_wait3A_373 = arith.constant 0 : i32
      %dma_wait3A_374 = tpu.memref_slice %arg8[%add3A_253, %dma_wait3A_373] : memref<80x128xi32, #tpu.memory_space<vmem>> -> memref<1x128xi32, #tpu.memory_space<vmem>>
      %dma_wait3A_375 = tpu.memref_squeeze %dma_wait3A_374 : memref<1x128xi32, #tpu.memory_space<vmem>> -> memref<128xi32, #tpu.memory_space<vmem>>
      %dma_wait3A_376 = arith.constant 0 : i32
      %dma_wait3A_377 = arith.constant 0 : i32
      %dma_wait3A_378 = tpu.memref_slice %arg6[%dma_wait3A_376, %dma_wait3A_377] : memref<10240x32xf32, #tpu.memory_space<vmem_shared>> -> memref<10240x32xf32, #tpu.memory_space<vmem_shared>>
      tpu.wait_indirect_dma semaphore(%arg23 : memref<!tpu.dma_semaphore, #tpu.memory_space<semaphore_mem>>) src(%dma_wait3A_372 : memref<128x32xf32, #tpu.memory_space<vmem>>) dst(%dma_wait3A_378 : memref<10240x32xf32, #tpu.memory_space<vmem_shared>>)
      %dma_wait3A_379 = arith.constant 6 : i32
      %dma_wait3A_380 = arith.constant 0 : i32
      %dma_wait3A_381 = arith.constant 0 : i32
      %dma_wait3A_382 = tpu.memref_slice %arg9[%dma_wait3A_379, %dma_wait3A_380, %dma_wait3A_381] : memref<8x128x32xf32, #tpu.memory_space<vmem>> -> memref<1x128x32xf32, #tpu.memory_space<vmem>>
      %dma_wait3A_383 = tpu.memref_squeeze %dma_wait3A_382 : memref<1x128x32xf32, #tpu.memory_space<vmem>> -> memref<128x32xf32, #tpu.memory_space<vmem>>
      %dma_wait3A_384 = arith.constant 0 : i32
      %dma_wait3A_385 = tpu.memref_slice %arg8[%add3A_277, %dma_wait3A_384] : memref<80x128xi32, #tpu.memory_space<vmem>> -> memref<1x128xi32, #tpu.memory_space<vmem>>
      %dma_wait3A_386 = tpu.memref_squeeze %dma_wait3A_385 : memref<1x128xi32, #tpu.memory_space<vmem>> -> memref<128xi32, #tpu.memory_space<vmem>>
      %dma_wait3A_387 = arith.constant 0 : i32
      %dma_wait3A_388 = arith.constant 0 : i32
      %dma_wait3A_389 = tpu.memref_slice %arg6[%dma_wait3A_387, %dma_wait3A_388] : memref<10240x32xf32, #tpu.memory_space<vmem_shared>> -> memref<10240x32xf32, #tpu.memory_space<vmem_shared>>
      tpu.wait_indirect_dma semaphore(%arg24 : memref<!tpu.dma_semaphore, #tpu.memory_space<semaphore_mem>>) src(%dma_wait3A_383 : memref<128x32xf32, #tpu.memory_space<vmem>>) dst(%dma_wait3A_389 : memref<10240x32xf32, #tpu.memory_space<vmem_shared>>)
      %dma_wait3A_390 = arith.constant 7 : i32
      %dma_wait3A_391 = arith.constant 0 : i32
      %dma_wait3A_392 = arith.constant 0 : i32
      %dma_wait3A_393 = tpu.memref_slice %arg9[%dma_wait3A_390, %dma_wait3A_391, %dma_wait3A_392] : memref<8x128x32xf32, #tpu.memory_space<vmem>> -> memref<1x128x32xf32, #tpu.memory_space<vmem>>
      %dma_wait3A_394 = tpu.memref_squeeze %dma_wait3A_393 : memref<1x128x32xf32, #tpu.memory_space<vmem>> -> memref<128x32xf32, #tpu.memory_space<vmem>>
      %dma_wait3A_395 = arith.constant 0 : i32
      %dma_wait3A_396 = tpu.memref_slice %arg8[%add3A_301, %dma_wait3A_395] : memref<80x128xi32, #tpu.memory_space<vmem>> -> memref<1x128xi32, #tpu.memory_space<vmem>>
      %dma_wait3A_397 = tpu.memref_squeeze %dma_wait3A_396 : memref<1x128xi32, #tpu.memory_space<vmem>> -> memref<128xi32, #tpu.memory_space<vmem>>
      %dma_wait3A_398 = arith.constant 0 : i32
      %dma_wait3A_399 = arith.constant 0 : i32
      %dma_wait3A_400 = tpu.memref_slice %arg6[%dma_wait3A_398, %dma_wait3A_399] : memref<10240x32xf32, #tpu.memory_space<vmem_shared>> -> memref<10240x32xf32, #tpu.memory_space<vmem_shared>>
      tpu.wait_indirect_dma semaphore(%arg25 : memref<!tpu.dma_semaphore, #tpu.memory_space<semaphore_mem>>) src(%dma_wait3A_394 : memref<128x32xf32, #tpu.memory_space<vmem>>) dst(%dma_wait3A_400 : memref<10240x32xf32, #tpu.memory_space<vmem_shared>>)
      %scan3A_401 = arith.constant 0 : i32
      scf.yield %scan3A_401 : i32
    }
    %scan3A_12 = arith.constant 10 : i32
    %barrier3A_13 = arith.constant 0 : index
    tpu.barrier barrier_id(%barrier3A_13)
    "tpu.region"() ({
      %run_scoped3A_14 = tpu.sem_alloc : memref<!tpu.dma_semaphore, #tpu.memory_space<semaphore_mem>>
      %dma_start3A = arith.constant 0 : i32
      %dma_start3A_15 = tpu.memref_slice %arg5[%arg0, %multiple_of3A_5, %dma_start3A] : memref<2x10240x32xf32, #tpu.memory_space<hbm>> -> memref<1x640x32xf32, #tpu.memory_space<hbm>>
      %dma_start3A_16 = tpu.memref_squeeze %dma_start3A_15 : memref<1x640x32xf32, #tpu.memory_space<hbm>> -> memref<640x32xf32, #tpu.memory_space<hbm>>
      %dma_start3A_17 = arith.constant 0 : i32
      %dma_start3A_18 = tpu.memref_slice %arg6[%multiple_of3A_5, %dma_start3A_17] : memref<10240x32xf32, #tpu.memory_space<vmem_shared>> -> memref<640x32xf32, #tpu.memory_space<vmem_shared>>
      tpu.enqueue_dma source(%dma_start3A_18 : memref<640x32xf32, #tpu.memory_space<vmem_shared>>) target(%dma_start3A_16 : memref<640x32xf32, #tpu.memory_space<hbm>>) target_semaphore(%run_scoped3A_14 : memref<!tpu.dma_semaphore, #tpu.memory_space<semaphore_mem>>)
      %dma_wait3A = arith.constant 0 : i32
      %dma_wait3A_19 = tpu.memref_slice %arg5[%arg0, %multiple_of3A_5, %dma_wait3A] : memref<2x10240x32xf32, #tpu.memory_space<hbm>> -> memref<1x640x32xf32, #tpu.memory_space<hbm>>
      %dma_wait3A_20 = tpu.memref_squeeze %dma_wait3A_19 : memref<1x640x32xf32, #tpu.memory_space<hbm>> -> memref<640x32xf32, #tpu.memory_space<hbm>>
      %dma_wait3A_21 = arith.constant 0 : i32
      %dma_wait3A_22 = tpu.memref_slice %arg6[%multiple_of3A_5, %dma_wait3A_21] : memref<10240x32xf32, #tpu.memory_space<vmem_shared>> -> memref<640x32xf32, #tpu.memory_space<vmem_shared>>
      tpu.wait_dma2 semaphore(%run_scoped3A_14 : memref<!tpu.dma_semaphore, #tpu.memory_space<semaphore_mem>>) src(%dma_wait3A_22 : memref<640x32xf32, #tpu.memory_space<vmem_shared>>) dst(%dma_wait3A_20 : memref<640x32xf32, #tpu.memory_space<hbm>>)
      tpu.yield
    }) : () -> ()
    return
  }
}

module attributes {stable_mosaic.version = 14 : i64} {
  func.func @body(%arg0: i32, %arg1: memref<32x1024xf32, #tpu.memory_space<vmem>>, %arg2: memref<1024x128xf32, #tpu.memory_space<vmem>>, %arg3: memref<128x32xf32, #tpu.memory_space<vmem>>, %arg4: memref<1x1024xf32, #tpu.memory_space<vmem>>, %arg5: memref<1024x32xf32, #tpu.memory_space<vmem>>) attributes {dimension_semantics = [#tpu.dimension_semantics<arbitrary>], iteration_bounds = array<i64: 10>, scalar_prefetch = 0 : i64, scratch_operands = 0 : i64, tpu.core_type = #tpu.core_type<tc>, window_params = [{transform_indices = @transform_0, window_bounds = array<i64: 32, 1024>}, {transform_indices = @transform_1, window_bounds = array<i64: 1024, 128>}, {pipeline_mode = #tpu.pipeline_mode<synchronous>, transform_indices = @transform_2, window_bounds = array<i64: 128, 32>}, {transform_indices = @transform_3, window_bounds = array<i64: 1, 1024>}, {transform_indices = @transform_4, window_bounds = array<i64: 1024, 32>}]} {
    %get3A = arith.constant 0 : index
    %get3A_0 = arith.constant 0 : index
    %get3A_1 = vector.load %arg1[%get3A, %get3A_0] : memref<32x1024xf32, #tpu.memory_space<vmem>>, vector<32x1024xf32>
    %reduce_sum3A = arith.constant dense<0.000000e+00> : vector<1024xf32>
    %reduce_sum3A_2 = vector.multi_reduction <add>, %get3A_1, %reduce_sum3A [0] : vector<32x1024xf32> to vector<1024xf32>
    %add3A = arith.constant 1.000000e+00 : f32
    %add3A_3 = vector.broadcast %add3A : f32 to vector<1024xf32>
    %add3A_4 = arith.addf %reduce_sum3A_2, %add3A_3 : vector<1024xf32>
    %rsqrt3A = math.rsqrt %add3A_4 : vector<1024xf32>
    %broadcast_in_dim3A = vector.shape_cast %rsqrt3A : vector<1024xf32> to vector<1024x1xf32>
    %get3A_5 = arith.constant 0 : index
    %get3A_6 = arith.constant 0 : index
    %get3A_7 = vector.load %arg2[%get3A_5, %get3A_6] : memref<1024x128xf32, #tpu.memory_space<vmem>>, vector<1024x128xf32>
    %get3A_8 = arith.constant 0 : index
    %get3A_9 = arith.constant 0 : index
    %get3A_10 = vector.load %arg3[%get3A_8, %get3A_9] : memref<128x32xf32, #tpu.memory_space<vmem>>, vector<128x32xf32>
    %dot_general3A = arith.constant dense<0.000000e+00> : vector<1024x32xf32>
    %dot_general3A_11 = tpu.matmul %get3A_7, %get3A_10, %dot_general3A {dimension_numbers = #tpu.dot_dimension_numbers<[1], [0], [0], [1], [0, 0, 1, 1], [], []>, transpose_lhs_hint = false} : vector<1024x128xf32>, vector<128x32xf32>, vector<1024x32xf32> -> vector<1024x32xf32>
    %broadcast_in_dim3A_12 = vector.shape_cast %add3A_4 : vector<1024xf32> to vector<1x1024xf32>
    %swap3A = arith.constant 0 : index
    %swap3A_13 = arith.constant 0 : index
    %swap3A_14 = vector.load %arg4[%swap3A, %swap3A_13] : memref<1x1024xf32, #tpu.memory_space<vmem>>, vector<1x1024xf32>
    tpu.vector_store %arg4[%swap3A, %swap3A_13], %broadcast_in_dim3A_12 {strides = array<i32>} : memref<1x1024xf32, #tpu.memory_space<vmem>>, vector<1x1024xf32>,
    %mul3A = vector.broadcast %broadcast_in_dim3A : vector<1024x1xf32> to vector<1024x32xf32>
    %mul3A_15 = arith.mulf %dot_general3A_11, %mul3A : vector<1024x32xf32>
    %swap3A_16 = arith.constant 0 : index
    %swap3A_17 = arith.constant 0 : index
    %swap3A_18 = vector.load %arg5[%swap3A_16, %swap3A_17] : memref<1024x32xf32, #tpu.memory_space<vmem>>, vector<1024x32xf32>
    tpu.vector_store %arg5[%swap3A_16, %swap3A_17], %mul3A_15 {strides = array<i32>} : memref<1024x32xf32, #tpu.memory_space<vmem>>, vector<1024x32xf32>,
    return
  }
  func.func @transform_0(%arg0: i32) -> (i32, i32) {
    %c0_i32 = arith.constant 0 : i32
    %c0_i32_0 = arith.constant 0 : i32
    return %c0_i32, %arg0 : i32, i32
  }
  func.func @transform_1(%arg0: i32) -> (i32, i32) {
    %c0_i32 = arith.constant 0 : i32
    %c0_i32_0 = arith.constant 0 : i32
    return %arg0, %c0_i32 : i32, i32
  }
  func.func @transform_2(%arg0: i32) -> (i32, i32) {
    %c0_i32 = arith.constant 0 : i32
    %c0_i32_0 = arith.constant 0 : i32
    %c0_i32_1 = arith.constant 0 : i32
    return %c0_i32, %c0_i32_0 : i32, i32
  }
  func.func @transform_3(%arg0: i32) -> (i32, i32) {
    %c0_i32 = arith.constant 0 : i32
    %c0_i32_0 = arith.constant 0 : i32
    return %c0_i32, %arg0 : i32, i32
  }
  func.func @transform_4(%arg0: i32) -> (i32, i32) {
    %c0_i32 = arith.constant 0 : i32
    %c0_i32_0 = arith.constant 0 : i32
    return %arg0, %c0_i32 : i32, i32
  }
}

module attributes {stable_mosaic.version = 14 : i64} {
  func.func @body(%arg0: i32, %arg1: memref<2x256x128xf32, #tpu.memory_space<vmem>>, %arg2: memref<256x128xf32, #tpu.memory_space<vmem>>, %arg3: memref<256x128xf32, #tpu.memory_space<vmem>>, %arg4: memref<256x64xf32, #tpu.memory_space<vmem>>, %arg5: memref<1x128xf32, #tpu.memory_space<vmem>>, %arg6: memref<128x64xf32, #tpu.memory_space<vmem>>, %arg7: memref<256x64xf32, #tpu.memory_space<vmem>>) attributes {dimension_semantics = [#tpu.dimension_semantics<arbitrary>], iteration_bounds = array<i64: 10>, scalar_prefetch = 0 : i64, scratch_operands = 0 : i64, tpu.core_type = #tpu.core_type<tc>, window_params = [{transform_indices = @transform_0, window_bounds = array<i64: 2, 256, 128>}, {transform_indices = @transform_1, window_bounds = array<i64: 256, 128>}, {transform_indices = @transform_2, window_bounds = array<i64: 256, 128>}, {transform_indices = @transform_3, window_bounds = array<i64: 256, 64>}, {pipeline_mode = #tpu.pipeline_mode<synchronous>, transform_indices = @transform_4, window_bounds = array<i64: 1, 128>}, {pipeline_mode = #tpu.pipeline_mode<synchronous>, transform_indices = @transform_5, window_bounds = array<i64: 128, 64>}, {transform_indices = @transform_6, window_bounds = array<i64: 256, 64>}]} {
    %get3A = arith.constant 0 : index
    %get3A_0 = arith.constant 0 : index
    %get3A_1 = arith.constant 0 : index
    %get3A_2 = vector.load %arg1[%get3A, %get3A_0, %get3A_1] : memref<2x256x128xf32, #tpu.memory_space<vmem>>, vector<1x256x128xf32>
    %get3A_3 = vector.shape_cast %get3A_2 : vector<1x256x128xf32> to vector<256x128xf32>
    %get3A_4 = arith.constant 1 : index
    %get3A_5 = arith.constant 0 : index
    %get3A_6 = arith.constant 0 : index
    %get3A_7 = vector.load %arg1[%get3A_4, %get3A_5, %get3A_6] : memref<2x256x128xf32, #tpu.memory_space<vmem>>, vector<1x256x128xf32>
    %get3A_8 = vector.shape_cast %get3A_7 : vector<1x256x128xf32> to vector<256x128xf32>
    %add3A = arith.addf %get3A_3, %get3A_8 : vector<256x128xf32>
    %get3A_9 = arith.constant 0 : index
    %get3A_10 = arith.constant 0 : index
    %get3A_11 = vector.load %arg2[%get3A_9, %get3A_10] : memref<256x128xf32, #tpu.memory_space<vmem>>, vector<256x128xf32>
    %add3A_12 = arith.addf %add3A, %get3A_11 : vector<256x128xf32>
    %get3A_13 = arith.constant 0 : index
    %get3A_14 = arith.constant 0 : index
    %get3A_15 = vector.load %arg3[%get3A_13, %get3A_14] : memref<256x128xf32, #tpu.memory_space<vmem>>, vector<256x128xf32>
    %mul3A = arith.mulf %add3A_12, %get3A_15 : vector<256x128xf32>
    %get3A_16 = arith.constant 0 : index
    %get3A_17 = arith.constant 0 : index
    %get3A_18 = vector.load %arg5[%get3A_16, %get3A_17] : memref<1x128xf32, #tpu.memory_space<vmem>>, vector<1x128xf32>
    %add3A_19 = vector.broadcast %get3A_18 : vector<1x128xf32> to vector<256x128xf32>
    %add3A_20 = arith.addf %mul3A, %add3A_19 : vector<256x128xf32>
    %max3A = arith.constant 0.000000e+00 : f32
    %max3A_21 = vector.broadcast %max3A : f32 to vector<256x128xf32>
    %max3A_22 = arith.maximumf %add3A_20, %max3A_21 : vector<256x128xf32>
    %get3A_23 = arith.constant 0 : index
    %get3A_24 = arith.constant 0 : index
    %get3A_25 = vector.load %arg6[%get3A_23, %get3A_24] : memref<128x64xf32, #tpu.memory_space<vmem>>, vector<128x64xf32>
    %dot_general3A = arith.constant dense<0.000000e+00> : vector<256x64xf32>
    %dot_general3A_26 = tpu.matmul %max3A_22, %get3A_25, %dot_general3A {dimension_numbers = #tpu.dot_dimension_numbers<[1], [0], [0], [1], [0, 0, 1, 1], [], []>, transpose_lhs_hint = false} : vector<256x128xf32>, vector<128x64xf32>, vector<256x64xf32> -> vector<256x64xf32>
    %get3A_27 = arith.constant 0 : index
    %get3A_28 = arith.constant 0 : index
    %get3A_29 = vector.load %arg4[%get3A_27, %get3A_28] : memref<256x64xf32, #tpu.memory_space<vmem>>, vector<256x64xf32>
    %mul3A_30 = arith.mulf %dot_general3A_26, %get3A_29 : vector<256x64xf32>
    %swap3A = arith.constant 0 : index
    %swap3A_31 = arith.constant 0 : index
    %swap3A_32 = vector.load %arg7[%swap3A, %swap3A_31] : memref<256x64xf32, #tpu.memory_space<vmem>>, vector<256x64xf32>
    tpu.vector_store %arg7[%swap3A, %swap3A_31], %mul3A_30 {strides = array<i32>} : memref<256x64xf32, #tpu.memory_space<vmem>>, vector<256x64xf32>,
    return
  }
  func.func @transform_0(%arg0: i32) -> (i32, i32, i32) {
    %c0_i32 = arith.constant 0 : i32
    %c0_i32_0 = arith.constant 0 : i32
    %c0_i32_1 = arith.constant 0 : i32
    return %c0_i32, %arg0, %c0_i32_0 : i32, i32, i32
  }
  func.func @transform_1(%arg0: i32) -> (i32, i32) {
    %c0_i32 = arith.constant 0 : i32
    %c0_i32_0 = arith.constant 0 : i32
    return %arg0, %c0_i32 : i32, i32
  }
  func.func @transform_2(%arg0: i32) -> (i32, i32) {
    %c0_i32 = arith.constant 0 : i32
    %c0_i32_0 = arith.constant 0 : i32
    return %arg0, %c0_i32 : i32, i32
  }
  func.func @transform_3(%arg0: i32) -> (i32, i32) {
    %c0_i32 = arith.constant 0 : i32
    %c0_i32_0 = arith.constant 0 : i32
    return %arg0, %c0_i32 : i32, i32
  }
  func.func @transform_4(%arg0: i32) -> (i32, i32) {
    %c0_i32 = arith.constant 0 : i32
    %c0_i32_0 = arith.constant 0 : i32
    %c0_i32_1 = arith.constant 0 : i32
    return %c0_i32, %c0_i32_0 : i32, i32
  }
  func.func @transform_5(%arg0: i32) -> (i32, i32) {
    %c0_i32 = arith.constant 0 : i32
    %c0_i32_0 = arith.constant 0 : i32
    %c0_i32_1 = arith.constant 0 : i32
    return %c0_i32, %c0_i32_0 : i32, i32
  }
  func.func @transform_6(%arg0: i32) -> (i32, i32) {
    %c0_i32 = arith.constant 0 : i32
    %c0_i32_0 = arith.constant 0 : i32
    return %arg0, %c0_i32 : i32, i32
  }
}

module attributes {stable_mosaic.version = 14 : i64} {
  func.func @body(%arg0: i32, %arg1: memref<2x128x128xf32, #tpu.memory_space<vmem>>, %arg2: memref<128x128xf32, #tpu.memory_space<vmem>>, %arg3: memref<128x128xf32, #tpu.memory_space<vmem>>, %arg4: memref<1x128xf32, #tpu.memory_space<vmem>>, %arg5: memref<128x128xf32, #tpu.memory_space<vmem>>) attributes {dimension_semantics = [#tpu.dimension_semantics<arbitrary>], iteration_bounds = array<i64: 10>, scalar_prefetch = 0 : i64, scratch_operands = 0 : i64, tpu.core_type = #tpu.core_type<tc>, window_params = [{transform_indices = @transform_0, window_bounds = array<i64: 2, 128, 128>}, {transform_indices = @transform_1, window_bounds = array<i64: 128, 128>}, {transform_indices = @transform_2, window_bounds = array<i64: 128, 128>}, {pipeline_mode = #tpu.pipeline_mode<synchronous>, transform_indices = @transform_3, window_bounds = array<i64: 1, 128>}, {transform_indices = @transform_4, window_bounds = array<i64: 128, 128>}]} {
    %get3A = arith.constant 0 : index
    %get3A_0 = arith.constant 0 : index
    %get3A_1 = arith.constant 0 : index
    %get3A_2 = vector.load %arg1[%get3A, %get3A_0, %get3A_1] : memref<2x128x128xf32, #tpu.memory_space<vmem>>, vector<1x128x128xf32>
    %get3A_3 = vector.shape_cast %get3A_2 : vector<1x128x128xf32> to vector<128x128xf32>
    %get3A_4 = arith.constant 1 : index
    %get3A_5 = arith.constant 0 : index
    %get3A_6 = arith.constant 0 : index
    %get3A_7 = vector.load %arg1[%get3A_4, %get3A_5, %get3A_6] : memref<2x128x128xf32, #tpu.memory_space<vmem>>, vector<1x128x128xf32>
    %get3A_8 = vector.shape_cast %get3A_7 : vector<1x128x128xf32> to vector<128x128xf32>
    %add3A = arith.addf %get3A_3, %get3A_8 : vector<128x128xf32>
    %get3A_9 = arith.constant 0 : index
    %get3A_10 = arith.constant 0 : index
    %get3A_11 = vector.load %arg2[%get3A_9, %get3A_10] : memref<128x128xf32, #tpu.memory_space<vmem>>, vector<128x128xf32>
    %add3A_12 = arith.addf %add3A, %get3A_11 : vector<128x128xf32>
    %get3A_13 = arith.constant 0 : index
    %get3A_14 = arith.constant 0 : index
    %get3A_15 = vector.load %arg3[%get3A_13, %get3A_14] : memref<128x128xf32, #tpu.memory_space<vmem>>, vector<128x128xf32>
    %mul3A = arith.mulf %add3A_12, %get3A_15 : vector<128x128xf32>
    %get3A_16 = arith.constant 0 : index
    %get3A_17 = arith.constant 0 : index
    %get3A_18 = vector.load %arg4[%get3A_16, %get3A_17] : memref<1x128xf32, #tpu.memory_space<vmem>>, vector<1x128xf32>
    %add3A_19 = vector.broadcast %get3A_18 : vector<1x128xf32> to vector<128x128xf32>
    %add3A_20 = arith.addf %mul3A, %add3A_19 : vector<128x128xf32>
    %swap3A = arith.constant 0 : index
    %swap3A_21 = arith.constant 0 : index
    %swap3A_22 = vector.load %arg5[%swap3A, %swap3A_21] : memref<128x128xf32, #tpu.memory_space<vmem>>, vector<128x128xf32>
    tpu.vector_store %arg5[%swap3A, %swap3A_21], %add3A_20 {strides = array<i32>} : memref<128x128xf32, #tpu.memory_space<vmem>>, vector<128x128xf32>,
    return
  }
  func.func @transform_0(%arg0: i32) -> (i32, i32, i32) {
    %c0_i32 = arith.constant 0 : i32
    %c0_i32_0 = arith.constant 0 : i32
    %c0_i32_1 = arith.constant 0 : i32
    return %c0_i32, %arg0, %c0_i32_0 : i32, i32, i32
  }
  func.func @transform_1(%arg0: i32) -> (i32, i32) {
    %c0_i32 = arith.constant 0 : i32
    %c0_i32_0 = arith.constant 0 : i32
    return %arg0, %c0_i32 : i32, i32
  }
  func.func @transform_2(%arg0: i32) -> (i32, i32) {
    %c0_i32 = arith.constant 0 : i32
    %c0_i32_0 = arith.constant 0 : i32
    return %arg0, %c0_i32 : i32, i32
  }
  func.func @transform_3(%arg0: i32) -> (i32, i32) {
    %c0_i32 = arith.constant 0 : i32
    %c0_i32_0 = arith.constant 0 : i32
    %c0_i32_1 = arith.constant 0 : i32
    return %c0_i32, %c0_i32_0 : i32, i32
  }
  func.func @transform_4(%arg0: i32) -> (i32, i32) {
    %c0_i32 = arith.constant 0 : i32
    %c0_i32_0 = arith.constant 0 : i32
    return %arg0, %c0_i32 : i32, i32
  }
}

</mosaic_0001>

<sc_bundles>
// kernel: kernel.11.cloned.1.call-start
scs
__scs_entry_jumppad:
0x0: {  	(pc) =	sbr.rel $0x88, $3  }
0x1: {  	(tag) =	ssettag $0x0;
	lr =	simm.s32 $0x1  }
0x2: {  	[smem:$0x3F9B] =	sst lr;
	_ =	strace $0xD0000000  }
0x3: {  	_ = 	snop  }
0x4: {  	_ = 	snop  }
0x5: {  	_ = 	snop  }
0x6: {  	_ = 	snop  }
0x7: {  	_ = 	snop  }
__scs_overlays_trampoline_lowered:
0x8: {  	[smem:$0x3FAA] =	sst s0  }
0x9: {  	[smem:$0x3FAB] =	sst s1  }
0xa: {  	[smem:$0x3FAC] =	sst s2  }
0xb: {  	[smem:$0x3FAD] =	sst s3  }
0xc: {  	[smem:$0x3FAE] =	sst s4  }
0xd: {  	[smem:$0x3FAF] =	sst s5  }
0xe: {  	[smem:$0x3FB0] =	sst s6  }
0xf: {  	[smem:$0x3FB1] =	sst s7  }
0x10: {  	[smem:$0x3FB2] =	sst s8  }
0x11: {  	[smem:$0x3FB3] =	sst s9;
	s0 =	simm.s32 @!p0 $0x0  }
0x12: {  	s1 =	sld [smem:$0x3F99];
	s0 =	simm.s32 @p0 $0x1  }
0x13: {  	[smem:$0x3FB4] =	sst s0;
	s0 =	simm.s32 @!p1 $0x0  }
0x14: {  	s2 =	sld [smem:$0x3F98];
	s0 =	simm.s32 @p1 $0x1  }
0x15: {  	[smem:$0x3FB5] =	sst s0;
	s0 =	simm.s32 @!p2 $0x0  }
0x16: {  	s3 =	sld [smem:$0x3FDB];
	s0 =	simm.s32 @p2 $0x1  }
0x17: {  	s4 =	simm.s32 $0x1BF5;
	[smem:$0x3FB7] =	sst s0  }
0x18: {  	s0 =	sld [smem:$0x3F9A];
	_ =	swait.ge [sflag:s4], $0x0  }
0x19: {  	s7 =	sld [smem:$0x3F9B]  }
0x1a: {  	s8 =	sadd.s32 $0xFFFFE003, lr  }
0x1b: {  	s9 =	sadd.s32 $0xFFFFFEF7, lr;
	s5 =	simm.s32 $0xFFFFFFFF;
	p2 =	slt.u32 s8, $0xFFFFF086  }
0x1c: {  	p1 =	slt.u32 s9, $0xF7A;
	s5 =	simm.s32 @!p2 $0x0  }
0x1d: {  	s5 =	simm.s32 @p1 $0x1;
	p0 =	seq.s32 s7, s2  }
0x1e: {  	s7 =	smul.u32 @!p0 $0xF7A, s2;
	p2 =	seq.s32 @!p0 s5, $0x0  }
0x1f: {  	s9 =	smul.u32 $0xF7A, s1;
	s8 =	simm.s32 @!p0 $0x1BF5;
	p2 =	por !p2, p0  }
0x20: {  	[sflag:s8] =	ssyncset.s32 @!p0 $0xFFFFF086;
	s6 =	sadd.s32 @!p0 s3, s7;
	s7 =	simm.s32 @!p0 $0x108  }
0x21: {  	s3 =	sadd.s32 s3, s9;
	s6 =	sadd.s32 @!p0 $0x88, s6;
	s7 =	simm.s32 @p2 $0x1082  }
0x22: {  	[simem:s7], [sflag:s8] =	dma.local @!p0 [hbm:s6], $0xF7A  }
0x23: {  	s9 =	sor.u32 $0xD0000000, s2;
	s6 =	simm.s32 $0x108;
	_ =	swait.ge @!p0 [sflag:s8], $0x0  }
0x24: {  	s3 =	sadd.s32 $0x88, s3;
	s6 =	simm.s32 @!p1 $0x1082;
	[sflag:s4] =	ssyncset.s32 $0xFFFFF086  }
0x25: {  	[simem:s6], [sflag:s4] =	dma.local [hbm:s3], $0xF7A  }
0x26: {  	[smem:$0x3F9B] =	sst s1;
	(tag) =	ssettag s2;
	_ =	strace s9  }
0x27: {  	s1 =	sld [smem:$0x3FAB]  }
0x28: {  	s2 =	sld [smem:$0x3FAC]  }
0x29: {  	s4 =	sld [smem:$0x3FAE]  }
0x2a: {  	p0 =	seq.s32 s5, $0x0;
	s5 =	sld [smem:$0x3FAF]  }
0x2b: {  	s6 =	sld [smem:$0x3FB0]  }
0x2c: {  	s7 =	sld [smem:$0x3FB1]  }
0x2d: {  	s3 =	simm.s32 $0x108;
	s8 =	sld [smem:$0x3FB2]  }
0x2e: {  	s3 =	simm.s32 @!p0 $0x1082;
	s9 =	sld [smem:$0x3FB3]  }
0x2f: {  	lr =	sadd.s32 s0, s3;
	s0 =	sld [smem:$0x3FAA]  }
0x30: {  	s3 =	sld [smem:$0x3FAD]  }
0x31: {  	[smem:$0x3FB6] =	sst s10  }
0x32: {  	s10 =	sld [smem:$0x3FB4];
	_ =	sdelay $0x3  }
0x33: {  	p0 =	seq.s32 s10, $0x1;
	s10 =	sld [smem:$0x3FB6];
	_ =	sdelay $0x3  }
0x34: {  	[smem:$0x3FB6] =	sst s10  }
0x35: {  	s10 =	sld [smem:$0x3FB5];
	_ =	sdelay $0x3  }
0x36: {  	p1 =	seq.s32 s10, $0x1;
	s10 =	sld [smem:$0x3FB6];
	_ =	sdelay $0x3  }
0x37: {  	[smem:$0x3FB6] =	sst s10  }
0x38: {  	s10 =	sld [smem:$0x3FB7]  }
0x39: {  	_ = 	snop;
	(pc) =	sbr.ind lr, $3  }
0x3a: {  	_ = 	snop  }
0x3b: {  	_ = 	snop  }
0x3c: {  	p2 =	seq.s32 s10, $0x1;
	s10 =	sld [smem:$0x3FB6]  }
0x3d: {  	_ =	shalt  }
0x3e: {  	_ =	shalt  }
0x3f: {  	_ =	shalt  }
0x40: {  	_ =	shalt  }
0x41: {  	_ =	shalt  }
0x42: {  	_ =	shalt  }
0x43: {  	_ =	shalt  }
0x44: {  	_ =	shalt  }
0x45: {  	_ =	shalt  }
0x46: {  	_ =	shalt  }
0x47: {  	_ =	shalt  }
0x48: {  	_ =	shalt  }
0x49: {  	_ =	shalt  }
0x4a: {  	_ =	shalt  }
0x4b: {  	_ =	shalt  }
0x4c: {  	_ =	shalt  }
0x4d: {  	_ =	shalt  }
0x4e: {  	_ =	shalt  }
0x4f: {  	_ =	shalt  }
0x50: {  	_ =	shalt  }
0x51: {  	_ =	shalt  }
0x52: {  	_ =	shalt  }
0x53: {  	_ =	shalt  }
0x54: {  	_ =	shalt  }
0x55: {  	_ =	shalt  }
0x56: {  	_ =	shalt  }
0x57: {  	_ =	shalt  }
0x58: {  	_ =	shalt  }
0x59: {  	_ =	shalt  }
0x5a: {  	_ =	shalt  }
0x5b: {  	_ =	shalt  }
0x5c: {  	_ =	shalt  }
0x5d: {  	_ =	shalt  }
0x5e: {  	_ =	shalt  }
0x5f: {  	_ =	shalt  }
0x60: {  	_ =	shalt  }
0x61: {  	_ =	shalt  }
0x62: {  	_ =	shalt  }
0x63: {  	_ =	shalt  }
0x64: {  	_ =	shalt  }
0x65: {  	_ =	shalt  }
0x66: {  	_ =	shalt  }
0x67: {  	_ =	shalt  }
0x68: {  	_ =	shalt  }
0x69: {  	_ =	shalt  }
0x6a: {  	_ =	shalt  }
0x6b: {  	_ =	shalt  }
0x6c: {  	_ =	shalt  }
0x6d: {  	_ =	shalt  }
0x6e: {  	_ =	shalt  }
0x6f: {  	_ =	shalt  }
0x70: {  	_ =	shalt  }
0x71: {  	_ =	shalt  }
0x72: {  	_ =	shalt  }
0x73: {  	_ =	shalt  }
0x74: {  	_ =	shalt  }
0x75: {  	_ =	shalt  }
0x76: {  	_ =	shalt  }
0x77: {  	_ =	shalt  }
0x78: {  	_ =	shalt  }
0x79: {  	_ =	shalt  }
0x7a: {  	_ =	shalt  }
0x7b: {  	_ =	shalt  }
0x7c: {  	_ =	shalt  }
0x7d: {  	_ =	shalt  }
0x7e: {  	_ =	shalt  }
0x7f: {  	_ =	shalt  }
0x80: {  	_ =	shalt  }
0x81: {  	_ =	shalt  }
0x82: {  	_ =	shalt  }
0x83: {  	_ =	shalt  }
0x84: {  	_ =	shalt  }
0x85: {  	_ =	shalt  }
0x86: {  	_ =	shalt  }
0x87: {  	_ =	shalt  }
.Lfunc_end0:
.L_simem_size_0:
called_computation.1_lowered:
.L_overlay_start_0:
0x88: {  	s2 =	sld [smem:$0x3FD9]  }
0x89: {  	s3 =	sld [smem:$0x3FFE];
	_ =	sdelay $0x1  }
0x8a: {  	s1 =	srdreg.scid  }
0x8b: {  	s0 =	sand.u32 $0x1, s1  }
0x8c: {  	s17 =	sshll.u32 s0, $0xA;
	s2 =	sadd.s32 s3, s2  }
0x8d: {  	s2 =	sadd.s32 s2, s17  }
0x8e: {  	[smem:$0x3FC2] =	sst s2  }
0x8f: {  	_ = 	snop  }
0x90: {  	s2 =	sld [smem:$0x3FD0];
	(tm) =	ssettm $0x1  }
0x91: {  	s18 =	sld [smem:$0x3FFB];
	_ =	sdelay $0x3  }
0x92: {  	_ =	strace s18  }
0x93: {  	s3 =	sld [smem:$0x3FFC];
	_ =	sdelay $0x3  }
0x94: {  	_ =	strace s3  }
0x95: {  	s3 =	sld [smem:$0x3FFD];
	_ =	sdelay $0x3  }
0x96: {  	_ =	strace s3  }
0x97: {  	_ =	strace $0x8FFFFFFF  }
0x98: {  	s19 =	sld [smem:$0x3FDB];
	_ =	sdelay $0x1  }
0x99: {  	s4 =	simm.s32 $_scs_section_size  }
0x9a: {  	s5 =	simm.s32 $_size__tile_overlayer_lowered;
	s6 =	simm.s32 $_tile_overlayer_lowered  }
0x9b: {  	s22 =	simm.s32 $0x1BFF;
	s21 =	sshll.u32 s6, $0x1;
	s3 =	sadd.s32 s4, s19  }
0x9c: {  	s7 =	simm.s32 $0x0;
	s20 =	sshll.u32 s5, $0x1;
	s5 =	sadd.s32 s21, s3  }
0x9d: {  	[timem:s7], [sflag:s22] =	dma.local [hbm:s5], s20  }
0x9e: {  	_ =	swait.ge [sflag:s22], s20  }
0x9f: {  	s4 =	ssub.s32 $0x0, s20;
	[sflag:s22] =	ssyncset.done $0x0  }
0xa0: {  	[sflag:s22] =	ssyncadd.s32 s4;
	_ =	sdelay $0x1  }
0xa1: {  	s23 =	simm.s32 $0x1B8B  }
0xa2: {  	_ =	swait.ge [sflag:s23], $0x1  }
0xa3: {  	[sflag:s23] =	ssyncset.done $0x0  }
0xa4: {  	s25 =	simm.s32 $0x1B8E;
	s24 =	sld [smem:$0x3FFE];
	[sflag:s23] =	ssyncadd.s32 $0xFFFFFFFF  }
0xa5: {  	s26 =	simm.s32 $execute0_lowered;
	[smem:$0x3FD2] =	sst s25  }
0xa6: {  	s5 =	sshll.u32 s26, $0x1;
	_ =	strace $0x80000049;
	[dreg:$0x1] =	wrdreg $0xFFFFFFFF  }
0xa7: {  	s28 =	simm.s32 $_size_execute0_lowered;
	s3 =	sadd.s32 s3, s5;
	[dreg:$0x0] =	wrdreg $0x0  }
0xa8: {  	s5 =	sshll.u32 s28, $0x1;
	[dreg:$0x2] =	wrdreg s3  }
0xa9: {  	[dreg:$0x3] =	wrdreg s5  }
0xaa: {  	[dreg:$0x4] =	wrdreg $0xC0  }
0xab: {  	_ =	task [dreg:s7], $0x5FFFF  }
0xac: {  	[dreg:$0x1] =	wrdreg $0xFFFFFFFF  }
0xad: {  	[dreg:$0x0] =	wrdreg $0x60  }
0xae: {  	[dreg:$0x2] =	wrdreg s24  }
0xaf: {  	[dreg:$0x3] =	wrdreg s2  }
0xb0: {  	[dreg:$0x4] =	wrdreg $0x0  }
0xb1: {  	[dreg:$0x5] =	wrdreg $0x9  }
0xb2: {  	_ =	task.clear_ibuf [dreg:s7], $0x6FFFF;
	_ =	strace $0x90000049  }
0xb3: {  	s29 =	simm.s32 $0x9;
	_ =	strace $0x8000004B  }
0xb4: {  	_ =	swait.ge [sflag:s29], $0x1  }
0xb5: {  	[sflag:s29] =	ssyncadd.s32 $0xFFFFFFFF  }
0xb6: {  	_ =	strace $0x9000004B  }
0xb7: {  	_ =	sfence  }
0xb8: {  	s30 =	sld [smem:$0x0];
	_ =	sdelay $0x2  }
0xb9: {  	s31 =	sshll.u32 s1, $0xD;
	s1 =	sshrl.u32 s1, $0x2  }
0xba: {  	s3 =	sand.u32 $0x4000, s31;
	s1 =	sadd.s32 s1, s30  }
0xbb: {  	s0 =	sor.u32 s3, s0;
	s1 =	sshll.u32 s1, $0x11  }
0xbc: {  	s0 =	sor.u32 s1, s0  }
0xbd: {  	s0 =	sadd.s32 $0x8F2B, s0  }
0xbe: {  	[sflag:s0] =	ssyncadd.remote.s32 $0x1  }
0xbf: {  	_ =	sfence.sel $0xFFFF  }
0xc0: {  	[dreg:$0x0] =	wrdreg $0xFFFFFFFF;
	(pc) =	sbr.abs _section_cstart, $3  }
0xc1: {  	[dreg:$0x1] =	wrdreg $0xFFFFFFFF  }
0xc2: {  	_ =	task.clear_ibuf [dreg:s7], $0x2FFFF;
	_ =	strace $0x9FFFFFFF  }
0xc3: {  	(tm) =	ssettm $0x7FFFFFFF  }
tec
execute0_lowered:
.L_overlay_start_1:
0x0: {  	(tag) =	ssettag $0x1  }
0x1: {  	s0 =	srdreg.scid;
	s1 =	rddreg [dreg:$0x0]  }
0x2: {  	s8 =	stileid.u32;
	s3 =	rddreg [dreg:$0x2];
	s5 =	simm.s32 $0x0  }
0x3: {  	s12 =	simm.s32 $0x11;
	s15 =	simm.s32 $0x80;
	s18 =	simm.s32 $0xC000  }
0x4: {  	s19 =	simm.s32 $0xD000;
	s20 =	simm.s32 $0xE000;
	s21 =	simm.s32 $0xF000  }
0x5: {  	s22 =	simm.s32 $0x10000;
	s23 =	simm.s32 $0x11000;
	s28 =	simm.s32 $0x4  }
0x6: {  	s29 =	simm.s32 $0x5;
	s30 =	simm.s32 $0x6;
	s31 =	simm.s32 $0x7  }
0x7: {  	s13 =	simm.s32 $0xB;
	s14 =	simm.s32 $0xC;
	s9 =	simm.s32 $0x10  }
0x8: {  	s16 =	simm.s32 $0x0;
	s17 =	simm.s32 $0xA000;
	s0 =	sand.u32 $0x1, s0  }
0x9: {  	s4 =	smul.u32 $0x5000, s8;
	[smem:$0x7FF] =	sst s5;
	s5 =	sadd.s32 $0x2400, s1  }
0xa: {  	s25 =	sshll.u32 s8, $0x6;
	s2 =	sshll.u32 s0, $0x4;
	s24 =	smul.u32 $0x50000, s0  }
0xb: {  	_ =	strace $0x8000004A;
	s0 =	ssub.s32 $0x2, s0;
	s10 =	sor.u32 $0x1C11, s25  }
0xc: {  	s25 =	simm.s32 $0x2;
	s2 =	sor.u32 s8, s2;
	s7 =	sshrl.u32 s0, $0x1  }
0xd: {  	s8 =	simm.s32 $0xF;
	[dreg:$0x4] =	wrdreg s10;
	s2 =	smul.u32 $0x2800, s2  }
0xe: {  	s6 =	sadd.s32 s4, s24;
	s0 =	ssub.s32 s0, s7;
	s4 =	sadd.s32 s4, s3  }
0xf: {  	s24 =	simm.s32 $0x1;
	s0 =	smax.u32 s0, $0x1;
	s2 =	sshrl.u32 s2, $0x3  }
0x10: {  	s11 =	sshrl.u32 s4, $0x3;
	[dreg:$0x8] =	wrdreg s0;
	s2 =	sadd.s32 s2, s1  }
0x11: {  	s6 =	sshrl.u32 s6, $0x3;
	[dreg:$0x9] =	wrdreg s11;
	s26 =	sadd.s32 $0x20400, s2  }
0x12: {  	s1 =	sadd.s32 s6, s1;
	s2 =	sadd.s32 $0x2A400, s2;
	[dreg:$0x5] =	wrdreg s26  }
0x13: {  	s7 =	simm.s32 $0xE;
	s1 =	sadd.s32 $0xC400, s1;
	[dreg:$0x6] =	wrdreg s2  }
0x14: {  	s4 =	simm.s32 $0xD;
	s0 =	simm.s32 $0x9;
	[dreg:$0x7] =	wrdreg s1  }
0x15: {  	s26 =	simm.s32 $0x3;
	s1 =	simm.s32 $0x8;
	s2 =	simm.s32 $0xA  }
.LBB2_1:
0x16: {  	[dreg:$0xa] =	wrdreg s16  }
0x17: {  	s6 =	rddreg [dreg:$0x1]  }
0x18: {  	[spmem:s11], [sflag:s10] =	dma.local [hbm:s6], $0xA00  }
0x19: {  	_ =	swait.ge [sflag:s12], $0xA00  }
0x1a: {  	s16 =	simm.s32 $0x5000;
	[sflag:s12] =	ssyncset.done $0x0  }
0x1b: {  	s6 =	simm.s32 $0x0;
	s11 =	rddreg [dreg:$0x5];
	[sflag:s12] =	ssyncadd.s32 $0xFFFFF600  }
0x1c: {  	[tilespmem:s16], [sflag:$0x11] =	stream.linear.gather [hbm4b:s11+s6], $0x2800, $0x38;
	[tilespmem:$0x12000] =	vst v63  }
0x1d: {  	_ =	swait.ge [sflag:s12], $0x2800  }
0x1e: {  	[sflag:s12] =	ssyncset.done $0x0  }
0x1f: {  	s16 =	simm.s32 $0x7800;
	s11 =	rddreg [dreg:$0x6];
	[sflag:s12] =	ssyncadd.s32 $0xFFFFD800  }
0x20: {  	[tilespmem:s16], [sflag:$0x11] =	stream.linear.gather [hbm4b:s11+s6], $0x2800, $0x38;
	[tilespmem:$0x12000] =	vst v63  }
0x21: {  	_ =	swait.ge [sflag:s12], $0x2800  }
0x22: {  	[sflag:s12] =	ssyncset.done $0x0  }
0x23: {  	[sflag:s12] =	ssyncadd.s32 $0xFFFFD800  }
0x24: {  	s10 =	simm.s32 $0xA000;
	s11 =	simm.s32 $0x5000;
	[bflag:$0x0] =	sbarrier.arrive $0xFFFF  }
0x25: {  	[tilespmem:s10], [sflag:$0x1] =	stream.indirect.gather [hbm4b:s5+s15], $0x20, s11, s15, $0xb8;
	[tilespmem:$0x12000] =	vst v63  }
0x26: {  	s12 =	simm.s32 $0x5080;
	s11 =	simm.s32 $0xB000  }
0x27: {  	[tilespmem:s11], [sflag:$0x2] =	stream.indirect.gather [hbm4b:s5+s15], $0x20, s12, s15, $0xb8;
	[tilespmem:$0x12000] =	vst v63  }
0x28: {  	s16 =	simm.s32 $0x5100  }
0x29: {  	[tilespmem:s18], [sflag:$0x3] =	stream.indirect.gather [hbm4b:s5+s15], $0x20, s16, s15, $0xb8;
	[tilespmem:$0x12000] =	vst v63  }
0x2a: {  	s12 =	simm.s32 $0x5180  }
0x2b: {  	[tilespmem:s19], [sflag:$0x4] =	stream.indirect.gather [hbm4b:s5+s15], $0x20, s12, s15, $0xb8;
	[tilespmem:$0x12000] =	vst v63  }
0x2c: {  	s16 =	simm.s32 $0x5200  }
0x2d: {  	[tilespmem:s20], [sflag:$0x5] =	stream.indirect.gather [hbm4b:s5+s15], $0x20, s16, s15, $0xb8;
	[tilespmem:$0x12000] =	vst v63  }
0x2e: {  	s12 =	simm.s32 $0x5280  }
0x2f: {  	[tilespmem:s21], [sflag:$0x6] =	stream.indirect.gather [hbm4b:s5+s15], $0x20, s12, s15, $0xb8;
	[tilespmem:$0x12000] =	vst v63  }
0x30: {  	s16 =	simm.s32 $0x5300  }
0x31: {  	[tilespmem:s22], [sflag:$0x7] =	stream.indirect.gather [hbm4b:s5+s15], $0x20, s16, s15, $0xb8;
	[tilespmem:$0x12000] =	vst v63  }
0x32: {  	s12 =	simm.s32 $0x5380  }
0x33: {  	[tilespmem:s23], [sflag:$0x8] =	stream.indirect.gather [hbm4b:s5+s15], $0x20, s12, s15, $0xb8;
	[tilespmem:$0x12000] =	vst v63  }
0x34: {  	_ =	swait.ge [sflag:s24], $0x1000  }
0x35: {  	[sflag:s24] =	ssyncset.done $0x0  }
0x36: {  	s16 =	simm.s32 $0x7800;
	[sflag:s24] =	ssyncadd.s32 $0xFFFFF000  }
0x37: {  	[spmem:s3] =	stream.indirect.scatter.add.f32 [tilespmem:s10], [sflag:$0x9], $0x20, s16, s15, $0xb8;
	[tilespmem:$0x12000] =	vst v63  }
0x38: {  	_ =	swait.ge [sflag:s25], $0x1000  }
0x39: {  	[sflag:s25] =	ssyncset.done $0x0  }
0x3a: {  	s10 =	simm.s32 $0x7880;
	[sflag:s25] =	ssyncadd.s32 $0xFFFFF000  }
0x3b: {  	[spmem:s3] =	stream.indirect.scatter.add.f32 [tilespmem:s11], [sflag:$0xA], $0x20, s10, s15, $0xb8;
	[tilespmem:$0x12000] =	vst v63  }
0x3c: {  	_ =	swait.ge [sflag:s26], $0x1000  }
0x3d: {  	[sflag:s26] =	ssyncset.done $0x0  }
0x3e: {  	s12 =	simm.s32 $0x7900;
	[sflag:s26] =	ssyncadd.s32 $0xFFFFF000  }
0x3f: {  	[spmem:s3] =	stream.indirect.scatter.add.f32 [tilespmem:s18], [sflag:$0xB], $0x20, s12, s15, $0xb8;
	[tilespmem:$0x12000] =	vst v63  }
0x40: {  	_ =	swait.ge [sflag:s28], $0x1000  }
0x41: {  	[sflag:s28] =	ssyncset.done $0x0  }
0x42: {  	s16 =	simm.s32 $0x7980;
	[sflag:s28] =	ssyncadd.s32 $0xFFFFF000  }
0x43: {  	[spmem:s3] =	stream.indirect.scatter.add.f32 [tilespmem:s19], [sflag:$0xC], $0x20, s16, s15, $0xb8;
	[tilespmem:$0x12000] =	vst v63  }
0x44: {  	_ =	swait.ge [sflag:s29], $0x1000  }
0x45: {  	[sflag:s29] =	ssyncset.done $0x0  }
0x46: {  	s10 =	simm.s32 $0x7A00;
	[sflag:s29] =	ssyncadd.s32 $0xFFFFF000  }
0x47: {  	[spmem:s3] =	stream.indirect.scatter.add.f32 [tilespmem:s20], [sflag:$0xD], $0x20, s10, s15, $0xb8;
	[tilespmem:$0x12000] =	vst v63  }
0x48: {  	_ =	swait.ge [sflag:s30], $0x1000  }
0x49: {  	[sflag:s30] =	ssyncset.done $0x0  }
0x4a: {  	s11 =	simm.s32 $0x7A80;
	[sflag:s30] =	ssyncadd.s32 $0xFFFFF000  }
0x4b: {  	[spmem:s3] =	stream.indirect.scatter.add.f32 [tilespmem:s21], [sflag:$0xE], $0x20, s11, s15, $0xb8;
	[tilespmem:$0x12000] =	vst v63  }
0x4c: {  	_ =	swait.ge [sflag:s31], $0x1000  }
0x4d: {  	[sflag:s31] =	ssyncset.done $0x0  }
0x4e: {  	s12 =	simm.s32 $0x7B00;
	[sflag:s31] =	ssyncadd.s32 $0xFFFFF000  }
0x4f: {  	[spmem:s3] =	stream.indirect.scatter.add.f32 [tilespmem:s22], [sflag:$0xF], $0x20, s12, s15, $0xb8;
	[tilespmem:$0x12000] =	vst v63  }
0x50: {  	_ =	swait.ge [sflag:s1], $0x1000  }
0x51: {  	[sflag:s1] =	ssyncset.done $0x0  }
0x52: {  	s16 =	simm.s32 $0x7B80;
	[sflag:s1] =	ssyncadd.s32 $0xFFFFF000  }
0x53: {  	[spmem:s3] =	stream.indirect.scatter.add.f32 [tilespmem:s23], [sflag:$0x10], $0x20, s16, s15, $0xb8;
	[tilespmem:$0x12000] =	vst v63  }
0x54: {  	_ =	swait.ge [sflag:s0], $0x1000  }
0x55: {  	[sflag:s0] =	ssyncset.done $0x0  }
0x56: {  	[sflag:s0] =	ssyncadd.s32 $0xFFFFF000  }
0x57: {  	_ =	swait.ge [sflag:s2], $0x1000  }
0x58: {  	[sflag:s2] =	ssyncset.done $0x0  }
0x59: {  	[sflag:s2] =	ssyncadd.s32 $0xFFFFF000  }
0x5a: {  	_ =	swait.ge [sflag:s13], $0x1000  }
0x5b: {  	[sflag:s13] =	ssyncset.done $0x0  }
0x5c: {  	[sflag:s13] =	ssyncadd.s32 $0xFFFFF000  }
0x5d: {  	_ =	swait.ge [sflag:s14], $0x1000  }
0x5e: {  	[sflag:s14] =	ssyncset.done $0x0  }
0x5f: {  	[sflag:s14] =	ssyncadd.s32 $0xFFFFF000  }
0x60: {  	_ =	swait.ge [sflag:s4], $0x1000  }
0x61: {  	[sflag:s4] =	ssyncset.done $0x0  }
0x62: {  	[sflag:s4] =	ssyncadd.s32 $0xFFFFF000  }
0x63: {  	_ =	swait.ge [sflag:s7], $0x1000  }
0x64: {  	[sflag:s7] =	ssyncset.done $0x0  }
0x65: {  	[sflag:s7] =	ssyncadd.s32 $0xFFFFF000  }
0x66: {  	_ =	swait.ge [sflag:s8], $0x1000  }
0x67: {  	[sflag:s8] =	ssyncset.done $0x0  }
0x68: {  	[sflag:s8] =	ssyncadd.s32 $0xFFFFF000  }
0x69: {  	_ =	swait.ge [sflag:s9], $0x1000  }
0x6a: {  	s6 =	simm.s32 $0x400;
	s11 =	simm.s32 $0x2000;
	[sflag:s9] =	ssyncset.done $0x0  }
.LBB2_2:
0x6b: {  	s16 =	sadd.s32 $0x5000, s6  }
0x6c: {  	[sflag:s9] =	ssyncadd.s32 $0xFFFFF000;
	s12 =	smov.u32 s11;
	s10 =	sadd.s32 $0x1000, s11  }
0x6d: {  	[tilespmem:s17], [sflag:$0x1] =	stream.indirect.gather [hbm4b:s5+s15], $0x20, s16, s15, $0xb8;
	[tilespmem:$0x12000] =	vst v63  }
0x6e: {  	p0 =	sne.s32 s11, $0x9000;
	s11 =	sadd.s32 $0x5080, s6;
	s16 =	simm.s32 $0xB000  }
0x6f: {  	[tilespmem:s16], [sflag:$0x2] =	stream.indirect.gather [hbm4b:s5+s15], $0x20, s11, s15, $0xb8;
	[tilespmem:$0x12000] =	vst v63  }
0x70: {  	s11 =	sadd.s32 $0x5100, s6  }
0x71: {  	[tilespmem:s18], [sflag:$0x3] =	stream.indirect.gather [hbm4b:s5+s15], $0x20, s11, s15, $0xb8;
	[tilespmem:$0x12000] =	vst v63  }
0x72: {  	s11 =	sadd.s32 $0x5180, s6  }
0x73: {  	[tilespmem:s19], [sflag:$0x4] =	stream.indirect.gather [hbm4b:s5+s15], $0x20, s11, s15, $0xb8;
	[tilespmem:$0x12000] =	vst v63  }
0x74: {  	s11 =	sadd.s32 $0x5200, s6  }
0x75: {  	[tilespmem:s20], [sflag:$0x5] =	stream.indirect.gather [hbm4b:s5+s15], $0x20, s11, s15, $0xb8;
	[tilespmem:$0x12000] =	vst v63  }
0x76: {  	s11 =	sadd.s32 $0x5280, s6  }
0x77: {  	[tilespmem:s21], [sflag:$0x6] =	stream.indirect.gather [hbm4b:s5+s15], $0x20, s11, s15, $0xb8;
	[tilespmem:$0x12000] =	vst v63  }
0x78: {  	s11 =	sadd.s32 $0x5300, s6  }
0x79: {  	[tilespmem:s22], [sflag:$0x7] =	stream.indirect.gather [hbm4b:s5+s15], $0x20, s11, s15, $0xb8;
	[tilespmem:$0x12000] =	vst v63  }
0x7a: {  	s11 =	sadd.s32 $0x5380, s6  }
0x7b: {  	[tilespmem:s23], [sflag:$0x8] =	stream.indirect.gather [hbm4b:s5+s15], $0x20, s11, s15, $0xb8;
	[tilespmem:$0x12000] =	vst v63  }
0x7c: {  	_ =	swait.ge [sflag:s24], $0x1000  }
0x7d: {  	[sflag:s24] =	ssyncset.done $0x0  }
0x7e: {  	s11 =	sadd.s32 $0x7800, s6;
	[sflag:s24] =	ssyncadd.s32 $0xFFFFF000  }
0x7f: {  	[spmem:s3] =	stream.indirect.scatter.add.f32 [tilespmem:s17], [sflag:$0x9], $0x20, s11, s15, $0xb8;
	[tilespmem:$0x12000] =	vst v63  }
0x80: {  	_ =	swait.ge [sflag:s25], $0x1000  }
0x81: {  	[sflag:s25] =	ssyncset.done $0x0  }
0x82: {  	s11 =	sadd.s32 $0x7880, s6;
	[sflag:s25] =	ssyncadd.s32 $0xFFFFF000  }
0x83: {  	[spmem:s3] =	stream.indirect.scatter.add.f32 [tilespmem:s16], [sflag:$0xA], $0x20, s11, s15, $0xb8;
	[tilespmem:$0x12000] =	vst v63  }
0x84: {  	_ =	swait.ge [sflag:s26], $0x1000  }
0x85: {  	[sflag:s26] =	ssyncset.done $0x0  }
0x86: {  	s11 =	sadd.s32 $0x7900, s6;
	[sflag:s26] =	ssyncadd.s32 $0xFFFFF000  }
0x87: {  	[spmem:s3] =	stream.indirect.scatter.add.f32 [tilespmem:s18], [sflag:$0xB], $0x20, s11, s15, $0xb8;
	[tilespmem:$0x12000] =	vst v63  }
0x88: {  	_ =	swait.ge [sflag:s28], $0x1000  }
0x89: {  	[sflag:s28] =	ssyncset.done $0x0  }
0x8a: {  	s11 =	sadd.s32 $0x7980, s6;
	[sflag:s28] =	ssyncadd.s32 $0xFFFFF000  }
0x8b: {  	[spmem:s3] =	stream.indirect.scatter.add.f32 [tilespmem:s19], [sflag:$0xC], $0x20, s11, s15, $0xb8;
	[tilespmem:$0x12000] =	vst v63  }
0x8c: {  	_ =	swait.ge [sflag:s29], $0x1000  }
0x8d: {  	[sflag:s29] =	ssyncset.done $0x0  }
0x8e: {  	s11 =	sadd.s32 $0x7A00, s6;
	[sflag:s29] =	ssyncadd.s32 $0xFFFFF000  }
0x8f: {  	[spmem:s3] =	stream.indirect.scatter.add.f32 [tilespmem:s20], [sflag:$0xD], $0x20, s11, s15, $0xb8;
	[tilespmem:$0x12000] =	vst v63  }
0x90: {  	_ =	swait.ge [sflag:s30], $0x1000  }
0x91: {  	[sflag:s30] =	ssyncset.done $0x0  }
0x92: {  	s11 =	sadd.s32 $0x7A80, s6;
	[sflag:s30] =	ssyncadd.s32 $0xFFFFF000  }
0x93: {  	[spmem:s3] =	stream.indirect.scatter.add.f32 [tilespmem:s21], [sflag:$0xE], $0x20, s11, s15, $0xb8;
	[tilespmem:$0x12000] =	vst v63  }
0x94: {  	_ =	swait.ge [sflag:s31], $0x1000  }
0x95: {  	[sflag:s31] =	ssyncset.done $0x0  }
0x96: {  	s11 =	sadd.s32 $0x7B00, s6;
	[sflag:s31] =	ssyncadd.s32 $0xFFFFF000  }
0x97: {  	[spmem:s3] =	stream.indirect.scatter.add.f32 [tilespmem:s22], [sflag:$0xF], $0x20, s11, s15, $0xb8;
	[tilespmem:$0x12000] =	vst v63  }
0x98: {  	_ =	swait.ge [sflag:s1], $0x1000  }
0x99: {  	[sflag:s1] =	ssyncset.done $0x0  }
0x9a: {  	s6 =	sadd.s32 $0x7B80, s6;
	[sflag:s1] =	ssyncadd.s32 $0xFFFFF000  }
0x9b: {  	[spmem:s3] =	stream.indirect.scatter.add.f32 [tilespmem:s23], [sflag:$0x10], $0x20, s6, s15, $0xb8;
	[tilespmem:$0x12000] =	vst v63  }
0x9c: {  	_ =	swait.ge [sflag:s0], $0x1000  }
0x9d: {  	[sflag:s0] =	ssyncset.done $0x0  }
0x9e: {  	[sflag:s0] =	ssyncadd.s32 $0xFFFFF000  }
0x9f: {  	_ =	swait.ge [sflag:s2], $0x1000  }
0xa0: {  	[sflag:s2] =	ssyncset.done $0x0  }
0xa1: {  	[sflag:s2] =	ssyncadd.s32 $0xFFFFF000  }
0xa2: {  	_ =	swait.ge [sflag:s13], $0x1000  }
0xa3: {  	[sflag:s13] =	ssyncset.done $0x0  }
0xa4: {  	[sflag:s13] =	ssyncadd.s32 $0xFFFFF000  }
0xa5: {  	_ =	swait.ge [sflag:s14], $0x1000  }
0xa6: {  	[sflag:s14] =	ssyncset.done $0x0  }
0xa7: {  	[sflag:s14] =	ssyncadd.s32 $0xFFFFF000  }
0xa8: {  	_ =	swait.ge [sflag:s4], $0x1000  }
0xa9: {  	[sflag:s4] =	ssyncset.done $0x0  }
0xaa: {  	[sflag:s4] =	ssyncadd.s32 $0xFFFFF000  }
0xab: {  	_ =	swait.ge [sflag:s7], $0x1000  }
0xac: {  	[sflag:s7] =	ssyncset.done $0x0  }
0xad: {  	[sflag:s7] =	ssyncadd.s32 $0xFFFFF000  }
.Ltmp0:
0xae: {  	_ =	swait.ge [sflag:s8], $0x1000;
	(pc) =	sbr.rel @p0 .LBB2_2-.Ltmp0, $4  }
0xaf: {  	[sflag:s8] =	ssyncset.done $0x0  }
0xb0: {  	[sflag:s8] =	ssyncadd.s32 $0xFFFFF000  }
0xb1: {  	_ =	swait.ge [sflag:s9], $0x1000  }
0xb2: {  	s11 =	smov.u32 s10;
	s6 =	sshra.s32 s12, $0x2;
	[sflag:s9] =	ssyncset.done $0x0  }
0xb3: {  	s10 =	sadd.s32 $0x5000, s6;
	[sflag:s9] =	ssyncadd.s32 $0xFFFFF000;
	s11 =	simm.s32 $0xA000  }
0xb4: {  	[tilespmem:s11], [sflag:$0x1] =	stream.indirect.gather [hbm4b:s5+s15], $0x20, s10, s15, $0xb8;
	[tilespmem:$0x12000] =	vst v63  }
0xb5: {  	s16 =	sadd.s32 $0x5080, s6;
	s12 =	simm.s32 $0xB000  }
0xb6: {  	[tilespmem:s12], [sflag:$0x2] =	stream.indirect.gather [hbm4b:s5+s15], $0x20, s16, s15, $0xb8;
	[tilespmem:$0x12000] =	vst v63  }
0xb7: {  	s16 =	sadd.s32 $0x5100, s6  }
0xb8: {  	[tilespmem:s18], [sflag:$0x3] =	stream.indirect.gather [hbm4b:s5+s15], $0x20, s16, s15, $0xb8;
	[tilespmem:$0x12000] =	vst v63  }
0xb9: {  	s16 =	sadd.s32 $0x5180, s6  }
0xba: {  	[tilespmem:s19], [sflag:$0x4] =	stream.indirect.gather [hbm4b:s5+s15], $0x20, s16, s15, $0xb8;
	[tilespmem:$0x12000] =	vst v63  }
0xbb: {  	s16 =	sadd.s32 $0x5200, s6  }
0xbc: {  	[tilespmem:s20], [sflag:$0x5] =	stream.indirect.gather [hbm4b:s5+s15], $0x20, s16, s15, $0xb8;
	[tilespmem:$0x12000] =	vst v63  }
0xbd: {  	s16 =	sadd.s32 $0x5280, s6  }
0xbe: {  	[tilespmem:s21], [sflag:$0x6] =	stream.indirect.gather [hbm4b:s5+s15], $0x20, s16, s15, $0xb8;
	[tilespmem:$0x12000] =	vst v63  }
0xbf: {  	s16 =	sadd.s32 $0x5300, s6  }
0xc0: {  	[tilespmem:s22], [sflag:$0x7] =	stream.indirect.gather [hbm4b:s5+s15], $0x20, s16, s15, $0xb8;
	[tilespmem:$0x12000] =	vst v63  }
0xc1: {  	s16 =	sadd.s32 $0x5380, s6  }
0xc2: {  	[tilespmem:s23], [sflag:$0x8] =	stream.indirect.gather [hbm4b:s5+s15], $0x20, s16, s15, $0xb8;
	[tilespmem:$0x12000] =	vst v63  }
0xc3: {  	_ =	swait.ge [sflag:s24], $0x1000  }
0xc4: {  	[sflag:s24] =	ssyncset.done $0x0  }
0xc5: {  	s16 =	sadd.s32 $0x7800, s6;
	[sflag:s24] =	ssyncadd.s32 $0xFFFFF000  }
0xc6: {  	[spmem:s3] =	stream.indirect.scatter.add.f32 [tilespmem:s11], [sflag:$0x9], $0x20, s16, s15, $0xb8;
	[tilespmem:$0x12000] =	vst v63  }
0xc7: {  	_ =	swait.ge [sflag:s25], $0x1000  }
0xc8: {  	[sflag:s25] =	ssyncset.done $0x0  }
0xc9: {  	s11 =	sadd.s32 $0x7880, s6;
	[sflag:s25] =	ssyncadd.s32 $0xFFFFF000  }
0xca: {  	[spmem:s3] =	stream.indirect.scatter.add.f32 [tilespmem:s12], [sflag:$0xA], $0x20, s11, s15, $0xb8;
	[tilespmem:$0x12000] =	vst v63  }
0xcb: {  	_ =	swait.ge [sflag:s26], $0x1000  }
0xcc: {  	[sflag:s26] =	ssyncset.done $0x0  }
0xcd: {  	s16 =	sadd.s32 $0x7900, s6;
	[sflag:s26] =	ssyncadd.s32 $0xFFFFF000  }
0xce: {  	[spmem:s3] =	stream.indirect.scatter.add.f32 [tilespmem:s18], [sflag:$0xB], $0x20, s16, s15, $0xb8;
	[tilespmem:$0x12000] =	vst v63  }
0xcf: {  	_ =	swait.ge [sflag:s28], $0x1000  }
0xd0: {  	[sflag:s28] =	ssyncset.done $0x0  }
0xd1: {  	s11 =	sadd.s32 $0x7980, s6;
	[sflag:s28] =	ssyncadd.s32 $0xFFFFF000  }
0xd2: {  	[spmem:s3] =	stream.indirect.scatter.add.f32 [tilespmem:s19], [sflag:$0xC], $0x20, s11, s15, $0xb8;
	[tilespmem:$0x12000] =	vst v63  }
0xd3: {  	_ =	swait.ge [sflag:s29], $0x1000  }
0xd4: {  	[sflag:s29] =	ssyncset.done $0x0  }
0xd5: {  	s12 =	sadd.s32 $0x7A00, s6;
	[sflag:s29] =	ssyncadd.s32 $0xFFFFF000  }
0xd6: {  	[spmem:s3] =	stream.indirect.scatter.add.f32 [tilespmem:s20], [sflag:$0xD], $0x20, s12, s15, $0xb8;
	[tilespmem:$0x12000] =	vst v63  }
0xd7: {  	_ =	swait.ge [sflag:s30], $0x1000  }
0xd8: {  	[sflag:s30] =	ssyncset.done $0x0  }
0xd9: {  	s16 =	sadd.s32 $0x7A80, s6;
	[sflag:s30] =	ssyncadd.s32 $0xFFFFF000  }
0xda: {  	[spmem:s3] =	stream.indirect.scatter.add.f32 [tilespmem:s21], [sflag:$0xE], $0x20, s16, s15, $0xb8;
	[tilespmem:$0x12000] =	vst v63  }
0xdb: {  	_ =	swait.ge [sflag:s31], $0x1000  }
0xdc: {  	[sflag:s31] =	ssyncset.done $0x0  }
0xdd: {  	s11 =	sadd.s32 $0x7B00, s6;
	[sflag:s31] =	ssyncadd.s32 $0xFFFFF000  }
0xde: {  	[spmem:s3] =	stream.indirect.scatter.add.f32 [tilespmem:s22], [sflag:$0xF], $0x20, s11, s15, $0xb8;
	[tilespmem:$0x12000] =	vst v63  }
0xdf: {  	_ =	swait.ge [sflag:s1], $0x1000  }
0xe0: {  	[sflag:s1] =	ssyncset.done $0x0  }
0xe1: {  	s12 =	sadd.s32 $0x7B80, s6;
	[sflag:s1] =	ssyncadd.s32 $0xFFFFF000  }
0xe2: {  	[spmem:s3] =	stream.indirect.scatter.add.f32 [tilespmem:s23], [sflag:$0x10], $0x20, s12, s15, $0xb8;
	[tilespmem:$0x12000] =	vst v63  }
0xe3: {  	_ =	swait.ge [sflag:s0], $0x1000  }
0xe4: {  	[sflag:s0] =	ssyncset.done $0x0  }
0xe5: {  	[sflag:s0] =	ssyncadd.s32 $0xFFFFF000  }
0xe6: {  	_ =	swait.ge [sflag:s2], $0x1000  }
0xe7: {  	[sflag:s2] =	ssyncset.done $0x0  }
0xe8: {  	[sflag:s2] =	ssyncadd.s32 $0xFFFFF000  }
0xe9: {  	_ =	swait.ge [sflag:s13], $0x1000  }
0xea: {  	[sflag:s13] =	ssyncset.done $0x0  }
0xeb: {  	[sflag:s13] =	ssyncadd.s32 $0xFFFFF000  }
0xec: {  	_ =	swait.ge [sflag:s14], $0x1000  }
0xed: {  	[sflag:s14] =	ssyncset.done $0x0  }
0xee: {  	[sflag:s14] =	ssyncadd.s32 $0xFFFFF000  }
0xef: {  	_ =	swait.ge [sflag:s4], $0x1000  }
0xf0: {  	[sflag:s4] =	ssyncset.done $0x0  }
0xf1: {  	[sflag:s4] =	ssyncadd.s32 $0xFFFFF000  }
0xf2: {  	_ =	swait.ge [sflag:s7], $0x1000  }
0xf3: {  	[sflag:s7] =	ssyncset.done $0x0  }
0xf4: {  	[sflag:s7] =	ssyncadd.s32 $0xFFFFF000  }
0xf5: {  	_ =	swait.ge [sflag:s8], $0x1000  }
0xf6: {  	[sflag:s8] =	ssyncset.done $0x0  }
0xf7: {  	[sflag:s8] =	ssyncadd.s32 $0xFFFFF000  }
0xf8: {  	_ =	swait.ge [sflag:s9], $0x1000  }
0xf9: {  	[sflag:s9] =	ssyncset.done $0x0  }
0xfa: {  	[sflag:s9] =	ssyncadd.s32 $0xFFFFF000  }
0xfb: {  	[bflag:$0x0] =	sbarrier.arrive $0xFFFF  }
0xfc: {  	s10 =	rddreg [dreg:$0x4]  }
0xfd: {  	s16 =	rddreg [dreg:$0x7]  }
0xfe: {  	s12 =	simm.s32 $0x11;
	s11 =	rddreg [dreg:$0x9]  }
0xff: {  	[hbm:s16], [sflag:s10] =	dma.local [spmem:s11], $0xA00  }
0x100: {  	_ =	swait.ge [sflag:s12], $0xA00  }
0x101: {  	s16 =	rddreg [dreg:$0xa]  }
0x102: {  	s6 =	rddreg [dreg:$0x8];
	s16 =	sadd.s32 $0x1, s16  }
0x103: {  	p0 =	sne.s32 s16, s6  }
.Ltmp1:
0x104: {  	_ = 	snop;
	(pc) =	sbr.rel @p0 .LBB2_1-.Ltmp1, $3  }
0x105: {  	_ =	sdelay $0x1  }
0x106: {  	[sflag:s12] =	ssyncset.done $0x0  }
0x107: {  	[sflag:s12] =	ssyncadd.s32 $0xFFFFF600  }
0x108: {  	_ =	sfence.sel $0x180000  }
0x109: {  	[bflag:$0x0] =	sbarrier.arrive $0xFFFF  }
0x10a: {  	_ =	strace $0x9000004A  }
0x10b: {  	s0 =	stileid.u32;
	[bflag:$0x2] =	sbarrier.arrive $0xFFFF  }
0x10c: {  	p0 =	sne.s32 s0, $0x0;
	s0 =	rddreg [dreg:$0x3]  }
0x10d: {  	s0 =	sadd.s32 @!p0 $0x100000, s0  }
0x10e: {  	[sflag:s0] =	ssyncadd.tile.s32 @!p0 $0x1;
	_ =	shalt  }
.Lfunc_end2:
_tile_overlayer_lowered:
.L_overlay_start_2:
0x10f: {  	(tag) =	ssettag $0x2  }
0x110: {  	s0 =	rddreg [dreg:$0x0];
	s2 =	stileid.u32  }
0x111: {  	s1 =	rddreg [dreg:$0x1];
	p0 =	sne.s32 s2, $0x0  }
0x112: {  	s3 =	rddreg [dreg:$0x2];
	[bflag:$0x3] =	sbarrier.arrive $0xFFFF;
	s2 =	simm.s32 @!p0 $0x1C11  }
0x113: {  	[timem:s3], [sflag:s2] =	dma.local @!p0 [hbm:s0], s1  }
0x114: {  	s0 =	simm.s32 @!p0 $0x11  }
0x115: {  	_ =	swait.ge @!p0 [sflag:s0], s1  }
0x116: {  	s1 =	ssub.s32 @!p0 $0x0, s1;
	[sflag:s0] =	ssyncset.done @!p0 $0x0  }
0x117: {  	[sflag:s0] =	ssyncadd.s32 @!p0 s1  }
0x118: {  	[bflag:$0x3] =	sbarrier.arrive $0xFFFF  }
0x119: {  	_ =	shalt  }

// kernel: kernel.14.cloned.1.call-start
scs
__scs_entry_jumppad:
0x0: {  	(pc) =	sbr.rel $0x88, $3  }
0x1: {  	(tag) =	ssettag $0x0;
	lr =	simm.s32 $0x1  }
0x2: {  	[smem:$0x3F9B] =	sst lr;
	_ =	strace $0xD0000000  }
0x3: {  	_ = 	snop  }
0x4: {  	_ = 	snop  }
0x5: {  	_ = 	snop  }
0x6: {  	_ = 	snop  }
0x7: {  	_ = 	snop  }
__scs_overlays_trampoline_lowered:
0x8: {  	[smem:$0x3FAA] =	sst s0  }
0x9: {  	[smem:$0x3FAB] =	sst s1  }
0xa: {  	[smem:$0x3FAC] =	sst s2  }
0xb: {  	[smem:$0x3FAD] =	sst s3  }
0xc: {  	[smem:$0x3FAE] =	sst s4  }
0xd: {  	[smem:$0x3FAF] =	sst s5  }
0xe: {  	[smem:$0x3FB0] =	sst s6  }
0xf: {  	[smem:$0x3FB1] =	sst s7  }
0x10: {  	[smem:$0x3FB2] =	sst s8  }
0x11: {  	[smem:$0x3FB3] =	sst s9;
	s0 =	simm.s32 @!p0 $0x0  }
0x12: {  	s1 =	sld [smem:$0x3F99];
	s0 =	simm.s32 @p0 $0x1  }
0x13: {  	[smem:$0x3FB4] =	sst s0;
	s0 =	simm.s32 @!p1 $0x0  }
0x14: {  	s2 =	sld [smem:$0x3F98];
	s0 =	simm.s32 @p1 $0x1  }
0x15: {  	[smem:$0x3FB5] =	sst s0;
	s0 =	simm.s32 @!p2 $0x0  }
0x16: {  	s3 =	sld [smem:$0x3FDB];
	s0 =	simm.s32 @p2 $0x1  }
0x17: {  	s4 =	simm.s32 $0x1BF5;
	[smem:$0x3FB7] =	sst s0  }
0x18: {  	s0 =	sld [smem:$0x3F9A];
	_ =	swait.ge [sflag:s4], $0x0  }
0x19: {  	s7 =	sld [smem:$0x3F9B]  }
0x1a: {  	s8 =	sadd.s32 $0xFFFFE003, lr  }
0x1b: {  	s9 =	sadd.s32 $0xFFFFFEF7, lr;
	s5 =	simm.s32 $0xFFFFFFFF;
	p2 =	slt.u32 s8, $0xFFFFF086  }
0x1c: {  	p1 =	slt.u32 s9, $0xF7A;
	s5 =	simm.s32 @!p2 $0x0  }
0x1d: {  	s5 =	simm.s32 @p1 $0x1;
	p0 =	seq.s32 s7, s2  }
0x1e: {  	s7 =	smul.u32 @!p0 $0xF7A, s2;
	p2 =	seq.s32 @!p0 s5, $0x0  }
0x1f: {  	s9 =	smul.u32 $0xF7A, s1;
	s8 =	simm.s32 @!p0 $0x1BF5;
	p2 =	por !p2, p0  }
0x20: {  	[sflag:s8] =	ssyncset.s32 @!p0 $0xFFFFF086;
	s6 =	sadd.s32 @!p0 s3, s7;
	s7 =	simm.s32 @!p0 $0x108  }
0x21: {  	s3 =	sadd.s32 s3, s9;
	s6 =	sadd.s32 @!p0 $0x88, s6;
	s7 =	simm.s32 @p2 $0x1082  }
0x22: {  	[simem:s7], [sflag:s8] =	dma.local @!p0 [hbm:s6], $0xF7A  }
0x23: {  	s9 =	sor.u32 $0xD0000000, s2;
	s6 =	simm.s32 $0x108;
	_ =	swait.ge @!p0 [sflag:s8], $0x0  }
0x24: {  	s3 =	sadd.s32 $0x88, s3;
	s6 =	simm.s32 @!p1 $0x1082;
	[sflag:s4] =	ssyncset.s32 $0xFFFFF086  }
0x25: {  	[simem:s6], [sflag:s4] =	dma.local [hbm:s3], $0xF7A  }
0x26: {  	[smem:$0x3F9B] =	sst s1;
	(tag) =	ssettag s2;
	_ =	strace s9  }
0x27: {  	s1 =	sld [smem:$0x3FAB]  }
0x28: {  	s2 =	sld [smem:$0x3FAC]  }
0x29: {  	s4 =	sld [smem:$0x3FAE]  }
0x2a: {  	p0 =	seq.s32 s5, $0x0;
	s5 =	sld [smem:$0x3FAF]  }
0x2b: {  	s6 =	sld [smem:$0x3FB0]  }
0x2c: {  	s7 =	sld [smem:$0x3FB1]  }
0x2d: {  	s3 =	simm.s32 $0x108;
	s8 =	sld [smem:$0x3FB2]  }
0x2e: {  	s3 =	simm.s32 @!p0 $0x1082;
	s9 =	sld [smem:$0x3FB3]  }
0x2f: {  	lr =	sadd.s32 s0, s3;
	s0 =	sld [smem:$0x3FAA]  }
0x30: {  	s3 =	sld [smem:$0x3FAD]  }
0x31: {  	[smem:$0x3FB6] =	sst s10  }
0x32: {  	s10 =	sld [smem:$0x3FB4];
	_ =	sdelay $0x3  }
0x33: {  	p0 =	seq.s32 s10, $0x1;
	s10 =	sld [smem:$0x3FB6];
	_ =	sdelay $0x3  }
0x34: {  	[smem:$0x3FB6] =	sst s10  }
0x35: {  	s10 =	sld [smem:$0x3FB5];
	_ =	sdelay $0x3  }
0x36: {  	p1 =	seq.s32 s10, $0x1;
	s10 =	sld [smem:$0x3FB6];
	_ =	sdelay $0x3  }
0x37: {  	[smem:$0x3FB6] =	sst s10  }
0x38: {  	s10 =	sld [smem:$0x3FB7]  }
0x39: {  	_ = 	snop;
	(pc) =	sbr.ind lr, $3  }
0x3a: {  	_ = 	snop  }
0x3b: {  	_ = 	snop  }
0x3c: {  	p2 =	seq.s32 s10, $0x1;
	s10 =	sld [smem:$0x3FB6]  }
0x3d: {  	_ =	shalt  }
0x3e: {  	_ =	shalt  }
0x3f: {  	_ =	shalt  }
0x40: {  	_ =	shalt  }
0x41: {  	_ =	shalt  }
0x42: {  	_ =	shalt  }
0x43: {  	_ =	shalt  }
0x44: {  	_ =	shalt  }
0x45: {  	_ =	shalt  }
0x46: {  	_ =	shalt  }
0x47: {  	_ =	shalt  }
0x48: {  	_ =	shalt  }
0x49: {  	_ =	shalt  }
0x4a: {  	_ =	shalt  }
0x4b: {  	_ =	shalt  }
0x4c: {  	_ =	shalt  }
0x4d: {  	_ =	shalt  }
0x4e: {  	_ =	shalt  }
0x4f: {  	_ =	shalt  }
0x50: {  	_ =	shalt  }
0x51: {  	_ =	shalt  }
0x52: {  	_ =	shalt  }
0x53: {  	_ =	shalt  }
0x54: {  	_ =	shalt  }
0x55: {  	_ =	shalt  }
0x56: {  	_ =	shalt  }
0x57: {  	_ =	shalt  }
0x58: {  	_ =	shalt  }
0x59: {  	_ =	shalt  }
0x5a: {  	_ =	shalt  }
0x5b: {  	_ =	shalt  }
0x5c: {  	_ =	shalt  }
0x5d: {  	_ =	shalt  }
0x5e: {  	_ =	shalt  }
0x5f: {  	_ =	shalt  }
0x60: {  	_ =	shalt  }
0x61: {  	_ =	shalt  }
0x62: {  	_ =	shalt  }
0x63: {  	_ =	shalt  }
0x64: {  	_ =	shalt  }
0x65: {  	_ =	shalt  }
0x66: {  	_ =	shalt  }
0x67: {  	_ =	shalt  }
0x68: {  	_ =	shalt  }
0x69: {  	_ =	shalt  }
0x6a: {  	_ =	shalt  }
0x6b: {  	_ =	shalt  }
0x6c: {  	_ =	shalt  }
0x6d: {  	_ =	shalt  }
0x6e: {  	_ =	shalt  }
0x6f: {  	_ =	shalt  }
0x70: {  	_ =	shalt  }
0x71: {  	_ =	shalt  }
0x72: {  	_ =	shalt  }
0x73: {  	_ =	shalt  }
0x74: {  	_ =	shalt  }
0x75: {  	_ =	shalt  }
0x76: {  	_ =	shalt  }
0x77: {  	_ =	shalt  }
0x78: {  	_ =	shalt  }
0x79: {  	_ =	shalt  }
0x7a: {  	_ =	shalt  }
0x7b: {  	_ =	shalt  }
0x7c: {  	_ =	shalt  }
0x7d: {  	_ =	shalt  }
0x7e: {  	_ =	shalt  }
0x7f: {  	_ =	shalt  }
0x80: {  	_ =	shalt  }
0x81: {  	_ =	shalt  }
0x82: {  	_ =	shalt  }
0x83: {  	_ =	shalt  }
0x84: {  	_ =	shalt  }
0x85: {  	_ =	shalt  }
0x86: {  	_ =	shalt  }
0x87: {  	_ =	shalt  }
.Lfunc_end0:
.L_simem_size_0:
called_computation.2_lowered:
.L_overlay_start_0:
0x88: {  	s2 =	sld [smem:$0x3FD9]  }
0x89: {  	s3 =	sld [smem:$0x3FFE];
	_ =	sdelay $0x1  }
0x8a: {  	s1 =	srdreg.scid  }
0x8b: {  	s0 =	sand.u32 $0x1, s1  }
0x8c: {  	s17 =	sshll.u32 s0, $0xA;
	s2 =	sadd.s32 s3, s2  }
0x8d: {  	s2 =	sadd.s32 s2, s17  }
0x8e: {  	[smem:$0x3FC2] =	sst s2  }
0x8f: {  	_ = 	snop  }
0x90: {  	s2 =	sld [smem:$0x3FD0];
	(tm) =	ssettm $0x1  }
0x91: {  	s18 =	sld [smem:$0x3FFB];
	_ =	sdelay $0x3  }
0x92: {  	_ =	strace s18  }
0x93: {  	s3 =	sld [smem:$0x3FFC];
	_ =	sdelay $0x3  }
0x94: {  	_ =	strace s3  }
0x95: {  	s3 =	sld [smem:$0x3FFD];
	_ =	sdelay $0x3  }
0x96: {  	_ =	strace s3  }
0x97: {  	_ =	strace $0x8FFFFFFF  }
0x98: {  	s19 =	sld [smem:$0x3FDB];
	_ =	sdelay $0x1  }
0x99: {  	s4 =	simm.s32 $_scs_section_size  }
0x9a: {  	s5 =	simm.s32 $_size__tile_overlayer_lowered;
	s6 =	simm.s32 $_tile_overlayer_lowered  }
0x9b: {  	s22 =	simm.s32 $0x1BFF;
	s21 =	sshll.u32 s6, $0x1;
	s3 =	sadd.s32 s4, s19  }
0x9c: {  	s7 =	simm.s32 $0x0;
	s20 =	sshll.u32 s5, $0x1;
	s5 =	sadd.s32 s21, s3  }
0x9d: {  	[timem:s7], [sflag:s22] =	dma.local [hbm:s5], s20  }
0x9e: {  	_ =	swait.ge [sflag:s22], s20  }
0x9f: {  	s4 =	ssub.s32 $0x0, s20;
	[sflag:s22] =	ssyncset.done $0x0  }
0xa0: {  	[sflag:s22] =	ssyncadd.s32 s4;
	_ =	sdelay $0x1  }
0xa1: {  	s23 =	simm.s32 $0x1B8B  }
0xa2: {  	_ =	swait.ge [sflag:s23], $0x1  }
0xa3: {  	[sflag:s23] =	ssyncset.done $0x0  }
0xa4: {  	s25 =	simm.s32 $0x1B8E;
	s24 =	sld [smem:$0x3FFE];
	[sflag:s23] =	ssyncadd.s32 $0xFFFFFFFF  }
0xa5: {  	s26 =	simm.s32 $execute0_lowered;
	[smem:$0x3FD2] =	sst s25  }
0xa6: {  	s5 =	sshll.u32 s26, $0x1;
	_ =	strace $0x8000004C;
	[dreg:$0x1] =	wrdreg $0xFFFFFFFF  }
0xa7: {  	s28 =	simm.s32 $_size_execute0_lowered;
	s3 =	sadd.s32 s3, s5;
	[dreg:$0x0] =	wrdreg $0x0  }
0xa8: {  	s5 =	sshll.u32 s28, $0x1;
	[dreg:$0x2] =	wrdreg s3  }
0xa9: {  	[dreg:$0x3] =	wrdreg s5  }
0xaa: {  	[dreg:$0x4] =	wrdreg $0xC0  }
0xab: {  	_ =	task [dreg:s7], $0x5FFFF  }
0xac: {  	[dreg:$0x1] =	wrdreg $0xFFFFFFFF  }
0xad: {  	[dreg:$0x0] =	wrdreg $0x60  }
0xae: {  	[dreg:$0x2] =	wrdreg s24  }
0xaf: {  	[dreg:$0x3] =	wrdreg s2  }
0xb0: {  	[dreg:$0x4] =	wrdreg $0x0  }
0xb1: {  	[dreg:$0x5] =	wrdreg $0x9  }
0xb2: {  	_ =	task.clear_ibuf [dreg:s7], $0x6FFFF;
	_ =	strace $0x9000004C  }
0xb3: {  	s29 =	simm.s32 $0x9;
	_ =	strace $0x8000004E  }
0xb4: {  	_ =	swait.ge [sflag:s29], $0x1  }
0xb5: {  	[sflag:s29] =	ssyncadd.s32 $0xFFFFFFFF  }
0xb6: {  	_ =	strace $0x9000004E  }
0xb7: {  	_ =	sfence  }
0xb8: {  	s30 =	sld [smem:$0x0];
	_ =	sdelay $0x2  }
0xb9: {  	s31 =	sshll.u32 s1, $0xD;
	s1 =	sshrl.u32 s1, $0x2  }
0xba: {  	s3 =	sand.u32 $0x4000, s31;
	s1 =	sadd.s32 s1, s30  }
0xbb: {  	s0 =	sor.u32 s3, s0;
	s1 =	sshll.u32 s1, $0x11  }
0xbc: {  	s0 =	sor.u32 s1, s0  }
0xbd: {  	s0 =	sadd.s32 $0x8F2B, s0  }
0xbe: {  	[sflag:s0] =	ssyncadd.remote.s32 $0x1  }
0xbf: {  	_ =	sfence.sel $0xFFFF  }
0xc0: {  	[dreg:$0x0] =	wrdreg $0xFFFFFFFF;
	(pc) =	sbr.abs _section_cstart, $3  }
0xc1: {  	[dreg:$0x1] =	wrdreg $0xFFFFFFFF  }
0xc2: {  	_ =	task.clear_ibuf [dreg:s7], $0x2FFFF;
	_ =	strace $0x9FFFFFFF  }
0xc3: {  	(tm) =	ssettm $0x7FFFFFFF  }
tec
execute0_lowered:
.L_overlay_start_1:
0x0: {  	(tag) =	ssettag $0x1  }
0x1: {  	s0 =	srdreg.scid;
	s1 =	rddreg [dreg:$0x0]  }
0x2: {  	s8 =	stileid.u32;
	s3 =	rddreg [dreg:$0x2];
	s5 =	simm.s32 $0x0  }
0x3: {  	s12 =	simm.s32 $0x11;
	s15 =	simm.s32 $0x80;
	s18 =	simm.s32 $0x8800  }
0x4: {  	s19 =	simm.s32 $0x9000;
	s20 =	simm.s32 $0x9800;
	s21 =	simm.s32 $0xA000  }
0x5: {  	s22 =	simm.s32 $0xA800;
	s23 =	simm.s32 $0xB000;
	s28 =	simm.s32 $0x4  }
0x6: {  	s29 =	simm.s32 $0x5;
	s30 =	simm.s32 $0x6;
	s31 =	simm.s32 $0x7  }
0x7: {  	s13 =	simm.s32 $0xB;
	s14 =	simm.s32 $0xC;
	s9 =	simm.s32 $0x10  }
0x8: {  	s16 =	simm.s32 $0x0;
	s17 =	simm.s32 $0x7800;
	s0 =	sand.u32 $0x1, s0  }
0x9: {  	s4 =	smul.u32 $0x2800, s8;
	[smem:$0x7FF] =	sst s5;
	s5 =	sadd.s32 $0x2400, s1  }
0xa: {  	s25 =	sshll.u32 s8, $0x6;
	s2 =	sshll.u32 s0, $0x4;
	s24 =	smul.u32 $0x28000, s0  }
0xb: {  	_ =	strace $0x8000004D;
	s0 =	ssub.s32 $0x2, s0;
	s10 =	sor.u32 $0x1C11, s25  }
0xc: {  	s25 =	simm.s32 $0x2;
	s2 =	sor.u32 s8, s2;
	s7 =	sshrl.u32 s0, $0x1  }
0xd: {  	s8 =	simm.s32 $0xF;
	[dreg:$0x4] =	wrdreg s10;
	s2 =	smul.u32 $0x2800, s2  }
0xe: {  	s6 =	sadd.s32 s4, s24;
	s0 =	ssub.s32 s0, s7;
	s4 =	sadd.s32 s4, s3  }
0xf: {  	s24 =	simm.s32 $0x1;
	s0 =	smax.u32 s0, $0x1;
	s2 =	sshrl.u32 s2, $0x3  }
0x10: {  	s11 =	sshrl.u32 s4, $0x3;
	[dreg:$0x8] =	wrdreg s0;
	s2 =	sadd.s32 s2, s1  }
0x11: {  	s6 =	sshrl.u32 s6, $0x3;
	[dreg:$0x9] =	wrdreg s11;
	s26 =	sadd.s32 $0x20400, s2  }
0x12: {  	s1 =	sadd.s32 s6, s1;
	s2 =	sadd.s32 $0x2A400, s2;
	[dreg:$0x5] =	wrdreg s26  }
0x13: {  	s7 =	simm.s32 $0xE;
	s1 =	sadd.s32 $0x7400, s1;
	[dreg:$0x6] =	wrdreg s2  }
0x14: {  	s4 =	simm.s32 $0xD;
	s0 =	simm.s32 $0x9;
	[dreg:$0x7] =	wrdreg s1  }
0x15: {  	s26 =	simm.s32 $0x3;
	s1 =	simm.s32 $0x8;
	s2 =	simm.s32 $0xA  }
.LBB2_1:
0x16: {  	[dreg:$0xa] =	wrdreg s16  }
0x17: {  	s6 =	rddreg [dreg:$0x1]  }
0x18: {  	[spmem:s11], [sflag:s10] =	dma.local [hbm:s6], $0x500  }
0x19: {  	_ =	swait.ge [sflag:s12], $0x500  }
0x1a: {  	s16 =	simm.s32 $0x2800;
	[sflag:s12] =	ssyncset.done $0x0  }
0x1b: {  	s6 =	simm.s32 $0x0;
	s11 =	rddreg [dreg:$0x5];
	[sflag:s12] =	ssyncadd.s32 $0xFFFFFB00  }
0x1c: {  	[tilespmem:s16], [sflag:$0x11] =	stream.linear.gather [hbm4b:s11+s6], $0x2800, $0x38;
	[tilespmem:$0xB800] =	vst v63  }
0x1d: {  	_ =	swait.ge [sflag:s12], $0x2800  }
0x1e: {  	[sflag:s12] =	ssyncset.done $0x0  }
0x1f: {  	s16 =	simm.s32 $0x5000;
	s11 =	rddreg [dreg:$0x6];
	[sflag:s12] =	ssyncadd.s32 $0xFFFFD800  }
0x20: {  	[tilespmem:s16], [sflag:$0x11] =	stream.linear.gather [hbm4b:s11+s6], $0x2800, $0x38;
	[tilespmem:$0xB800] =	vst v63  }
0x21: {  	_ =	swait.ge [sflag:s12], $0x2800  }
0x22: {  	[sflag:s12] =	ssyncset.done $0x0  }
0x23: {  	[sflag:s12] =	ssyncadd.s32 $0xFFFFD800  }
0x24: {  	s10 =	simm.s32 $0x7800;
	s11 =	simm.s32 $0x2800;
	[bflag:$0x0] =	sbarrier.arrive $0xFFFF  }
0x25: {  	[tilespmem:s10], [sflag:$0x1] =	stream.indirect.gather [hbm4b:s5+s15], $0x10, s11, s15, $0xb8;
	[tilespmem:$0xB800] =	vst v63  }
0x26: {  	s12 =	simm.s32 $0x2880;
	s11 =	simm.s32 $0x8000  }
0x27: {  	[tilespmem:s11], [sflag:$0x2] =	stream.indirect.gather [hbm4b:s5+s15], $0x10, s12, s15, $0xb8;
	[tilespmem:$0xB800] =	vst v63  }
0x28: {  	s16 =	simm.s32 $0x2900  }
0x29: {  	[tilespmem:s18], [sflag:$0x3] =	stream.indirect.gather [hbm4b:s5+s15], $0x10, s16, s15, $0xb8;
	[tilespmem:$0xB800] =	vst v63  }
0x2a: {  	s12 =	simm.s32 $0x2980  }
0x2b: {  	[tilespmem:s19], [sflag:$0x4] =	stream.indirect.gather [hbm4b:s5+s15], $0x10, s12, s15, $0xb8;
	[tilespmem:$0xB800] =	vst v63  }
0x2c: {  	s16 =	simm.s32 $0x2A00  }
0x2d: {  	[tilespmem:s20], [sflag:$0x5] =	stream.indirect.gather [hbm4b:s5+s15], $0x10, s16, s15, $0xb8;
	[tilespmem:$0xB800] =	vst v63  }
0x2e: {  	s12 =	simm.s32 $0x2A80  }
0x2f: {  	[tilespmem:s21], [sflag:$0x6] =	stream.indirect.gather [hbm4b:s5+s15], $0x10, s12, s15, $0xb8;
	[tilespmem:$0xB800] =	vst v63  }
0x30: {  	s16 =	simm.s32 $0x2B00  }
0x31: {  	[tilespmem:s22], [sflag:$0x7] =	stream.indirect.gather [hbm4b:s5+s15], $0x10, s16, s15, $0xb8;
	[tilespmem:$0xB800] =	vst v63  }
0x32: {  	s12 =	simm.s32 $0x2B80  }
0x33: {  	[tilespmem:s23], [sflag:$0x8] =	stream.indirect.gather [hbm4b:s5+s15], $0x10, s12, s15, $0xb8;
	[tilespmem:$0xB800] =	vst v63  }
0x34: {  	_ =	swait.ge [sflag:s24], $0x800  }
0x35: {  	[sflag:s24] =	ssyncset.done $0x0  }
0x36: {  	s16 =	simm.s32 $0x5000;
	[sflag:s24] =	ssyncadd.s32 $0xFFFFF800  }
0x37: {  	[spmem:s3] =	stream.indirect.scatter.add.f32 [tilespmem:s10], [sflag:$0x9], $0x10, s16, s15, $0xb8;
	[tilespmem:$0xB800] =	vst v63  }
0x38: {  	_ =	swait.ge [sflag:s25], $0x800  }
0x39: {  	[sflag:s25] =	ssyncset.done $0x0  }
0x3a: {  	s10 =	simm.s32 $0x5080;
	[sflag:s25] =	ssyncadd.s32 $0xFFFFF800  }
0x3b: {  	[spmem:s3] =	stream.indirect.scatter.add.f32 [tilespmem:s11], [sflag:$0xA], $0x10, s10, s15, $0xb8;
	[tilespmem:$0xB800] =	vst v63  }
0x3c: {  	_ =	swait.ge [sflag:s26], $0x800  }
0x3d: {  	[sflag:s26] =	ssyncset.done $0x0  }
0x3e: {  	s12 =	simm.s32 $0x5100;
	[sflag:s26] =	ssyncadd.s32 $0xFFFFF800  }
0x3f: {  	[spmem:s3] =	stream.indirect.scatter.add.f32 [tilespmem:s18], [sflag:$0xB], $0x10, s12, s15, $0xb8;
	[tilespmem:$0xB800] =	vst v63  }
0x40: {  	_ =	swait.ge [sflag:s28], $0x800  }
0x41: {  	[sflag:s28] =	ssyncset.done $0x0  }
0x42: {  	s16 =	simm.s32 $0x5180;
	[sflag:s28] =	ssyncadd.s32 $0xFFFFF800  }
0x43: {  	[spmem:s3] =	stream.indirect.scatter.add.f32 [tilespmem:s19], [sflag:$0xC], $0x10, s16, s15, $0xb8;
	[tilespmem:$0xB800] =	vst v63  }
0x44: {  	_ =	swait.ge [sflag:s29], $0x800  }
0x45: {  	[sflag:s29] =	ssyncset.done $0x0  }
0x46: {  	s10 =	simm.s32 $0x5200;
	[sflag:s29] =	ssyncadd.s32 $0xFFFFF800  }
0x47: {  	[spmem:s3] =	stream.indirect.scatter.add.f32 [tilespmem:s20], [sflag:$0xD], $0x10, s10, s15, $0xb8;
	[tilespmem:$0xB800] =	vst v63  }
0x48: {  	_ =	swait.ge [sflag:s30], $0x800  }
0x49: {  	[sflag:s30] =	ssyncset.done $0x0  }
0x4a: {  	s11 =	simm.s32 $0x5280;
	[sflag:s30] =	ssyncadd.s32 $0xFFFFF800  }
0x4b: {  	[spmem:s3] =	stream.indirect.scatter.add.f32 [tilespmem:s21], [sflag:$0xE], $0x10, s11, s15, $0xb8;
	[tilespmem:$0xB800] =	vst v63  }
0x4c: {  	_ =	swait.ge [sflag:s31], $0x800  }
0x4d: {  	[sflag:s31] =	ssyncset.done $0x0  }
0x4e: {  	s12 =	simm.s32 $0x5300;
	[sflag:s31] =	ssyncadd.s32 $0xFFFFF800  }
0x4f: {  	[spmem:s3] =	stream.indirect.scatter.add.f32 [tilespmem:s22], [sflag:$0xF], $0x10, s12, s15, $0xb8;
	[tilespmem:$0xB800] =	vst v63  }
0x50: {  	_ =	swait.ge [sflag:s1], $0x800  }
0x51: {  	[sflag:s1] =	ssyncset.done $0x0  }
0x52: {  	s16 =	simm.s32 $0x5380;
	[sflag:s1] =	ssyncadd.s32 $0xFFFFF800  }
0x53: {  	[spmem:s3] =	stream.indirect.scatter.add.f32 [tilespmem:s23], [sflag:$0x10], $0x10, s16, s15, $0xb8;
	[tilespmem:$0xB800] =	vst v63  }
0x54: {  	_ =	swait.ge [sflag:s0], $0x800  }
0x55: {  	[sflag:s0] =	ssyncset.done $0x0  }
0x56: {  	[sflag:s0] =	ssyncadd.s32 $0xFFFFF800  }
0x57: {  	_ =	swait.ge [sflag:s2], $0x800  }
0x58: {  	[sflag:s2] =	ssyncset.done $0x0  }
0x59: {  	[sflag:s2] =	ssyncadd.s32 $0xFFFFF800  }
0x5a: {  	_ =	swait.ge [sflag:s13], $0x800  }
0x5b: {  	[sflag:s13] =	ssyncset.done $0x0  }
0x5c: {  	[sflag:s13] =	ssyncadd.s32 $0xFFFFF800  }
0x5d: {  	_ =	swait.ge [sflag:s14], $0x800  }
0x5e: {  	[sflag:s14] =	ssyncset.done $0x0  }
0x5f: {  	[sflag:s14] =	ssyncadd.s32 $0xFFFFF800  }
0x60: {  	_ =	swait.ge [sflag:s4], $0x800  }
0x61: {  	[sflag:s4] =	ssyncset.done $0x0  }
0x62: {  	[sflag:s4] =	ssyncadd.s32 $0xFFFFF800  }
0x63: {  	_ =	swait.ge [sflag:s7], $0x800  }
0x64: {  	[sflag:s7] =	ssyncset.done $0x0  }
0x65: {  	[sflag:s7] =	ssyncadd.s32 $0xFFFFF800  }
0x66: {  	_ =	swait.ge [sflag:s8], $0x800  }
0x67: {  	[sflag:s8] =	ssyncset.done $0x0  }
0x68: {  	[sflag:s8] =	ssyncadd.s32 $0xFFFFF800  }
0x69: {  	_ =	swait.ge [sflag:s9], $0x800  }
0x6a: {  	s6 =	simm.s32 $0x400;
	s11 =	simm.s32 $0x2000;
	[sflag:s9] =	ssyncset.done $0x0  }
.LBB2_2:
0x6b: {  	s16 =	sadd.s32 $0x2800, s6  }
0x6c: {  	[sflag:s9] =	ssyncadd.s32 $0xFFFFF800;
	s12 =	smov.u32 s11;
	s10 =	sadd.s32 $0x1000, s11  }
0x6d: {  	[tilespmem:s17], [sflag:$0x1] =	stream.indirect.gather [hbm4b:s5+s15], $0x10, s16, s15, $0xb8;
	[tilespmem:$0xB800] =	vst v63  }
0x6e: {  	p0 =	sne.s32 s11, $0x9000;
	s11 =	sadd.s32 $0x2880, s6;
	s16 =	simm.s32 $0x8000  }
0x6f: {  	[tilespmem:s16], [sflag:$0x2] =	stream.indirect.gather [hbm4b:s5+s15], $0x10, s11, s15, $0xb8;
	[tilespmem:$0xB800] =	vst v63  }
0x70: {  	s11 =	sadd.s32 $0x2900, s6  }
0x71: {  	[tilespmem:s18], [sflag:$0x3] =	stream.indirect.gather [hbm4b:s5+s15], $0x10, s11, s15, $0xb8;
	[tilespmem:$0xB800] =	vst v63  }
0x72: {  	s11 =	sadd.s32 $0x2980, s6  }
0x73: {  	[tilespmem:s19], [sflag:$0x4] =	stream.indirect.gather [hbm4b:s5+s15], $0x10, s11, s15, $0xb8;
	[tilespmem:$0xB800] =	vst v63  }
0x74: {  	s11 =	sadd.s32 $0x2A00, s6  }
0x75: {  	[tilespmem:s20], [sflag:$0x5] =	stream.indirect.gather [hbm4b:s5+s15], $0x10, s11, s15, $0xb8;
	[tilespmem:$0xB800] =	vst v63  }
0x76: {  	s11 =	sadd.s32 $0x2A80, s6  }
0x77: {  	[tilespmem:s21], [sflag:$0x6] =	stream.indirect.gather [hbm4b:s5+s15], $0x10, s11, s15, $0xb8;
	[tilespmem:$0xB800] =	vst v63  }
0x78: {  	s11 =	sadd.s32 $0x2B00, s6  }
0x79: {  	[tilespmem:s22], [sflag:$0x7] =	stream.indirect.gather [hbm4b:s5+s15], $0x10, s11, s15, $0xb8;
	[tilespmem:$0xB800] =	vst v63  }
0x7a: {  	s11 =	sadd.s32 $0x2B80, s6  }
0x7b: {  	[tilespmem:s23], [sflag:$0x8] =	stream.indirect.gather [hbm4b:s5+s15], $0x10, s11, s15, $0xb8;
	[tilespmem:$0xB800] =	vst v63  }
0x7c: {  	_ =	swait.ge [sflag:s24], $0x800  }
0x7d: {  	[sflag:s24] =	ssyncset.done $0x0  }
0x7e: {  	s11 =	sadd.s32 $0x5000, s6;
	[sflag:s24] =	ssyncadd.s32 $0xFFFFF800  }
0x7f: {  	[spmem:s3] =	stream.indirect.scatter.add.f32 [tilespmem:s17], [sflag:$0x9], $0x10, s11, s15, $0xb8;
	[tilespmem:$0xB800] =	vst v63  }
0x80: {  	_ =	swait.ge [sflag:s25], $0x800  }
0x81: {  	[sflag:s25] =	ssyncset.done $0x0  }
0x82: {  	s11 =	sadd.s32 $0x5080, s6;
	[sflag:s25] =	ssyncadd.s32 $0xFFFFF800  }
0x83: {  	[spmem:s3] =	stream.indirect.scatter.add.f32 [tilespmem:s16], [sflag:$0xA], $0x10, s11, s15, $0xb8;
	[tilespmem:$0xB800] =	vst v63  }
0x84: {  	_ =	swait.ge [sflag:s26], $0x800  }
0x85: {  	[sflag:s26] =	ssyncset.done $0x0  }
0x86: {  	s11 =	sadd.s32 $0x5100, s6;
	[sflag:s26] =	ssyncadd.s32 $0xFFFFF800  }
0x87: {  	[spmem:s3] =	stream.indirect.scatter.add.f32 [tilespmem:s18], [sflag:$0xB], $0x10, s11, s15, $0xb8;
	[tilespmem:$0xB800] =	vst v63  }
0x88: {  	_ =	swait.ge [sflag:s28], $0x800  }
0x89: {  	[sflag:s28] =	ssyncset.done $0x0  }
0x8a: {  	s11 =	sadd.s32 $0x5180, s6;
	[sflag:s28] =	ssyncadd.s32 $0xFFFFF800  }
0x8b: {  	[spmem:s3] =	stream.indirect.scatter.add.f32 [tilespmem:s19], [sflag:$0xC], $0x10, s11, s15, $0xb8;
	[tilespmem:$0xB800] =	vst v63  }
0x8c: {  	_ =	swait.ge [sflag:s29], $0x800  }
0x8d: {  	[sflag:s29] =	ssyncset.done $0x0  }
0x8e: {  	s11 =	sadd.s32 $0x5200, s6;
	[sflag:s29] =	ssyncadd.s32 $0xFFFFF800  }
0x8f: {  	[spmem:s3] =	stream.indirect.scatter.add.f32 [tilespmem:s20], [sflag:$0xD], $0x10, s11, s15, $0xb8;
	[tilespmem:$0xB800] =	vst v63  }
0x90: {  	_ =	swait.ge [sflag:s30], $0x800  }
0x91: {  	[sflag:s30] =	ssyncset.done $0x0  }
0x92: {  	s11 =	sadd.s32 $0x5280, s6;
	[sflag:s30] =	ssyncadd.s32 $0xFFFFF800  }
0x93: {  	[spmem:s3] =	stream.indirect.scatter.add.f32 [tilespmem:s21], [sflag:$0xE], $0x10, s11, s15, $0xb8;
	[tilespmem:$0xB800] =	vst v63  }
0x94: {  	_ =	swait.ge [sflag:s31], $0x800  }
0x95: {  	[sflag:s31] =	ssyncset.done $0x0  }
0x96: {  	s11 =	sadd.s32 $0x5300, s6;
	[sflag:s31] =	ssyncadd.s32 $0xFFFFF800  }
0x97: {  	[spmem:s3] =	stream.indirect.scatter.add.f32 [tilespmem:s22], [sflag:$0xF], $0x10, s11, s15, $0xb8;
	[tilespmem:$0xB800] =	vst v63  }
0x98: {  	_ =	swait.ge [sflag:s1], $0x800  }
0x99: {  	[sflag:s1] =	ssyncset.done $0x0  }
0x9a: {  	s6 =	sadd.s32 $0x5380, s6;
	[sflag:s1] =	ssyncadd.s32 $0xFFFFF800  }
0x9b: {  	[spmem:s3] =	stream.indirect.scatter.add.f32 [tilespmem:s23], [sflag:$0x10], $0x10, s6, s15, $0xb8;
	[tilespmem:$0xB800] =	vst v63  }
0x9c: {  	_ =	swait.ge [sflag:s0], $0x800  }
0x9d: {  	[sflag:s0] =	ssyncset.done $0x0  }
0x9e: {  	[sflag:s0] =	ssyncadd.s32 $0xFFFFF800  }
0x9f: {  	_ =	swait.ge [sflag:s2], $0x800  }
0xa0: {  	[sflag:s2] =	ssyncset.done $0x0  }
0xa1: {  	[sflag:s2] =	ssyncadd.s32 $0xFFFFF800  }
0xa2: {  	_ =	swait.ge [sflag:s13], $0x800  }
0xa3: {  	[sflag:s13] =	ssyncset.done $0x0  }
0xa4: {  	[sflag:s13] =	ssyncadd.s32 $0xFFFFF800  }
0xa5: {  	_ =	swait.ge [sflag:s14], $0x800  }
0xa6: {  	[sflag:s14] =	ssyncset.done $0x0  }
0xa7: {  	[sflag:s14] =	ssyncadd.s32 $0xFFFFF800  }
0xa8: {  	_ =	swait.ge [sflag:s4], $0x800  }
0xa9: {  	[sflag:s4] =	ssyncset.done $0x0  }
0xaa: {  	[sflag:s4] =	ssyncadd.s32 $0xFFFFF800  }
0xab: {  	_ =	swait.ge [sflag:s7], $0x800  }
0xac: {  	[sflag:s7] =	ssyncset.done $0x0  }
0xad: {  	[sflag:s7] =	ssyncadd.s32 $0xFFFFF800  }
.Ltmp0:
0xae: {  	_ =	swait.ge [sflag:s8], $0x800;
	(pc) =	sbr.rel @p0 .LBB2_2-.Ltmp0, $4  }
0xaf: {  	[sflag:s8] =	ssyncset.done $0x0  }
0xb0: {  	[sflag:s8] =	ssyncadd.s32 $0xFFFFF800  }
0xb1: {  	_ =	swait.ge [sflag:s9], $0x800  }
0xb2: {  	s11 =	smov.u32 s10;
	s6 =	sshra.s32 s12, $0x2;
	[sflag:s9] =	ssyncset.done $0x0  }
0xb3: {  	s10 =	sadd.s32 $0x2800, s6;
	[sflag:s9] =	ssyncadd.s32 $0xFFFFF800;
	s11 =	simm.s32 $0x7800  }
0xb4: {  	[tilespmem:s11], [sflag:$0x1] =	stream.indirect.gather [hbm4b:s5+s15], $0x10, s10, s15, $0xb8;
	[tilespmem:$0xB800] =	vst v63  }
0xb5: {  	s16 =	sadd.s32 $0x2880, s6;
	s12 =	simm.s32 $0x8000  }
0xb6: {  	[tilespmem:s12], [sflag:$0x2] =	stream.indirect.gather [hbm4b:s5+s15], $0x10, s16, s15, $0xb8;
	[tilespmem:$0xB800] =	vst v63  }
0xb7: {  	s16 =	sadd.s32 $0x2900, s6  }
0xb8: {  	[tilespmem:s18], [sflag:$0x3] =	stream.indirect.gather [hbm4b:s5+s15], $0x10, s16, s15, $0xb8;
	[tilespmem:$0xB800] =	vst v63  }
0xb9: {  	s16 =	sadd.s32 $0x2980, s6  }
0xba: {  	[tilespmem:s19], [sflag:$0x4] =	stream.indirect.gather [hbm4b:s5+s15], $0x10, s16, s15, $0xb8;
	[tilespmem:$0xB800] =	vst v63  }
0xbb: {  	s16 =	sadd.s32 $0x2A00, s6  }
0xbc: {  	[tilespmem:s20], [sflag:$0x5] =	stream.indirect.gather [hbm4b:s5+s15], $0x10, s16, s15, $0xb8;
	[tilespmem:$0xB800] =	vst v63  }
0xbd: {  	s16 =	sadd.s32 $0x2A80, s6  }
0xbe: {  	[tilespmem:s21], [sflag:$0x6] =	stream.indirect.gather [hbm4b:s5+s15], $0x10, s16, s15, $0xb8;
	[tilespmem:$0xB800] =	vst v63  }
0xbf: {  	s16 =	sadd.s32 $0x2B00, s6  }
0xc0: {  	[tilespmem:s22], [sflag:$0x7] =	stream.indirect.gather [hbm4b:s5+s15], $0x10, s16, s15, $0xb8;
	[tilespmem:$0xB800] =	vst v63  }
0xc1: {  	s16 =	sadd.s32 $0x2B80, s6  }
0xc2: {  	[tilespmem:s23], [sflag:$0x8] =	stream.indirect.gather [hbm4b:s5+s15], $0x10, s16, s15, $0xb8;
	[tilespmem:$0xB800] =	vst v63  }
0xc3: {  	_ =	swait.ge [sflag:s24], $0x800  }
0xc4: {  	[sflag:s24] =	ssyncset.done $0x0  }
0xc5: {  	s16 =	sadd.s32 $0x5000, s6;
	[sflag:s24] =	ssyncadd.s32 $0xFFFFF800  }
0xc6: {  	[spmem:s3] =	stream.indirect.scatter.add.f32 [tilespmem:s11], [sflag:$0x9], $0x10, s16, s15, $0xb8;
	[tilespmem:$0xB800] =	vst v63  }
0xc7: {  	_ =	swait.ge [sflag:s25], $0x800  }
0xc8: {  	[sflag:s25] =	ssyncset.done $0x0  }
0xc9: {  	s11 =	sadd.s32 $0x5080, s6;
	[sflag:s25] =	ssyncadd.s32 $0xFFFFF800  }
0xca: {  	[spmem:s3] =	stream.indirect.scatter.add.f32 [tilespmem:s12], [sflag:$0xA], $0x10, s11, s15, $0xb8;
	[tilespmem:$0xB800] =	vst v63  }
0xcb: {  	_ =	swait.ge [sflag:s26], $0x800  }
0xcc: {  	[sflag:s26] =	ssyncset.done $0x0  }
0xcd: {  	s16 =	sadd.s32 $0x5100, s6;
	[sflag:s26] =	ssyncadd.s32 $0xFFFFF800  }
0xce: {  	[spmem:s3] =	stream.indirect.scatter.add.f32 [tilespmem:s18], [sflag:$0xB], $0x10, s16, s15, $0xb8;
	[tilespmem:$0xB800] =	vst v63  }
0xcf: {  	_ =	swait.ge [sflag:s28], $0x800  }
0xd0: {  	[sflag:s28] =	ssyncset.done $0x0  }
0xd1: {  	s11 =	sadd.s32 $0x5180, s6;
	[sflag:s28] =	ssyncadd.s32 $0xFFFFF800  }
0xd2: {  	[spmem:s3] =	stream.indirect.scatter.add.f32 [tilespmem:s19], [sflag:$0xC], $0x10, s11, s15, $0xb8;
	[tilespmem:$0xB800] =	vst v63  }
0xd3: {  	_ =	swait.ge [sflag:s29], $0x800  }
0xd4: {  	[sflag:s29] =	ssyncset.done $0x0  }
0xd5: {  	s12 =	sadd.s32 $0x5200, s6;
	[sflag:s29] =	ssyncadd.s32 $0xFFFFF800  }
0xd6: {  	[spmem:s3] =	stream.indirect.scatter.add.f32 [tilespmem:s20], [sflag:$0xD], $0x10, s12, s15, $0xb8;
	[tilespmem:$0xB800] =	vst v63  }
0xd7: {  	_ =	swait.ge [sflag:s30], $0x800  }
0xd8: {  	[sflag:s30] =	ssyncset.done $0x0  }
0xd9: {  	s16 =	sadd.s32 $0x5280, s6;
	[sflag:s30] =	ssyncadd.s32 $0xFFFFF800  }
0xda: {  	[spmem:s3] =	stream.indirect.scatter.add.f32 [tilespmem:s21], [sflag:$0xE], $0x10, s16, s15, $0xb8;
	[tilespmem:$0xB800] =	vst v63  }
0xdb: {  	_ =	swait.ge [sflag:s31], $0x800  }
0xdc: {  	[sflag:s31] =	ssyncset.done $0x0  }
0xdd: {  	s11 =	sadd.s32 $0x5300, s6;
	[sflag:s31] =	ssyncadd.s32 $0xFFFFF800  }
0xde: {  	[spmem:s3] =	stream.indirect.scatter.add.f32 [tilespmem:s22], [sflag:$0xF], $0x10, s11, s15, $0xb8;
	[tilespmem:$0xB800] =	vst v63  }
0xdf: {  	_ =	swait.ge [sflag:s1], $0x800  }
0xe0: {  	[sflag:s1] =	ssyncset.done $0x0  }
0xe1: {  	s12 =	sadd.s32 $0x5380, s6;
	[sflag:s1] =	ssyncadd.s32 $0xFFFFF800  }
0xe2: {  	[spmem:s3] =	stream.indirect.scatter.add.f32 [tilespmem:s23], [sflag:$0x10], $0x10, s12, s15, $0xb8;
	[tilespmem:$0xB800] =	vst v63  }
0xe3: {  	_ =	swait.ge [sflag:s0], $0x800  }
0xe4: {  	[sflag:s0] =	ssyncset.done $0x0  }
0xe5: {  	[sflag:s0] =	ssyncadd.s32 $0xFFFFF800  }
0xe6: {  	_ =	swait.ge [sflag:s2], $0x800  }
0xe7: {  	[sflag:s2] =	ssyncset.done $0x0  }
0xe8: {  	[sflag:s2] =	ssyncadd.s32 $0xFFFFF800  }
0xe9: {  	_ =	swait.ge [sflag:s13], $0x800  }
0xea: {  	[sflag:s13] =	ssyncset.done $0x0  }
0xeb: {  	[sflag:s13] =	ssyncadd.s32 $0xFFFFF800  }
0xec: {  	_ =	swait.ge [sflag:s14], $0x800  }
0xed: {  	[sflag:s14] =	ssyncset.done $0x0  }
0xee: {  	[sflag:s14] =	ssyncadd.s32 $0xFFFFF800  }
0xef: {  	_ =	swait.ge [sflag:s4], $0x800  }
0xf0: {  	[sflag:s4] =	ssyncset.done $0x0  }
0xf1: {  	[sflag:s4] =	ssyncadd.s32 $0xFFFFF800  }
0xf2: {  	_ =	swait.ge [sflag:s7], $0x800  }
0xf3: {  	[sflag:s7] =	ssyncset.done $0x0  }
0xf4: {  	[sflag:s7] =	ssyncadd.s32 $0xFFFFF800  }
0xf5: {  	_ =	swait.ge [sflag:s8], $0x800  }
0xf6: {  	[sflag:s8] =	ssyncset.done $0x0  }
0xf7: {  	[sflag:s8] =	ssyncadd.s32 $0xFFFFF800  }
0xf8: {  	_ =	swait.ge [sflag:s9], $0x800  }
0xf9: {  	[sflag:s9] =	ssyncset.done $0x0  }
0xfa: {  	[sflag:s9] =	ssyncadd.s32 $0xFFFFF800  }
0xfb: {  	[bflag:$0x0] =	sbarrier.arrive $0xFFFF  }
0xfc: {  	s10 =	rddreg [dreg:$0x4]  }
0xfd: {  	s16 =	rddreg [dreg:$0x7]  }
0xfe: {  	s12 =	simm.s32 $0x11;
	s11 =	rddreg [dreg:$0x9]  }
0xff: {  	[hbm:s16], [sflag:s10] =	dma.local [spmem:s11], $0x500  }
0x100: {  	_ =	swait.ge [sflag:s12], $0x500  }
0x101: {  	s16 =	rddreg [dreg:$0xa]  }
0x102: {  	s6 =	rddreg [dreg:$0x8];
	s16 =	sadd.s32 $0x1, s16  }
0x103: {  	p0 =	sne.s32 s16, s6  }
.Ltmp1:
0x104: {  	_ = 	snop;
	(pc) =	sbr.rel @p0 .LBB2_1-.Ltmp1, $3  }
0x105: {  	_ =	sdelay $0x1  }
0x106: {  	[sflag:s12] =	ssyncset.done $0x0  }
0x107: {  	[sflag:s12] =	ssyncadd.s32 $0xFFFFFB00  }
0x108: {  	_ =	sfence.sel $0x180000  }
0x109: {  	[bflag:$0x0] =	sbarrier.arrive $0xFFFF  }
0x10a: {  	_ =	strace $0x9000004D  }
0x10b: {  	s0 =	stileid.u32;
	[bflag:$0x2] =	sbarrier.arrive $0xFFFF  }
0x10c: {  	p0 =	sne.s32 s0, $0x0;
	s0 =	rddreg [dreg:$0x3]  }
0x10d: {  	s0 =	sadd.s32 @!p0 $0x100000, s0  }
0x10e: {  	[sflag:s0] =	ssyncadd.tile.s32 @!p0 $0x1;
	_ =	shalt  }
.Lfunc_end2:
_tile_overlayer_lowered:
.L_overlay_start_2:
0x10f: {  	(tag) =	ssettag $0x2  }
0x110: {  	s0 =	rddreg [dreg:$0x0];
	s2 =	stileid.u32  }
0x111: {  	s1 =	rddreg [dreg:$0x1];
	p0 =	sne.s32 s2, $0x0  }
0x112: {  	s3 =	rddreg [dreg:$0x2];
	[bflag:$0x3] =	sbarrier.arrive $0xFFFF;
	s2 =	simm.s32 @!p0 $0x1C11  }
0x113: {  	[timem:s3], [sflag:s2] =	dma.local @!p0 [hbm:s0], s1  }
0x114: {  	s0 =	simm.s32 @!p0 $0x11  }
0x115: {  	_ =	swait.ge @!p0 [sflag:s0], s1  }
0x116: {  	s1 =	ssub.s32 @!p0 $0x0, s1;
	[sflag:s0] =	ssyncset.done @!p0 $0x0  }
0x117: {  	[sflag:s0] =	ssyncadd.s32 @!p0 s1  }
0x118: {  	[bflag:$0x3] =	sbarrier.arrive $0xFFFF  }
0x119: {  	_ =	shalt  }

// kernel: kernel.8.cloned.1.call-start
scs
__scs_entry_jumppad:
0x0: {  	(pc) =	sbr.rel $0x88, $3  }
0x1: {  	(tag) =	ssettag $0x0;
	lr =	simm.s32 $0x1  }
0x2: {  	[smem:$0x3F9B] =	sst lr;
	_ =	strace $0xD0000000  }
0x3: {  	_ = 	snop  }
0x4: {  	_ = 	snop  }
0x5: {  	_ = 	snop  }
0x6: {  	_ = 	snop  }
0x7: {  	_ = 	snop  }
__scs_overlays_trampoline_lowered:
0x8: {  	[smem:$0x3FAA] =	sst s0  }
0x9: {  	[smem:$0x3FAB] =	sst s1  }
0xa: {  	[smem:$0x3FAC] =	sst s2  }
0xb: {  	[smem:$0x3FAD] =	sst s3  }
0xc: {  	[smem:$0x3FAE] =	sst s4  }
0xd: {  	[smem:$0x3FAF] =	sst s5  }
0xe: {  	[smem:$0x3FB0] =	sst s6  }
0xf: {  	[smem:$0x3FB1] =	sst s7  }
0x10: {  	[smem:$0x3FB2] =	sst s8  }
0x11: {  	[smem:$0x3FB3] =	sst s9;
	s0 =	simm.s32 @!p0 $0x0  }
0x12: {  	s1 =	sld [smem:$0x3F99];
	s0 =	simm.s32 @p0 $0x1  }
0x13: {  	[smem:$0x3FB4] =	sst s0;
	s0 =	simm.s32 @!p1 $0x0  }
0x14: {  	s2 =	sld [smem:$0x3F98];
	s0 =	simm.s32 @p1 $0x1  }
0x15: {  	[smem:$0x3FB5] =	sst s0;
	s0 =	simm.s32 @!p2 $0x0  }
0x16: {  	s3 =	sld [smem:$0x3FDB];
	s0 =	simm.s32 @p2 $0x1  }
0x17: {  	s4 =	simm.s32 $0x1BF5;
	[smem:$0x3FB7] =	sst s0  }
0x18: {  	s0 =	sld [smem:$0x3F9A];
	_ =	swait.ge [sflag:s4], $0x0  }
0x19: {  	s7 =	sld [smem:$0x3F9B]  }
0x1a: {  	s8 =	sadd.s32 $0xFFFFE003, lr  }
0x1b: {  	s9 =	sadd.s32 $0xFFFFFEF7, lr;
	s5 =	simm.s32 $0xFFFFFFFF;
	p2 =	slt.u32 s8, $0xFFFFF086  }
0x1c: {  	p1 =	slt.u32 s9, $0xF7A;
	s5 =	simm.s32 @!p2 $0x0  }
0x1d: {  	s5 =	simm.s32 @p1 $0x1;
	p0 =	seq.s32 s7, s2  }
0x1e: {  	s7 =	smul.u32 @!p0 $0xF7A, s2;
	p2 =	seq.s32 @!p0 s5, $0x0  }
0x1f: {  	s9 =	smul.u32 $0xF7A, s1;
	s8 =	simm.s32 @!p0 $0x1BF5;
	p2 =	por !p2, p0  }
0x20: {  	[sflag:s8] =	ssyncset.s32 @!p0 $0xFFFFF086;
	s6 =	sadd.s32 @!p0 s3, s7;
	s7 =	simm.s32 @!p0 $0x108  }
0x21: {  	s3 =	sadd.s32 s3, s9;
	s6 =	sadd.s32 @!p0 $0x88, s6;
	s7 =	simm.s32 @p2 $0x1082  }
0x22: {  	[simem:s7], [sflag:s8] =	dma.local @!p0 [hbm:s6], $0xF7A  }
0x23: {  	s9 =	sor.u32 $0xD0000000, s2;
	s6 =	simm.s32 $0x108;
	_ =	swait.ge @!p0 [sflag:s8], $0x0  }
0x24: {  	s3 =	sadd.s32 $0x88, s3;
	s6 =	simm.s32 @!p1 $0x1082;
	[sflag:s4] =	ssyncset.s32 $0xFFFFF086  }
0x25: {  	[simem:s6], [sflag:s4] =	dma.local [hbm:s3], $0xF7A  }
0x26: {  	[smem:$0x3F9B] =	sst s1;
	(tag) =	ssettag s2;
	_ =	strace s9  }
0x27: {  	s1 =	sld [smem:$0x3FAB]  }
0x28: {  	s2 =	sld [smem:$0x3FAC]  }
0x29: {  	s4 =	sld [smem:$0x3FAE]  }
0x2a: {  	p0 =	seq.s32 s5, $0x0;
	s5 =	sld [smem:$0x3FAF]  }
0x2b: {  	s6 =	sld [smem:$0x3FB0]  }
0x2c: {  	s7 =	sld [smem:$0x3FB1]  }
0x2d: {  	s3 =	simm.s32 $0x108;
	s8 =	sld [smem:$0x3FB2]  }
0x2e: {  	s3 =	simm.s32 @!p0 $0x1082;
	s9 =	sld [smem:$0x3FB3]  }
0x2f: {  	lr =	sadd.s32 s0, s3;
	s0 =	sld [smem:$0x3FAA]  }
0x30: {  	s3 =	sld [smem:$0x3FAD]  }
0x31: {  	[smem:$0x3FB6] =	sst s10  }
0x32: {  	s10 =	sld [smem:$0x3FB4];
	_ =	sdelay $0x3  }
0x33: {  	p0 =	seq.s32 s10, $0x1;
	s10 =	sld [smem:$0x3FB6];
	_ =	sdelay $0x3  }
0x34: {  	[smem:$0x3FB6] =	sst s10  }
0x35: {  	s10 =	sld [smem:$0x3FB5];
	_ =	sdelay $0x3  }
0x36: {  	p1 =	seq.s32 s10, $0x1;
	s10 =	sld [smem:$0x3FB6];
	_ =	sdelay $0x3  }
0x37: {  	[smem:$0x3FB6] =	sst s10  }
0x38: {  	s10 =	sld [smem:$0x3FB7]  }
0x39: {  	_ = 	snop;
	(pc) =	sbr.ind lr, $3  }
0x3a: {  	_ = 	snop  }
0x3b: {  	_ = 	snop  }
0x3c: {  	p2 =	seq.s32 s10, $0x1;
	s10 =	sld [smem:$0x3FB6]  }
0x3d: {  	_ =	shalt  }
0x3e: {  	_ =	shalt  }
0x3f: {  	_ =	shalt  }
0x40: {  	_ =	shalt  }
0x41: {  	_ =	shalt  }
0x42: {  	_ =	shalt  }
0x43: {  	_ =	shalt  }
0x44: {  	_ =	shalt  }
0x45: {  	_ =	shalt  }
0x46: {  	_ =	shalt  }
0x47: {  	_ =	shalt  }
0x48: {  	_ =	shalt  }
0x49: {  	_ =	shalt  }
0x4a: {  	_ =	shalt  }
0x4b: {  	_ =	shalt  }
0x4c: {  	_ =	shalt  }
0x4d: {  	_ =	shalt  }
0x4e: {  	_ =	shalt  }
0x4f: {  	_ =	shalt  }
0x50: {  	_ =	shalt  }
0x51: {  	_ =	shalt  }
0x52: {  	_ =	shalt  }
0x53: {  	_ =	shalt  }
0x54: {  	_ =	shalt  }
0x55: {  	_ =	shalt  }
0x56: {  	_ =	shalt  }
0x57: {  	_ =	shalt  }
0x58: {  	_ =	shalt  }
0x59: {  	_ =	shalt  }
0x5a: {  	_ =	shalt  }
0x5b: {  	_ =	shalt  }
0x5c: {  	_ =	shalt  }
0x5d: {  	_ =	shalt  }
0x5e: {  	_ =	shalt  }
0x5f: {  	_ =	shalt  }
0x60: {  	_ =	shalt  }
0x61: {  	_ =	shalt  }
0x62: {  	_ =	shalt  }
0x63: {  	_ =	shalt  }
0x64: {  	_ =	shalt  }
0x65: {  	_ =	shalt  }
0x66: {  	_ =	shalt  }
0x67: {  	_ =	shalt  }
0x68: {  	_ =	shalt  }
0x69: {  	_ =	shalt  }
0x6a: {  	_ =	shalt  }
0x6b: {  	_ =	shalt  }
0x6c: {  	_ =	shalt  }
0x6d: {  	_ =	shalt  }
0x6e: {  	_ =	shalt  }
0x6f: {  	_ =	shalt  }
0x70: {  	_ =	shalt  }
0x71: {  	_ =	shalt  }
0x72: {  	_ =	shalt  }
0x73: {  	_ =	shalt  }
0x74: {  	_ =	shalt  }
0x75: {  	_ =	shalt  }
0x76: {  	_ =	shalt  }
0x77: {  	_ =	shalt  }
0x78: {  	_ =	shalt  }
0x79: {  	_ =	shalt  }
0x7a: {  	_ =	shalt  }
0x7b: {  	_ =	shalt  }
0x7c: {  	_ =	shalt  }
0x7d: {  	_ =	shalt  }
0x7e: {  	_ =	shalt  }
0x7f: {  	_ =	shalt  }
0x80: {  	_ =	shalt  }
0x81: {  	_ =	shalt  }
0x82: {  	_ =	shalt  }
0x83: {  	_ =	shalt  }
0x84: {  	_ =	shalt  }
0x85: {  	_ =	shalt  }
0x86: {  	_ =	shalt  }
0x87: {  	_ =	shalt  }
.Lfunc_end0:
.L_simem_size_0:
called_computation_lowered:
.L_overlay_start_0:
0x88: {  	s2 =	sld [smem:$0x3FD9]  }
0x89: {  	s3 =	sld [smem:$0x3FFE];
	_ =	sdelay $0x1  }
0x8a: {  	s1 =	srdreg.scid  }
0x8b: {  	s0 =	sand.u32 $0x1, s1  }
0x8c: {  	s16 =	sshll.u32 s0, $0xA;
	s2 =	sadd.s32 s3, s2  }
0x8d: {  	s2 =	sadd.s32 s2, s16  }
0x8e: {  	[smem:$0x3FC2] =	sst s2  }
0x8f: {  	_ = 	snop  }
0x90: {  	(tm) =	ssettm $0x1  }
0x91: {  	s17 =	sld [smem:$0x3FFB];
	_ =	sdelay $0x3  }
0x92: {  	_ =	strace s17  }
0x93: {  	s2 =	sld [smem:$0x3FFC];
	_ =	sdelay $0x3  }
0x94: {  	_ =	strace s2  }
0x95: {  	s2 =	sld [smem:$0x3FFD];
	_ =	sdelay $0x3  }
0x96: {  	_ =	strace s2  }
0x97: {  	_ =	strace $0x8FFFFFFF  }
0x98: {  	s18 =	sld [smem:$0x3FDB];
	_ =	sdelay $0x1  }
0x99: {  	s19 =	simm.s32 $_scs_section_size  }
0x9a: {  	s4 =	simm.s32 $_size__tile_overlayer_lowered;
	s5 =	simm.s32 $_tile_overlayer_lowered  }
0x9b: {  	s22 =	simm.s32 $0x1BFF;
	s21 =	sshll.u32 s5, $0x1;
	s2 =	sadd.s32 s19, s18  }
0x9c: {  	s6 =	simm.s32 $0x0;
	s20 =	sshll.u32 s4, $0x1;
	s4 =	sadd.s32 s21, s2  }
0x9d: {  	[timem:s6], [sflag:s22] =	dma.local [hbm:s4], s20  }
0x9e: {  	_ =	swait.ge [sflag:s22], s20  }
0x9f: {  	s3 =	ssub.s32 $0x0, s20;
	[sflag:s22] =	ssyncset.done $0x0  }
0xa0: {  	[sflag:s22] =	ssyncadd.s32 s3;
	_ =	sdelay $0x1  }
0xa1: {  	s23 =	simm.s32 $0x1B8B  }
0xa2: {  	_ =	swait.ge [sflag:s23], $0x1  }
0xa3: {  	[sflag:s23] =	ssyncset.done $0x0  }
0xa4: {  	s25 =	simm.s32 $0x1B8E;
	s24 =	sld [smem:$0x3FFE];
	[sflag:s23] =	ssyncadd.s32 $0xFFFFFFFF  }
0xa5: {  	s26 =	simm.s32 $execute0_lowered;
	[smem:$0x3FD2] =	sst s25  }
0xa6: {  	s4 =	sshll.u32 s26, $0x1;
	_ =	strace $0x80000046;
	[dreg:$0x1] =	wrdreg $0xFFFFFFFF  }
0xa7: {  	s28 =	simm.s32 $_size_execute0_lowered;
	s2 =	sadd.s32 s2, s4;
	[dreg:$0x0] =	wrdreg $0x0  }
0xa8: {  	s4 =	sshll.u32 s28, $0x1;
	[dreg:$0x2] =	wrdreg s2  }
0xa9: {  	[dreg:$0x3] =	wrdreg s4  }
0xaa: {  	[dreg:$0x4] =	wrdreg $0xC0  }
0xab: {  	_ =	task [dreg:s6], $0x5FFFF  }
0xac: {  	[dreg:$0x1] =	wrdreg $0xFFFFFFFF  }
0xad: {  	[dreg:$0x0] =	wrdreg $0x60  }
0xae: {  	[dreg:$0x2] =	wrdreg s24  }
0xaf: {  	[dreg:$0x3] =	wrdreg $0x9  }
0xb0: {  	_ =	task.clear_ibuf [dreg:s6], $0x4FFFF;
	_ =	strace $0x90000046  }
0xb1: {  	s29 =	simm.s32 $0x9;
	_ =	strace $0x80000048  }
0xb2: {  	_ =	swait.ge [sflag:s29], $0x1  }
0xb3: {  	[sflag:s29] =	ssyncadd.s32 $0xFFFFFFFF  }
0xb4: {  	_ =	strace $0x90000048  }
0xb5: {  	_ =	sfence  }
0xb6: {  	s30 =	sld [smem:$0x0];
	_ =	sdelay $0x2  }
0xb7: {  	s31 =	sshll.u32 s1, $0xD;
	s1 =	sshrl.u32 s1, $0x2  }
0xb8: {  	s3 =	sand.u32 $0x4000, s31;
	s1 =	sadd.s32 s1, s30  }
0xb9: {  	s0 =	sor.u32 s3, s0;
	s1 =	sshll.u32 s1, $0x11  }
0xba: {  	s0 =	sor.u32 s1, s0  }
0xbb: {  	s0 =	sadd.s32 $0x8F2B, s0  }
0xbc: {  	[sflag:s0] =	ssyncadd.remote.s32 $0x1  }
0xbd: {  	_ =	sfence.sel $0xFFFF  }
0xbe: {  	[dreg:$0x0] =	wrdreg $0xFFFFFFFF;
	(pc) =	sbr.abs _section_cstart, $3  }
0xbf: {  	[dreg:$0x1] =	wrdreg $0xFFFFFFFF  }
0xc0: {  	_ =	task.clear_ibuf [dreg:s6], $0x2FFFF;
	_ =	strace $0x9FFFFFFF  }
0xc1: {  	(tm) =	ssettm $0x7FFFFFFF  }
tec
execute0_lowered:
.L_overlay_start_1:
0x0: {  	(tag) =	ssettag $0x1  }
0x1: {  	s0 =	srdreg.scid  }
0x2: {  	s4 =	rddreg [dreg:$0x0];
	s2 =	simm.s32 $0x0;
	s3 =	sand.u32 $0x1, s0  }
0x3: {  	s8 =	simm.s32 $0x80;
	s0 =	stileid.u32;
	s1 =	sshll.u32 s3, $0x4  }
0x4: {  	s9 =	simm.s32 $0x400;
	s10 =	simm.s32 $0x0;
	s5 =	sor.u32 s0, s1  }
0x5: {  	[smem:$0x7FF] =	sst s2;
	s7 =	sshll.u32 s0, $0x7;
	s6 =	sshrl.u32 s5, $0x3  }
0x6: {  	s3 =	ssub.s32 $0x2, s3;
	s1 =	rddreg [dreg:$0x1];
	s6 =	smul.u32 $0x14000, s6  }
0x7: {  	s7 =	sand.u32 $0x380, s7;
	s30 =	sshrl.u32 s3, $0x1;
	s5 =	smul.u32 $0x2800, s5  }
0x8: {  	_ =	strace $0x80000047;
	s31 =	ssub.s32 s3, s30;
	s6 =	sor.u32 s7, s6  }
0x9: {  	s5 =	sshrl.u32 s5, $0x3;
	s7 =	simm.s32 $0x1;
	s6 =	sshrl.u32 s6, $0x3  }
0xa: {  	s6 =	sadd.s32 s6, s4;
	s4 =	sadd.s32 s4, s5;
	s5 =	smax.u32 s31, $0x1  }
0xb: {  	v0 =	vimm.f32 $0.0e+00;
	v1 =	vimm.f32 $1.000000000e+00;
	s3 =	sadd.s32 $0xC400, s4;
	s4 =	sadd.s32 $0x16400, s6;
	s6 =	simm.s32 $0x2800  }
.LBB2_1:
0xc: {  	[tilespmem:s6], [sflag:$0x1] =	stream.linear.gather [hbm4b:s3+s2], $0x2800, $0x38;
	[tilespmem:$0x5000] =	vst v63  }
0xd: {  	_ =	swait.ge [sflag:s7], $0x2800  }
0xe: {  	[sflag:s7] =	ssyncset.done $0x0  }
0xf: {  	s11 =	simm.s32 $0x0;
	[sflag:s7] =	ssyncadd.s32 $0xFFFFD800  }
.LBB2_2:
0x10: {  	p0 =	sne.s32 s11, $0x9FC0  }
.Ltmp0:
0x11: {  	_ = 	snop;
	(pc) =	sbr.rel @p0 .LBB2_2-.Ltmp0, $3  }
0x12: {  	_ =	sdelay $0x1  }
0x13: {  	s12 =	sshra.s32 s11, $0x2  }
0x14: {  	s11 =	sadd.s32 $0x40, s11;
	[tilespmem:s12+$0x0] =	vst v0  }
0x15: {  	s11 =	simm.s32 $0x0  }
.LBB2_4:
0x16: {  	s12 =	sshra.s32 s11, $0x2  }
0x17: {  	v2 =	vld [tilespmem:s12+$0x2800];
	_ =	sdelay $0x7  }
0x18: {  	[tilespmem:v2+s2+$0x0] =	vst.idx.add.f32.msk $0xffff, v1  }
0x19: {  	v2 =	vld [tilespmem:s12+$0x2810];
	_ =	sdelay $0x7  }
0x1a: {  	[tilespmem:v2+s2+$0x0] =	vst.idx.add.f32.msk $0xffff, v1  }
0x1b: {  	v2 =	vld [tilespmem:s12+$0x2820];
	_ =	sdelay $0x7  }
0x1c: {  	[tilespmem:v2+s2+$0x0] =	vst.idx.add.f32.msk $0xffff, v1  }
0x1d: {  	v2 =	vld [tilespmem:s12+$0x2830];
	_ =	sdelay $0x7  }
0x1e: {  	[tilespmem:v2+s2+$0x0] =	vst.idx.add.f32.msk $0xffff, v1  }
0x1f: {  	v2 =	vld [tilespmem:s12+$0x2840];
	_ =	sdelay $0x7  }
0x20: {  	[tilespmem:v2+s2+$0x0] =	vst.idx.add.f32.msk $0xffff, v1  }
0x21: {  	v2 =	vld [tilespmem:s12+$0x2850];
	_ =	sdelay $0x7  }
0x22: {  	[tilespmem:v2+s2+$0x0] =	vst.idx.add.f32.msk $0xffff, v1  }
0x23: {  	v2 =	vld [tilespmem:s12+$0x2860];
	_ =	sdelay $0x7  }
0x24: {  	[tilespmem:v2+s2+$0x0] =	vst.idx.add.f32.msk $0xffff, v1  }
0x25: {  	v2 =	vld [tilespmem:s12+$0x2870];
	_ =	sdelay $0x2  }
0x26: {  	p0 =	sne.s32 s11, $0x9E00  }
.Ltmp1:
0x27: {  	_ = 	snop;
	(pc) =	sbr.rel @p0 .LBB2_4-.Ltmp1, $2  }
0x28: {  	_ =	sdelay $0x2  }
0x29: {  	s11 =	sadd.s32 $0x200, s11;
	[tilespmem:v2+s2+$0x0] =	vst.idx.add.f32.msk $0xffff, v1  }
0x2a: {  	s10 =	sadd.s32 $0x1, s10  }
0x2b: {  	p0 =	sne.s32 s10, s5  }
.Ltmp2:
0x2c: {  	_ = 	snop;
	(pc) =	sbr.rel @p0 .LBB2_1-.Ltmp2, $4  }
0x2d: {  	[hbm4b:s4+s8] =	stream.strided.scatter [tilespmem:s2], [sflag:$0x1], $0x2800, s9, s8, $0x38;
	[tilespmem:$0x5000] =	vst v63  }
0x2e: {  	_ =	swait.ge [sflag:s7], $0x2800  }
0x2f: {  	[sflag:s7] =	ssyncset.done $0x0  }
0x30: {  	[sflag:s7] =	ssyncadd.s32 $0xFFFFD800  }
0x31: {  	_ =	sfence.sel $0x180000  }
0x32: {  	[bflag:$0x0] =	sbarrier.arrive $0xFFFF  }
0x33: {  	p0 =	sne.s32 s0, $0x0;
	_ =	strace $0x90000047  }
0x34: {  	s0 =	sadd.s32 @!p0 $0x100000, s1;
	[bflag:$0x2] =	sbarrier.arrive $0xFFFF  }
0x35: {  	[sflag:s0] =	ssyncadd.tile.s32 @!p0 $0x1;
	_ =	shalt  }
.Lfunc_end2:
_tile_overlayer_lowered:
.L_overlay_start_2:
0x36: {  	(tag) =	ssettag $0x2  }
0x37: {  	s0 =	rddreg [dreg:$0x0];
	s2 =	stileid.u32  }
0x38: {  	s1 =	rddreg [dreg:$0x1];
	p0 =	sne.s32 s2, $0x0  }
0x39: {  	s3 =	rddreg [dreg:$0x2];
	[bflag:$0x3] =	sbarrier.arrive $0xFFFF;
	s2 =	simm.s32 @!p0 $0x1C01  }
0x3a: {  	[timem:s3], [sflag:s2] =	dma.local @!p0 [hbm:s0], s1  }
0x3b: {  	s0 =	simm.s32 @!p0 $0x1  }
0x3c: {  	_ =	swait.ge @!p0 [sflag:s0], s1  }
0x3d: {  	s1 =	ssub.s32 @!p0 $0x0, s1;
	[sflag:s0] =	ssyncset.done @!p0 $0x0  }
0x3e: {  	[sflag:s0] =	ssyncadd.s32 @!p0 s1  }
0x3f: {  	[bflag:$0x3] =	sbarrier.arrive $0xFFFF  }
0x40: {  	_ =	shalt  }

</sc_bundles>
